<compile_context>
chip_gen: v7x
topology: tpu7x:2x2x1
jax: 0.10.2.dev20260603
libtpu: 0.0.44.dev20260713+nightly
codegen_flags: <defaults>
</compile_context>

<pallas_src>
import functools

import jax
import jax.numpy as jnp
from jax import lax
from jax.experimental import pallas as pl
from jax.experimental.pallas import tpu as pltpu
from jax.experimental.pallas import tpu_sc as plsc

C_IN = 65
K1 = 128
H1, H2, H3, C_OUT = 1024, 512, 256, 22
TOPK = 8
T_TILE = 2048
LANES = 16


def _mlp_body(x_ref, w1_ref, w2_ref, b2_ref, w3_ref, b3_ref,
              w4_ref, b4_ref, z_ref):
    def dot(a, b):
        return jnp.dot(a, b, preferred_element_type=jnp.float32)

    x = x_ref[0]
    pad = jnp.zeros((K1 - C_IN - 1, T_TILE), jnp.float32)
    ones = jnp.ones((1, T_TILE), jnp.float32)
    xp = jnp.concatenate([x, ones, pad], axis=0)
    h = jnp.maximum(dot(w1_ref[...], xp), 0.0)
    h = jnp.maximum(dot(w2_ref[...], h) + b2_ref[...], 0.0)
    h = jnp.maximum(dot(w3_ref[...], h) + b3_ref[...], 0.0)
    z_ref[0] = dot(w4_ref[...], h) + b4_ref[...]


def _mlp_logits(input, W1, b1, W2, b2, W3, b3, W4, b4, b0, Bc):
    B, C, T = input.shape
    nt = T // T_TILE
    grid = (Bc, nt)
    return pl.pallas_call(
        _mlp_body,
        grid=grid,
        in_specs=[
            pl.BlockSpec((1, C_IN, T_TILE), lambda b, t: (b + b0, 0, t)),
            pl.BlockSpec((H1, K1), lambda b, t: (0, 0)),
            pl.BlockSpec((H2, H1), lambda b, t: (0, 0)),
            pl.BlockSpec((H2, 1), lambda b, t: (0, 0)),
            pl.BlockSpec((H3, H2), lambda b, t: (0, 0)),
            pl.BlockSpec((H3, 1), lambda b, t: (0, 0)),
            pl.BlockSpec((C_OUT, H3), lambda b, t: (0, 0)),
            pl.BlockSpec((C_OUT, 1), lambda b, t: (0, 0)),
        ],
        out_specs=pl.BlockSpec((1, C_OUT, T_TILE), lambda b, t: (b, 0, t)),
        out_shape=jax.ShapeDtypeStruct((Bc, C_OUT, T), jnp.float32),
    )(
        input,
        jnp.concatenate(
            [W1.T, b1.reshape(H1, 1), jnp.zeros((H1, K1 - C_IN - 1),
                                                jnp.float32)], axis=1),
        W2.T, b2.reshape(H2, 1),
        W3.T, b3.reshape(H3, 1),
        W4.T, b4.reshape(C_OUT, 1),
    )


def _topk_slab(zb, width):
    ngroups = width // LANES

    def group(g, _):
        sl = pl.ds(g * LANES, LANES)
        zs = [zb[j, sl] for j in range(C_OUT)]
        neg = jnp.full((LANES,), -jnp.inf, jnp.float32)
        m = [neg] * TOPK
        for j in range(C_OUT):
            x = zs[j]
            for k in range(TOPK):
                hi = jnp.maximum(m[k], x)
                x = jnp.minimum(m[k], x)
                m[k] = hi
        t = m[TOPK - 1]
        cnt = jnp.zeros((LANES,), jnp.int32)
        for j in range(C_OUT):
            cnt = cnt + jnp.where(zs[j] > t, 1, 0)
        for j in range(C_OUT):
            eq = zs[j] == t
            take = jnp.logical_or(zs[j] > t,
                                  jnp.logical_and(eq, cnt < TOPK))
            zb[j, sl] = jnp.where(take, zs[j], 0.0)
            cnt = cnt + jnp.where(eq, 1, 0)
        return 0

    lax.fori_loop(0, ngroups, group, 0)


def _topk_mask(z):
    B, C, T = z.shape
    info = plsc.get_sparse_core_info()
    nw = info.num_cores * info.num_subcores
    sw = max(LANES, (B * T) // nw)
    sw = min(sw, T)
    nt = T // sw
    slabs_per_w = (B * nt) // nw
    mesh = plsc.VectorSubcoreMesh(core_axis_name="c", subcore_axis_name="s")

    @functools.partial(
        pl.kernel, mesh=mesh,
        out_type=jax.ShapeDtypeStruct((B, C, T), jnp.float32),
        scratch_types=[pltpu.VMEM((C_OUT, sw), jnp.float32)],
    )
    def k(z_hbm, out_hbm, zb):
        wid = lax.axis_index("s") * info.num_cores + lax.axis_index("c")
        for i in range(slabs_per_w):
            s = wid * slabs_per_w + i
            b = s // nt
            t0 = (s % nt) * sw
            pltpu.sync_copy(z_hbm.at[b, :, pl.ds(t0, sw)], zb)
            _topk_slab(zb, sw)
            pltpu.sync_copy(zb, out_hbm.at[b, :, pl.ds(t0, sw)])

    return k(z)


@jax.jit
def kernel(input, W1, b1, W2, b2, W3, b3, W4, b4):
    B = input.shape[0]
    G = 2
    Bc = B // G
    outs = []
    for g in range(G):
        z = _mlp_logits(input, W1, b1, W2, b2, W3, b3, W4, b4, g * Bc, Bc)
        outs.append(_topk_mask(z))
    return jnp.concatenate(outs, axis=0)

# --- scband reference (transcript-rebuilt; emitter-appended) ---
"""Pipeline reference for scband-channel-select-69724499083806 (READ-ONLY COPY).

The authoritative reference and input builder live on the scoring server;
editing this copy changes nothing except your own understanding.
"""

import jax, jax.numpy as jnp
import numpy as np


def setup_inputs(seed: int = 0) -> dict:
    key = jax.random.key(seed)
    ks = jax.random.split(key, 10)
    B, C, T = 64, 65, 2048
    def w(k, i, o):
        return (jax.random.normal(k, (i, o), dtype=jnp.float32) / np.sqrt(i)).astype(jnp.float32)
    inp = {}
    inp['input'] = jax.random.normal(ks[0], (B, C, T), dtype=jnp.float32)
    inp['W1'] = w(ks[1], 65, 1024)
    inp['b1'] = jnp.zeros((1024,), dtype=jnp.float32)
    inp['W2'] = w(ks[2], 1024, 512)
    inp['b2'] = jnp.zeros((512,), dtype=jnp.float32)
    inp['W3'] = w(ks[3], 512, 256)
    inp['b3'] = jnp.zeros((256,), dtype=jnp.float32)
    inp['W4'] = w(ks[4], 256, 22)
    inp['b4'] = jnp.zeros((22,), dtype=jnp.float32)
    return inp


def reference(input, W1, b1, W2, b2, W3, b3, W4, b4):
    # input: [B, 65, T] -> permute to [B, T, 65]
    x = jnp.transpose(input, (0, 2, 1))
    x = jax.nn.relu(x @ W1 + b1)
    x = jax.nn.relu(x @ W2 + b2)
    x = jax.nn.relu(x @ W3 + b3)
    x = x @ W4 + b4  # [B, T, 22]
    # NofM_custom with n=8 along channel dim (torch dim=1 after permute back == last dim here)
    n = 8
    val, ind = jax.lax.top_k(x, n)  # [B, T, 8]
    B, T, Cc = x.shape
    bi = jnp.arange(B)[:, None, None]
    ti = jnp.arange(T)[None, :, None]
    y = jnp.zeros_like(x)
    y = y.at[bi, ti, ind].set(val)
    # permute back to [B, 22, T]
    return jnp.transpose(y, (0, 2, 1))

if __name__ == "__main__":
    import jax
    _d = setup_inputs()
    print(jax.jit(kernel)(*tuple(_d.values())))

</pallas_src>

<mosaic_0001>
#map = affine_map<(d0, d1) -> (0, 0, 0)>
module attributes {stable_mosaic.version = 14 : i64} {
  func.func @k(%arg0: i32, %arg1: i32, %arg2: memref<32x22x2048xf32, #tpu.memory_space<hbm>>, %arg3: memref<32x22x2048xf32, #tpu.memory_space<hbm>>, %arg4: memref<22x2048xf32, #tpu.memory_space<vmem>>) attributes {dimension_semantics = [#tpu.dimension_semantics<core_parallel>, #tpu.dimension_semantics<subcore_parallel>], iteration_bounds = array<i64: 2, 16>, scalar_prefetch = 0 : i64, scratch_operands = 1 : i64, tpu.core_type = #tpu.core_type<sc_vector_subcore>, window_params = [{transform_indices = #map}, {transform_indices = #map}]} {
    %mul3A = arith.constant 2 : i32
    %mul3A_0 = arith.muli %arg1, %mul3A : i32
    %add3A = arith.addi %mul3A_0, %arg0 : i32
    %mul3A_1 = arith.constant 1 : i32
    %mul3A_2 = arith.muli %add3A, %mul3A_1 : i32
    %add3A_3 = arith.constant 0 : i32
    %add3A_4 = arith.addi %mul3A_2, %add3A_3 : i32
    %jit3A = arith.constant 1 : i32
    %div3A = arith.divsi %add3A_4, %jit3A : i32
    %sign3A = arith.constant 0 : i32
    %sign3A_5 = arith.cmpi sgt, %add3A_4, %sign3A : i32
    %sign3A_6 = arith.extui %sign3A_5 : i1 to i32
    %sign3A_7 = arith.constant 0 : i32
    %sign3A_8 = arith.cmpi slt, %add3A_4, %sign3A_7 : i32
    %sign3A_9 = arith.extui %sign3A_8 : i1 to i32
    %sign3A_10 = arith.subi %sign3A_6, %sign3A_9 : i32
    %sign3A_11 = arith.constant 0 : i32
    %sign3A_12 = arith.cmpi sgt, %jit3A, %sign3A_11 : i32
    %sign3A_13 = arith.extui %sign3A_12 : i1 to i32
    %sign3A_14 = arith.constant 0 : i32
    %sign3A_15 = arith.cmpi slt, %jit3A, %sign3A_14 : i32
    %sign3A_16 = arith.extui %sign3A_15 : i1 to i32
    %sign3A_17 = arith.subi %sign3A_13, %sign3A_16 : i32
    %ne3A = arith.cmpi ne, %sign3A_10, %sign3A_17 : i32
    %rem3A = arith.remsi %add3A_4, %jit3A : i32
    %ne3A_18 = arith.constant 0 : i32
    %ne3A_19 = arith.cmpi ne, %rem3A, %ne3A_18 : i32
    %and3A = arith.andi %ne3A, %ne3A_19 : i1
    %sub3A = arith.constant 1 : i32
    %sub3A_20 = arith.subi %div3A, %sub3A : i32
    %select_n3A = arith.select %and3A, %sub3A_20, %div3A : i32
    %jit3A_21 = arith.constant 1 : i32
    %eq3A = arith.constant 0 : i32
    %eq3A_22 = arith.cmpi eq, %jit3A_21, %eq3A : i32
    %jit3A_23 = arith.constant 1 : i32
    %select_n3A_24 = arith.select %eq3A_22, %jit3A_23, %jit3A_21 : i32
    %rem3A_25 = arith.remsi %add3A_4, %select_n3A_24 : i32
    %ne3A_26 = arith.constant 0 : i32
    %ne3A_27 = arith.cmpi ne, %rem3A_25, %ne3A_26 : i32
    %lt3A = arith.constant 0 : i32
    %lt3A_28 = arith.cmpi slt, %rem3A_25, %lt3A : i32
    %lt3A_29 = arith.constant 0 : i32
    %lt3A_30 = arith.cmpi slt, %select_n3A_24, %lt3A_29 : i32
    %ne3A_31 = arith.xori %lt3A_28, %lt3A_30 : i1
    %and3A_32 = arith.andi %ne3A_31, %ne3A_27 : i1
    %add3A_33 = arith.addi %rem3A_25, %select_n3A_24 : i32
    %select_n3A_34 = arith.select %and3A_32, %add3A_33, %rem3A_25 : i32
    %mul3A_35 = arith.constant 2048 : i32
    %mul3A_36 = arith.muli %select_n3A_34, %mul3A_35 : i32
    "tpu.region"() ({
      %run_scoped3A = tpu.sem_alloc : memref<!tpu.dma_semaphore, #tpu.memory_space<semaphore_mem>>
      %dma_start3A = arith.constant 0 : i32
      %dma_start3A_43 = tpu.memref_slice %arg2[%select_n3A, %dma_start3A, %mul3A_36] : memref<32x22x2048xf32, #tpu.memory_space<hbm>> -> memref<1x22x2048xf32, #tpu.memory_space<hbm>>
      %dma_start3A_44 = tpu.memref_squeeze %dma_start3A_43 : memref<1x22x2048xf32, #tpu.memory_space<hbm>> -> memref<22x2048xf32, #tpu.memory_space<hbm>>
      %dma_start3A_45 = arith.constant 0 : i32
      %dma_start3A_46 = tpu.memref_slice %arg2[%select_n3A, %dma_start3A_45, %mul3A_36] : memref<32x22x2048xf32, #tpu.memory_space<hbm>> -> memref<1x22x2048xf32, #tpu.memory_space<hbm>>
      %dma_start3A_47 = tpu.memref_squeeze %dma_start3A_46 : memref<1x22x2048xf32, #tpu.memory_space<hbm>> -> memref<22x2048xf32, #tpu.memory_space<hbm>>
      tpu.enqueue_dma source(%dma_start3A_47 : memref<22x2048xf32, #tpu.memory_space<hbm>>) target(%arg4 : memref<22x2048xf32, #tpu.memory_space<vmem>>) target_semaphore(%run_scoped3A : memref<!tpu.dma_semaphore, #tpu.memory_space<semaphore_mem>>)
      %dma_wait3A = arith.constant 0 : i32
      %dma_wait3A_48 = tpu.memref_slice %arg2[%select_n3A, %dma_wait3A, %mul3A_36] : memref<32x22x2048xf32, #tpu.memory_space<hbm>> -> memref<1x22x2048xf32, #tpu.memory_space<hbm>>
      %dma_wait3A_49 = tpu.memref_squeeze %dma_wait3A_48 : memref<1x22x2048xf32, #tpu.memory_space<hbm>> -> memref<22x2048xf32, #tpu.memory_space<hbm>>
      %dma_wait3A_50 = arith.constant 0 : i32
      %dma_wait3A_51 = tpu.memref_slice %arg2[%select_n3A, %dma_wait3A_50, %mul3A_36] : memref<32x22x2048xf32, #tpu.memory_space<hbm>> -> memref<1x22x2048xf32, #tpu.memory_space<hbm>>
      %dma_wait3A_52 = tpu.memref_squeeze %dma_wait3A_51 : memref<1x22x2048xf32, #tpu.memory_space<hbm>> -> memref<22x2048xf32, #tpu.memory_space<hbm>>
      tpu.wait_dma2 semaphore(%run_scoped3A : memref<!tpu.dma_semaphore, #tpu.memory_space<semaphore_mem>>) src(%dma_wait3A_52 : memref<22x2048xf32, #tpu.memory_space<hbm>>) dst(%arg4 : memref<22x2048xf32, #tpu.memory_space<vmem>>)
      tpu.yield
    }) : () -> ()
    %scan3A = arith.constant 0 : i32
    %scan3A_37 = arith.constant 0 : i32
    %scan3A_38 = arith.constant 128 : i32
    %scan3A_39 = arith.addi %scan3A_37, %scan3A_38 : i32
    %scan3A_40 = arith.constant 1 : i32
    %scan3A_41 = scf.for %scan3A_43 = %scan3A_37 to %scan3A_39 step %scan3A_40 iter_args(%scan3A_44 = %scan3A) -> (i32)  : i32 {
      %mul3A_45 = arith.constant 16 : i32
      %mul3A_46 = arith.muli %scan3A_43, %mul3A_45 : i32
      %get3A = arith.constant 0 : i32
      %get3A_47 = arith.index_cast %get3A : i32 to index
      %get3A_48 = arith.index_cast %mul3A_46 : i32 to index
      %get3A_49 = tpu.vector_load %arg4[%get3A_47, %get3A_48] {strides = array<i32>} : memref<22x2048xf32, #tpu.memory_space<vmem>>, vector<1x16xf32>,
      %get3A_50 = vector.shape_cast %get3A_49 : vector<1x16xf32> to vector<16xf32>
      %get3A_51 = arith.constant 1 : i32
      %get3A_52 = arith.index_cast %get3A_51 : i32 to index
      %get3A_53 = arith.index_cast %mul3A_46 : i32 to index
      %get3A_54 = tpu.vector_load %arg4[%get3A_52, %get3A_53] {strides = array<i32>} : memref<22x2048xf32, #tpu.memory_space<vmem>>, vector<1x16xf32>,
      %get3A_55 = vector.shape_cast %get3A_54 : vector<1x16xf32> to vector<16xf32>
      %get3A_56 = arith.constant 2 : i32
      %get3A_57 = arith.index_cast %get3A_56 : i32 to index
      %get3A_58 = arith.index_cast %mul3A_46 : i32 to index
      %get3A_59 = tpu.vector_load %arg4[%get3A_57, %get3A_58] {strides = array<i32>} : memref<22x2048xf32, #tpu.memory_space<vmem>>, vector<1x16xf32>,
      %get3A_60 = vector.shape_cast %get3A_59 : vector<1x16xf32> to vector<16xf32>
      %get3A_61 = arith.constant 3 : i32
      %get3A_62 = arith.index_cast %get3A_61 : i32 to index
      %get3A_63 = arith.index_cast %mul3A_46 : i32 to index
      %get3A_64 = tpu.vector_load %arg4[%get3A_62, %get3A_63] {strides = array<i32>} : memref<22x2048xf32, #tpu.memory_space<vmem>>, vector<1x16xf32>,
      %get3A_65 = vector.shape_cast %get3A_64 : vector<1x16xf32> to vector<16xf32>
      %get3A_66 = arith.constant 4 : i32
      %get3A_67 = arith.index_cast %get3A_66 : i32 to index
      %get3A_68 = arith.index_cast %mul3A_46 : i32 to index
      %get3A_69 = tpu.vector_load %arg4[%get3A_67, %get3A_68] {strides = array<i32>} : memref<22x2048xf32, #tpu.memory_space<vmem>>, vector<1x16xf32>,
      %get3A_70 = vector.shape_cast %get3A_69 : vector<1x16xf32> to vector<16xf32>
      %get3A_71 = arith.constant 5 : i32
      %get3A_72 = arith.index_cast %get3A_71 : i32 to index
      %get3A_73 = arith.index_cast %mul3A_46 : i32 to index
      %get3A_74 = tpu.vector_load %arg4[%get3A_72, %get3A_73] {strides = array<i32>} : memref<22x2048xf32, #tpu.memory_space<vmem>>, vector<1x16xf32>,
      %get3A_75 = vector.shape_cast %get3A_74 : vector<1x16xf32> to vector<16xf32>
      %get3A_76 = arith.constant 6 : i32
      %get3A_77 = arith.index_cast %get3A_76 : i32 to index
      %get3A_78 = arith.index_cast %mul3A_46 : i32 to index
      %get3A_79 = tpu.vector_load %arg4[%get3A_77, %get3A_78] {strides = array<i32>} : memref<22x2048xf32, #tpu.memory_space<vmem>>, vector<1x16xf32>,
      %get3A_80 = vector.shape_cast %get3A_79 : vector<1x16xf32> to vector<16xf32>
      %get3A_81 = arith.constant 7 : i32
      %get3A_82 = arith.index_cast %get3A_81 : i32 to index
      %get3A_83 = arith.index_cast %mul3A_46 : i32 to index
      %get3A_84 = tpu.vector_load %arg4[%get3A_82, %get3A_83] {strides = array<i32>} : memref<22x2048xf32, #tpu.memory_space<vmem>>, vector<1x16xf32>,
      %get3A_85 = vector.shape_cast %get3A_84 : vector<1x16xf32> to vector<16xf32>
      %get3A_86 = arith.constant 8 : i32
      %get3A_87 = arith.index_cast %get3A_86 : i32 to index
      %get3A_88 = arith.index_cast %mul3A_46 : i32 to index
      %get3A_89 = tpu.vector_load %arg4[%get3A_87, %get3A_88] {strides = array<i32>} : memref<22x2048xf32, #tpu.memory_space<vmem>>, vector<1x16xf32>,
      %get3A_90 = vector.shape_cast %get3A_89 : vector<1x16xf32> to vector<16xf32>
      %get3A_91 = arith.constant 9 : i32
      %get3A_92 = arith.index_cast %get3A_91 : i32 to index
      %get3A_93 = arith.index_cast %mul3A_46 : i32 to index
      %get3A_94 = tpu.vector_load %arg4[%get3A_92, %get3A_93] {strides = array<i32>} : memref<22x2048xf32, #tpu.memory_space<vmem>>, vector<1x16xf32>,
      %get3A_95 = vector.shape_cast %get3A_94 : vector<1x16xf32> to vector<16xf32>
      %get3A_96 = arith.constant 10 : i32
      %get3A_97 = arith.index_cast %get3A_96 : i32 to index
      %get3A_98 = arith.index_cast %mul3A_46 : i32 to index
      %get3A_99 = tpu.vector_load %arg4[%get3A_97, %get3A_98] {strides = array<i32>} : memref<22x2048xf32, #tpu.memory_space<vmem>>, vector<1x16xf32>,
      %get3A_100 = vector.shape_cast %get3A_99 : vector<1x16xf32> to vector<16xf32>
      %get3A_101 = arith.constant 11 : i32
      %get3A_102 = arith.index_cast %get3A_101 : i32 to index
      %get3A_103 = arith.index_cast %mul3A_46 : i32 to index
      %get3A_104 = tpu.vector_load %arg4[%get3A_102, %get3A_103] {strides = array<i32>} : memref<22x2048xf32, #tpu.memory_space<vmem>>, vector<1x16xf32>,
      %get3A_105 = vector.shape_cast %get3A_104 : vector<1x16xf32> to vector<16xf32>
      %get3A_106 = arith.constant 12 : i32
      %get3A_107 = arith.index_cast %get3A_106 : i32 to index
      %get3A_108 = arith.index_cast %mul3A_46 : i32 to index
      %get3A_109 = tpu.vector_load %arg4[%get3A_107, %get3A_108] {strides = array<i32>} : memref<22x2048xf32, #tpu.memory_space<vmem>>, vector<1x16xf32>,
      %get3A_110 = vector.shape_cast %get3A_109 : vector<1x16xf32> to vector<16xf32>
      %get3A_111 = arith.constant 13 : i32
      %get3A_112 = arith.index_cast %get3A_111 : i32 to index
      %get3A_113 = arith.index_cast %mul3A_46 : i32 to index
      %get3A_114 = tpu.vector_load %arg4[%get3A_112, %get3A_113] {strides = array<i32>} : memref<22x2048xf32, #tpu.memory_space<vmem>>, vector<1x16xf32>,
      %get3A_115 = vector.shape_cast %get3A_114 : vector<1x16xf32> to vector<16xf32>
      %get3A_116 = arith.constant 14 : i32
      %get3A_117 = arith.index_cast %get3A_116 : i32 to index
      %get3A_118 = arith.index_cast %mul3A_46 : i32 to index
      %get3A_119 = tpu.vector_load %arg4[%get3A_117, %get3A_118] {strides = array<i32>} : memref<22x2048xf32, #tpu.memory_space<vmem>>, vector<1x16xf32>,
      %get3A_120 = vector.shape_cast %get3A_119 : vector<1x16xf32> to vector<16xf32>
      %get3A_121 = arith.constant 15 : i32
      %get3A_122 = arith.index_cast %get3A_121 : i32 to index
      %get3A_123 = arith.index_cast %mul3A_46 : i32 to index
      %get3A_124 = tpu.vector_load %arg4[%get3A_122, %get3A_123] {strides = array<i32>} : memref<22x2048xf32, #tpu.memory_space<vmem>>, vector<1x16xf32>,
      %get3A_125 = vector.shape_cast %get3A_124 : vector<1x16xf32> to vector<16xf32>
      %get3A_126 = arith.constant 16 : i32
      %get3A_127 = arith.index_cast %get3A_126 : i32 to index
      %get3A_128 = arith.index_cast %mul3A_46 : i32 to index
      %get3A_129 = tpu.vector_load %arg4[%get3A_127, %get3A_128] {strides = array<i32>} : memref<22x2048xf32, #tpu.memory_space<vmem>>, vector<1x16xf32>,
      %get3A_130 = vector.shape_cast %get3A_129 : vector<1x16xf32> to vector<16xf32>
      %get3A_131 = arith.constant 17 : i32
      %get3A_132 = arith.index_cast %get3A_131 : i32 to index
      %get3A_133 = arith.index_cast %mul3A_46 : i32 to index
      %get3A_134 = tpu.vector_load %arg4[%get3A_132, %get3A_133] {strides = array<i32>} : memref<22x2048xf32, #tpu.memory_space<vmem>>, vector<1x16xf32>,
      %get3A_135 = vector.shape_cast %get3A_134 : vector<1x16xf32> to vector<16xf32>
      %get3A_136 = arith.constant 18 : i32
      %get3A_137 = arith.index_cast %get3A_136 : i32 to index
      %get3A_138 = arith.index_cast %mul3A_46 : i32 to index
      %get3A_139 = tpu.vector_load %arg4[%get3A_137, %get3A_138] {strides = array<i32>} : memref<22x2048xf32, #tpu.memory_space<vmem>>, vector<1x16xf32>,
      %get3A_140 = vector.shape_cast %get3A_139 : vector<1x16xf32> to vector<16xf32>
      %get3A_141 = arith.constant 19 : i32
      %get3A_142 = arith.index_cast %get3A_141 : i32 to index
      %get3A_143 = arith.index_cast %mul3A_46 : i32 to index
      %get3A_144 = tpu.vector_load %arg4[%get3A_142, %get3A_143] {strides = array<i32>} : memref<22x2048xf32, #tpu.memory_space<vmem>>, vector<1x16xf32>,
      %get3A_145 = vector.shape_cast %get3A_144 : vector<1x16xf32> to vector<16xf32>
      %get3A_146 = arith.constant 20 : i32
      %get3A_147 = arith.index_cast %get3A_146 : i32 to index
      %get3A_148 = arith.index_cast %mul3A_46 : i32 to index
      %get3A_149 = tpu.vector_load %arg4[%get3A_147, %get3A_148] {strides = array<i32>} : memref<22x2048xf32, #tpu.memory_space<vmem>>, vector<1x16xf32>,
      %get3A_150 = vector.shape_cast %get3A_149 : vector<1x16xf32> to vector<16xf32>
      %get3A_151 = arith.constant 21 : i32
      %get3A_152 = arith.index_cast %get3A_151 : i32 to index
      %get3A_153 = arith.index_cast %mul3A_46 : i32 to index
      %get3A_154 = tpu.vector_load %arg4[%get3A_152, %get3A_153] {strides = array<i32>} : memref<22x2048xf32, #tpu.memory_space<vmem>>, vector<1x16xf32>,
      %get3A_155 = vector.shape_cast %get3A_154 : vector<1x16xf32> to vector<16xf32>
      %broadcast_in_dim3A = arith.constant 0xFF800000 : f32
      %broadcast_in_dim3A_156 = vector.broadcast %broadcast_in_dim3A : f32 to vector<16xf32>
      %max3A = arith.maximumf %broadcast_in_dim3A_156, %get3A_50 : vector<16xf32>
      %min3A = arith.minimumf %broadcast_in_dim3A_156, %get3A_50 : vector<16xf32>
      %max3A_157 = arith.maximumf %broadcast_in_dim3A_156, %min3A : vector<16xf32>
      %min3A_158 = arith.minimumf %broadcast_in_dim3A_156, %min3A : vector<16xf32>
      %max3A_159 = arith.maximumf %broadcast_in_dim3A_156, %min3A_158 : vector<16xf32>
      %min3A_160 = arith.minimumf %broadcast_in_dim3A_156, %min3A_158 : vector<16xf32>
      %max3A_161 = arith.maximumf %broadcast_in_dim3A_156, %min3A_160 : vector<16xf32>
      %min3A_162 = arith.minimumf %broadcast_in_dim3A_156, %min3A_160 : vector<16xf32>
      %max3A_163 = arith.maximumf %broadcast_in_dim3A_156, %min3A_162 : vector<16xf32>
      %min3A_164 = arith.minimumf %broadcast_in_dim3A_156, %min3A_162 : vector<16xf32>
      %max3A_165 = arith.maximumf %broadcast_in_dim3A_156, %min3A_164 : vector<16xf32>
      %min3A_166 = arith.minimumf %broadcast_in_dim3A_156, %min3A_164 : vector<16xf32>
      %max3A_167 = arith.maximumf %broadcast_in_dim3A_156, %min3A_166 : vector<16xf32>
      %min3A_168 = arith.minimumf %broadcast_in_dim3A_156, %min3A_166 : vector<16xf32>
      %max3A_169 = arith.maximumf %broadcast_in_dim3A_156, %min3A_168 : vector<16xf32>
      %min3A_170 = arith.minimumf %broadcast_in_dim3A_156, %min3A_168 : vector<16xf32>
      %max3A_171 = arith.maximumf %max3A, %get3A_55 : vector<16xf32>
      %min3A_172 = arith.minimumf %max3A, %get3A_55 : vector<16xf32>
      %max3A_173 = arith.maximumf %max3A_157, %min3A_172 : vector<16xf32>
      %min3A_174 = arith.minimumf %max3A_157, %min3A_172 : vector<16xf32>
      %max3A_175 = arith.maximumf %max3A_159, %min3A_174 : vector<16xf32>
      %min3A_176 = arith.minimumf %max3A_159, %min3A_174 : vector<16xf32>
      %max3A_177 = arith.maximumf %max3A_161, %min3A_176 : vector<16xf32>
      %min3A_178 = arith.minimumf %max3A_161, %min3A_176 : vector<16xf32>
      %max3A_179 = arith.maximumf %max3A_163, %min3A_178 : vector<16xf32>
      %min3A_180 = arith.minimumf %max3A_163, %min3A_178 : vector<16xf32>
      %max3A_181 = arith.maximumf %max3A_165, %min3A_180 : vector<16xf32>
      %min3A_182 = arith.minimumf %max3A_165, %min3A_180 : vector<16xf32>
      %max3A_183 = arith.maximumf %max3A_167, %min3A_182 : vector<16xf32>
      %min3A_184 = arith.minimumf %max3A_167, %min3A_182 : vector<16xf32>
      %max3A_185 = arith.maximumf %max3A_169, %min3A_184 : vector<16xf32>
      %min3A_186 = arith.minimumf %max3A_169, %min3A_184 : vector<16xf32>
      %max3A_187 = arith.maximumf %max3A_171, %get3A_60 : vector<16xf32>
      %min3A_188 = arith.minimumf %max3A_171, %get3A_60 : vector<16xf32>
      %max3A_189 = arith.maximumf %max3A_173, %min3A_188 : vector<16xf32>
      %min3A_190 = arith.minimumf %max3A_173, %min3A_188 : vector<16xf32>
      %max3A_191 = arith.maximumf %max3A_175, %min3A_190 : vector<16xf32>
      %min3A_192 = arith.minimumf %max3A_175, %min3A_190 : vector<16xf32>
      %max3A_193 = arith.maximumf %max3A_177, %min3A_192 : vector<16xf32>
      %min3A_194 = arith.minimumf %max3A_177, %min3A_192 : vector<16xf32>
      %max3A_195 = arith.maximumf %max3A_179, %min3A_194 : vector<16xf32>
      %min3A_196 = arith.minimumf %max3A_179, %min3A_194 : vector<16xf32>
      %max3A_197 = arith.maximumf %max3A_181, %min3A_196 : vector<16xf32>
      %min3A_198 = arith.minimumf %max3A_181, %min3A_196 : vector<16xf32>
      %max3A_199 = arith.maximumf %max3A_183, %min3A_198 : vector<16xf32>
      %min3A_200 = arith.minimumf %max3A_183, %min3A_198 : vector<16xf32>
      %max3A_201 = arith.maximumf %max3A_185, %min3A_200 : vector<16xf32>
      %min3A_202 = arith.minimumf %max3A_185, %min3A_200 : vector<16xf32>
      %max3A_203 = arith.maximumf %max3A_187, %get3A_65 : vector<16xf32>
      %min3A_204 = arith.minimumf %max3A_187, %get3A_65 : vector<16xf32>
      %max3A_205 = arith.maximumf %max3A_189, %min3A_204 : vector<16xf32>
      %min3A_206 = arith.minimumf %max3A_189, %min3A_204 : vector<16xf32>
      %max3A_207 = arith.maximumf %max3A_191, %min3A_206 : vector<16xf32>
      %min3A_208 = arith.minimumf %max3A_191, %min3A_206 : vector<16xf32>
      %max3A_209 = arith.maximumf %max3A_193, %min3A_208 : vector<16xf32>
      %min3A_210 = arith.minimumf %max3A_193, %min3A_208 : vector<16xf32>
      %max3A_211 = arith.maximumf %max3A_195, %min3A_210 : vector<16xf32>
      %min3A_212 = arith.minimumf %max3A_195, %min3A_210 : vector<16xf32>
      %max3A_213 = arith.maximumf %max3A_197, %min3A_212 : vector<16xf32>
      %min3A_214 = arith.minimumf %max3A_197, %min3A_212 : vector<16xf32>
      %max3A_215 = arith.maximumf %max3A_199, %min3A_214 : vector<16xf32>
      %min3A_216 = arith.minimumf %max3A_199, %min3A_214 : vector<16xf32>
      %max3A_217 = arith.maximumf %max3A_201, %min3A_216 : vector<16xf32>
      %min3A_218 = arith.minimumf %max3A_201, %min3A_216 : vector<16xf32>
      %max3A_219 = arith.maximumf %max3A_203, %get3A_70 : vector<16xf32>
      %min3A_220 = arith.minimumf %max3A_203, %get3A_70 : vector<16xf32>
      %max3A_221 = arith.maximumf %max3A_205, %min3A_220 : vector<16xf32>
      %min3A_222 = arith.minimumf %max3A_205, %min3A_220 : vector<16xf32>
      %max3A_223 = arith.maximumf %max3A_207, %min3A_222 : vector<16xf32>
      %min3A_224 = arith.minimumf %max3A_207, %min3A_222 : vector<16xf32>
      %max3A_225 = arith.maximumf %max3A_209, %min3A_224 : vector<16xf32>
      %min3A_226 = arith.minimumf %max3A_209, %min3A_224 : vector<16xf32>
      %max3A_227 = arith.maximumf %max3A_211, %min3A_226 : vector<16xf32>
      %min3A_228 = arith.minimumf %max3A_211, %min3A_226 : vector<16xf32>
      %max3A_229 = arith.maximumf %max3A_213, %min3A_228 : vector<16xf32>
      %min3A_230 = arith.minimumf %max3A_213, %min3A_228 : vector<16xf32>
      %max3A_231 = arith.maximumf %max3A_215, %min3A_230 : vector<16xf32>
      %min3A_232 = arith.minimumf %max3A_215, %min3A_230 : vector<16xf32>
      %max3A_233 = arith.maximumf %max3A_217, %min3A_232 : vector<16xf32>
      %min3A_234 = arith.minimumf %max3A_217, %min3A_232 : vector<16xf32>
      %max3A_235 = arith.maximumf %max3A_219, %get3A_75 : vector<16xf32>
      %min3A_236 = arith.minimumf %max3A_219, %get3A_75 : vector<16xf32>
      %max3A_237 = arith.maximumf %max3A_221, %min3A_236 : vector<16xf32>
      %min3A_238 = arith.minimumf %max3A_221, %min3A_236 : vector<16xf32>
      %max3A_239 = arith.maximumf %max3A_223, %min3A_238 : vector<16xf32>
      %min3A_240 = arith.minimumf %max3A_223, %min3A_238 : vector<16xf32>
      %max3A_241 = arith.maximumf %max3A_225, %min3A_240 : vector<16xf32>
      %min3A_242 = arith.minimumf %max3A_225, %min3A_240 : vector<16xf32>
      %max3A_243 = arith.maximumf %max3A_227, %min3A_242 : vector<16xf32>
      %min3A_244 = arith.minimumf %max3A_227, %min3A_242 : vector<16xf32>
      %max3A_245 = arith.maximumf %max3A_229, %min3A_244 : vector<16xf32>
      %min3A_246 = arith.minimumf %max3A_229, %min3A_244 : vector<16xf32>
      %max3A_247 = arith.maximumf %max3A_231, %min3A_246 : vector<16xf32>
      %min3A_248 = arith.minimumf %max3A_231, %min3A_246 : vector<16xf32>
      %max3A_249 = arith.maximumf %max3A_233, %min3A_248 : vector<16xf32>
      %min3A_250 = arith.minimumf %max3A_233, %min3A_248 : vector<16xf32>
      %max3A_251 = arith.maximumf %max3A_235, %get3A_80 : vector<16xf32>
      %min3A_252 = arith.minimumf %max3A_235, %get3A_80 : vector<16xf32>
      %max3A_253 = arith.maximumf %max3A_237, %min3A_252 : vector<16xf32>
      %min3A_254 = arith.minimumf %max3A_237, %min3A_252 : vector<16xf32>
      %max3A_255 = arith.maximumf %max3A_239, %min3A_254 : vector<16xf32>
      %min3A_256 = arith.minimumf %max3A_239, %min3A_254 : vector<16xf32>
      %max3A_257 = arith.maximumf %max3A_241, %min3A_256 : vector<16xf32>
      %min3A_258 = arith.minimumf %max3A_241, %min3A_256 : vector<16xf32>
      %max3A_259 = arith.maximumf %max3A_243, %min3A_258 : vector<16xf32>
      %min3A_260 = arith.minimumf %max3A_243, %min3A_258 : vector<16xf32>
      %max3A_261 = arith.maximumf %max3A_245, %min3A_260 : vector<16xf32>
      %min3A_262 = arith.minimumf %max3A_245, %min3A_260 : vector<16xf32>
      %max3A_263 = arith.maximumf %max3A_247, %min3A_262 : vector<16xf32>
      %min3A_264 = arith.minimumf %max3A_247, %min3A_262 : vector<16xf32>
      %max3A_265 = arith.maximumf %max3A_249, %min3A_264 : vector<16xf32>
      %min3A_266 = arith.minimumf %max3A_249, %min3A_264 : vector<16xf32>
      %max3A_267 = arith.maximumf %max3A_251, %get3A_85 : vector<16xf32>
      %min3A_268 = arith.minimumf %max3A_251, %get3A_85 : vector<16xf32>
      %max3A_269 = arith.maximumf %max3A_253, %min3A_268 : vector<16xf32>
      %min3A_270 = arith.minimumf %max3A_253, %min3A_268 : vector<16xf32>
      %max3A_271 = arith.maximumf %max3A_255, %min3A_270 : vector<16xf32>
      %min3A_272 = arith.minimumf %max3A_255, %min3A_270 : vector<16xf32>
      %max3A_273 = arith.maximumf %max3A_257, %min3A_272 : vector<16xf32>
      %min3A_274 = arith.minimumf %max3A_257, %min3A_272 : vector<16xf32>
      %max3A_275 = arith.maximumf %max3A_259, %min3A_274 : vector<16xf32>
      %min3A_276 = arith.minimumf %max3A_259, %min3A_274 : vector<16xf32>
      %max3A_277 = arith.maximumf %max3A_261, %min3A_276 : vector<16xf32>
      %min3A_278 = arith.minimumf %max3A_261, %min3A_276 : vector<16xf32>
      %max3A_279 = arith.maximumf %max3A_263, %min3A_278 : vector<16xf32>
      %min3A_280 = arith.minimumf %max3A_263, %min3A_278 : vector<16xf32>
      %max3A_281 = arith.maximumf %max3A_265, %min3A_280 : vector<16xf32>
      %min3A_282 = arith.minimumf %max3A_265, %min3A_280 : vector<16xf32>
      %max3A_283 = arith.maximumf %max3A_267, %get3A_90 : vector<16xf32>
      %min3A_284 = arith.minimumf %max3A_267, %get3A_90 : vector<16xf32>
      %max3A_285 = arith.maximumf %max3A_269, %min3A_284 : vector<16xf32>
      %min3A_286 = arith.minimumf %max3A_269, %min3A_284 : vector<16xf32>
      %max3A_287 = arith.maximumf %max3A_271, %min3A_286 : vector<16xf32>
      %min3A_288 = arith.minimumf %max3A_271, %min3A_286 : vector<16xf32>
      %max3A_289 = arith.maximumf %max3A_273, %min3A_288 : vector<16xf32>
      %min3A_290 = arith.minimumf %max3A_273, %min3A_288 : vector<16xf32>
      %max3A_291 = arith.maximumf %max3A_275, %min3A_290 : vector<16xf32>
      %min3A_292 = arith.minimumf %max3A_275, %min3A_290 : vector<16xf32>
      %max3A_293 = arith.maximumf %max3A_277, %min3A_292 : vector<16xf32>
      %min3A_294 = arith.minimumf %max3A_277, %min3A_292 : vector<16xf32>
      %max3A_295 = arith.maximumf %max3A_279, %min3A_294 : vector<16xf32>
      %min3A_296 = arith.minimumf %max3A_279, %min3A_294 : vector<16xf32>
      %max3A_297 = arith.maximumf %max3A_281, %min3A_296 : vector<16xf32>
      %min3A_298 = arith.minimumf %max3A_281, %min3A_296 : vector<16xf32>
      %max3A_299 = arith.maximumf %max3A_283, %get3A_95 : vector<16xf32>
      %min3A_300 = arith.minimumf %max3A_283, %get3A_95 : vector<16xf32>
      %max3A_301 = arith.maximumf %max3A_285, %min3A_300 : vector<16xf32>
      %min3A_302 = arith.minimumf %max3A_285, %min3A_300 : vector<16xf32>
      %max3A_303 = arith.maximumf %max3A_287, %min3A_302 : vector<16xf32>
      %min3A_304 = arith.minimumf %max3A_287, %min3A_302 : vector<16xf32>
      %max3A_305 = arith.maximumf %max3A_289, %min3A_304 : vector<16xf32>
      %min3A_306 = arith.minimumf %max3A_289, %min3A_304 : vector<16xf32>
      %max3A_307 = arith.maximumf %max3A_291, %min3A_306 : vector<16xf32>
      %min3A_308 = arith.minimumf %max3A_291, %min3A_306 : vector<16xf32>
      %max3A_309 = arith.maximumf %max3A_293, %min3A_308 : vector<16xf32>
      %min3A_310 = arith.minimumf %max3A_293, %min3A_308 : vector<16xf32>
      %max3A_311 = arith.maximumf %max3A_295, %min3A_310 : vector<16xf32>
      %min3A_312 = arith.minimumf %max3A_295, %min3A_310 : vector<16xf32>
      %max3A_313 = arith.maximumf %max3A_297, %min3A_312 : vector<16xf32>
      %min3A_314 = arith.minimumf %max3A_297, %min3A_312 : vector<16xf32>
      %max3A_315 = arith.maximumf %max3A_299, %get3A_100 : vector<16xf32>
      %min3A_316 = arith.minimumf %max3A_299, %get3A_100 : vector<16xf32>
      %max3A_317 = arith.maximumf %max3A_301, %min3A_316 : vector<16xf32>
      %min3A_318 = arith.minimumf %max3A_301, %min3A_316 : vector<16xf32>
      %max3A_319 = arith.maximumf %max3A_303, %min3A_318 : vector<16xf32>
      %min3A_320 = arith.minimumf %max3A_303, %min3A_318 : vector<16xf32>
      %max3A_321 = arith.maximumf %max3A_305, %min3A_320 : vector<16xf32>
      %min3A_322 = arith.minimumf %max3A_305, %min3A_320 : vector<16xf32>
      %max3A_323 = arith.maximumf %max3A_307, %min3A_322 : vector<16xf32>
      %min3A_324 = arith.minimumf %max3A_307, %min3A_322 : vector<16xf32>
      %max3A_325 = arith.maximumf %max3A_309, %min3A_324 : vector<16xf32>
      %min3A_326 = arith.minimumf %max3A_309, %min3A_324 : vector<16xf32>
      %max3A_327 = arith.maximumf %max3A_311, %min3A_326 : vector<16xf32>
      %min3A_328 = arith.minimumf %max3A_311, %min3A_326 : vector<16xf32>
      %max3A_329 = arith.maximumf %max3A_313, %min3A_328 : vector<16xf32>
      %min3A_330 = arith.minimumf %max3A_313, %min3A_328 : vector<16xf32>
      %max3A_331 = arith.maximumf %max3A_315, %get3A_105 : vector<16xf32>
      %min3A_332 = arith.minimumf %max3A_315, %get3A_105 : vector<16xf32>
      %max3A_333 = arith.maximumf %max3A_317, %min3A_332 : vector<16xf32>
      %min3A_334 = arith.minimumf %max3A_317, %min3A_332 : vector<16xf32>
      %max3A_335 = arith.maximumf %max3A_319, %min3A_334 : vector<16xf32>
      %min3A_336 = arith.minimumf %max3A_319, %min3A_334 : vector<16xf32>
      %max3A_337 = arith.maximumf %max3A_321, %min3A_336 : vector<16xf32>
      %min3A_338 = arith.minimumf %max3A_321, %min3A_336 : vector<16xf32>
      %max3A_339 = arith.maximumf %max3A_323, %min3A_338 : vector<16xf32>
      %min3A_340 = arith.minimumf %max3A_323, %min3A_338 : vector<16xf32>
      %max3A_341 = arith.maximumf %max3A_325, %min3A_340 : vector<16xf32>
      %min3A_342 = arith.minimumf %max3A_325, %min3A_340 : vector<16xf32>
      %max3A_343 = arith.maximumf %max3A_327, %min3A_342 : vector<16xf32>
      %min3A_344 = arith.minimumf %max3A_327, %min3A_342 : vector<16xf32>
      %max3A_345 = arith.maximumf %max3A_329, %min3A_344 : vector<16xf32>
      %min3A_346 = arith.minimumf %max3A_329, %min3A_344 : vector<16xf32>
      %max3A_347 = arith.maximumf %max3A_331, %get3A_110 : vector<16xf32>
      %min3A_348 = arith.minimumf %max3A_331, %get3A_110 : vector<16xf32>
      %max3A_349 = arith.maximumf %max3A_333, %min3A_348 : vector<16xf32>
      %min3A_350 = arith.minimumf %max3A_333, %min3A_348 : vector<16xf32>
      %max3A_351 = arith.maximumf %max3A_335, %min3A_350 : vector<16xf32>
      %min3A_352 = arith.minimumf %max3A_335, %min3A_350 : vector<16xf32>
      %max3A_353 = arith.maximumf %max3A_337, %min3A_352 : vector<16xf32>
      %min3A_354 = arith.minimumf %max3A_337, %min3A_352 : vector<16xf32>
      %max3A_355 = arith.maximumf %max3A_339, %min3A_354 : vector<16xf32>
      %min3A_356 = arith.minimumf %max3A_339, %min3A_354 : vector<16xf32>
      %max3A_357 = arith.maximumf %max3A_341, %min3A_356 : vector<16xf32>
      %min3A_358 = arith.minimumf %max3A_341, %min3A_356 : vector<16xf32>
      %max3A_359 = arith.maximumf %max3A_343, %min3A_358 : vector<16xf32>
      %min3A_360 = arith.minimumf %max3A_343, %min3A_358 : vector<16xf32>
      %max3A_361 = arith.maximumf %max3A_345, %min3A_360 : vector<16xf32>
      %min3A_362 = arith.minimumf %max3A_345, %min3A_360 : vector<16xf32>
      %max3A_363 = arith.maximumf %max3A_347, %get3A_115 : vector<16xf32>
      %min3A_364 = arith.minimumf %max3A_347, %get3A_115 : vector<16xf32>
      %max3A_365 = arith.maximumf %max3A_349, %min3A_364 : vector<16xf32>
      %min3A_366 = arith.minimumf %max3A_349, %min3A_364 : vector<16xf32>
      %max3A_367 = arith.maximumf %max3A_351, %min3A_366 : vector<16xf32>
      %min3A_368 = arith.minimumf %max3A_351, %min3A_366 : vector<16xf32>
      %max3A_369 = arith.maximumf %max3A_353, %min3A_368 : vector<16xf32>
      %min3A_370 = arith.minimumf %max3A_353, %min3A_368 : vector<16xf32>
      %max3A_371 = arith.maximumf %max3A_355, %min3A_370 : vector<16xf32>
      %min3A_372 = arith.minimumf %max3A_355, %min3A_370 : vector<16xf32>
      %max3A_373 = arith.maximumf %max3A_357, %min3A_372 : vector<16xf32>
      %min3A_374 = arith.minimumf %max3A_357, %min3A_372 : vector<16xf32>
      %max3A_375 = arith.maximumf %max3A_359, %min3A_374 : vector<16xf32>
      %min3A_376 = arith.minimumf %max3A_359, %min3A_374 : vector<16xf32>
      %max3A_377 = arith.maximumf %max3A_361, %min3A_376 : vector<16xf32>
      %min3A_378 = arith.minimumf %max3A_361, %min3A_376 : vector<16xf32>
      %max3A_379 = arith.maximumf %max3A_363, %get3A_120 : vector<16xf32>
      %min3A_380 = arith.minimumf %max3A_363, %get3A_120 : vector<16xf32>
      %max3A_381 = arith.maximumf %max3A_365, %min3A_380 : vector<16xf32>
      %min3A_382 = arith.minimumf %max3A_365, %min3A_380 : vector<16xf32>
      %max3A_383 = arith.maximumf %max3A_367, %min3A_382 : vector<16xf32>
      %min3A_384 = arith.minimumf %max3A_367, %min3A_382 : vector<16xf32>
      %max3A_385 = arith.maximumf %max3A_369, %min3A_384 : vector<16xf32>
      %min3A_386 = arith.minimumf %max3A_369, %min3A_384 : vector<16xf32>
      %max3A_387 = arith.maximumf %max3A_371, %min3A_386 : vector<16xf32>
      %min3A_388 = arith.minimumf %max3A_371, %min3A_386 : vector<16xf32>
      %max3A_389 = arith.maximumf %max3A_373, %min3A_388 : vector<16xf32>
      %min3A_390 = arith.minimumf %max3A_373, %min3A_388 : vector<16xf32>
      %max3A_391 = arith.maximumf %max3A_375, %min3A_390 : vector<16xf32>
      %min3A_392 = arith.minimumf %max3A_375, %min3A_390 : vector<16xf32>
      %max3A_393 = arith.maximumf %max3A_377, %min3A_392 : vector<16xf32>
      %min3A_394 = arith.minimumf %max3A_377, %min3A_392 : vector<16xf32>
      %max3A_395 = arith.maximumf %max3A_379, %get3A_125 : vector<16xf32>
      %min3A_396 = arith.minimumf %max3A_379, %get3A_125 : vector<16xf32>
      %max3A_397 = arith.maximumf %max3A_381, %min3A_396 : vector<16xf32>
      %min3A_398 = arith.minimumf %max3A_381, %min3A_396 : vector<16xf32>
      %max3A_399 = arith.maximumf %max3A_383, %min3A_398 : vector<16xf32>
      %min3A_400 = arith.minimumf %max3A_383, %min3A_398 : vector<16xf32>
      %max3A_401 = arith.maximumf %max3A_385, %min3A_400 : vector<16xf32>
      %min3A_402 = arith.minimumf %max3A_385, %min3A_400 : vector<16xf32>
      %max3A_403 = arith.maximumf %max3A_387, %min3A_402 : vector<16xf32>
      %min3A_404 = arith.minimumf %max3A_387, %min3A_402 : vector<16xf32>
      %max3A_405 = arith.maximumf %max3A_389, %min3A_404 : vector<16xf32>
      %min3A_406 = arith.minimumf %max3A_389, %min3A_404 : vector<16xf32>
      %max3A_407 = arith.maximumf %max3A_391, %min3A_406 : vector<16xf32>
      %min3A_408 = arith.minimumf %max3A_391, %min3A_406 : vector<16xf32>
      %max3A_409 = arith.maximumf %max3A_393, %min3A_408 : vector<16xf32>
      %min3A_410 = arith.minimumf %max3A_393, %min3A_408 : vector<16xf32>
      %max3A_411 = arith.maximumf %max3A_395, %get3A_130 : vector<16xf32>
      %min3A_412 = arith.minimumf %max3A_395, %get3A_130 : vector<16xf32>
      %max3A_413 = arith.maximumf %max3A_397, %min3A_412 : vector<16xf32>
      %min3A_414 = arith.minimumf %max3A_397, %min3A_412 : vector<16xf32>
      %max3A_415 = arith.maximumf %max3A_399, %min3A_414 : vector<16xf32>
      %min3A_416 = arith.minimumf %max3A_399, %min3A_414 : vector<16xf32>
      %max3A_417 = arith.maximumf %max3A_401, %min3A_416 : vector<16xf32>
      %min3A_418 = arith.minimumf %max3A_401, %min3A_416 : vector<16xf32>
      %max3A_419 = arith.maximumf %max3A_403, %min3A_418 : vector<16xf32>
      %min3A_420 = arith.minimumf %max3A_403, %min3A_418 : vector<16xf32>
      %max3A_421 = arith.maximumf %max3A_405, %min3A_420 : vector<16xf32>
      %min3A_422 = arith.minimumf %max3A_405, %min3A_420 : vector<16xf32>
      %max3A_423 = arith.maximumf %max3A_407, %min3A_422 : vector<16xf32>
      %min3A_424 = arith.minimumf %max3A_407, %min3A_422 : vector<16xf32>
      %max3A_425 = arith.maximumf %max3A_409, %min3A_424 : vector<16xf32>
      %min3A_426 = arith.minimumf %max3A_409, %min3A_424 : vector<16xf32>
      %max3A_427 = arith.maximumf %max3A_411, %get3A_135 : vector<16xf32>
      %min3A_428 = arith.minimumf %max3A_411, %get3A_135 : vector<16xf32>
      %max3A_429 = arith.maximumf %max3A_413, %min3A_428 : vector<16xf32>
      %min3A_430 = arith.minimumf %max3A_413, %min3A_428 : vector<16xf32>
      %max3A_431 = arith.maximumf %max3A_415, %min3A_430 : vector<16xf32>
      %min3A_432 = arith.minimumf %max3A_415, %min3A_430 : vector<16xf32>
      %max3A_433 = arith.maximumf %max3A_417, %min3A_432 : vector<16xf32>
      %min3A_434 = arith.minimumf %max3A_417, %min3A_432 : vector<16xf32>
      %max3A_435 = arith.maximumf %max3A_419, %min3A_434 : vector<16xf32>
      %min3A_436 = arith.minimumf %max3A_419, %min3A_434 : vector<16xf32>
      %max3A_437 = arith.maximumf %max3A_421, %min3A_436 : vector<16xf32>
      %min3A_438 = arith.minimumf %max3A_421, %min3A_436 : vector<16xf32>
      %max3A_439 = arith.maximumf %max3A_423, %min3A_438 : vector<16xf32>
      %min3A_440 = arith.minimumf %max3A_423, %min3A_438 : vector<16xf32>
      %max3A_441 = arith.maximumf %max3A_425, %min3A_440 : vector<16xf32>
      %min3A_442 = arith.minimumf %max3A_425, %min3A_440 : vector<16xf32>
      %max3A_443 = arith.maximumf %max3A_427, %get3A_140 : vector<16xf32>
      %min3A_444 = arith.minimumf %max3A_427, %get3A_140 : vector<16xf32>
      %max3A_445 = arith.maximumf %max3A_429, %min3A_444 : vector<16xf32>
      %min3A_446 = arith.minimumf %max3A_429, %min3A_444 : vector<16xf32>
      %max3A_447 = arith.maximumf %max3A_431, %min3A_446 : vector<16xf32>
      %min3A_448 = arith.minimumf %max3A_431, %min3A_446 : vector<16xf32>
      %max3A_449 = arith.maximumf %max3A_433, %min3A_448 : vector<16xf32>
      %min3A_450 = arith.minimumf %max3A_433, %min3A_448 : vector<16xf32>
      %max3A_451 = arith.maximumf %max3A_435, %min3A_450 : vector<16xf32>
      %min3A_452 = arith.minimumf %max3A_435, %min3A_450 : vector<16xf32>
      %max3A_453 = arith.maximumf %max3A_437, %min3A_452 : vector<16xf32>
      %min3A_454 = arith.minimumf %max3A_437, %min3A_452 : vector<16xf32>
      %max3A_455 = arith.maximumf %max3A_439, %min3A_454 : vector<16xf32>
      %min3A_456 = arith.minimumf %max3A_439, %min3A_454 : vector<16xf32>
      %max3A_457 = arith.maximumf %max3A_441, %min3A_456 : vector<16xf32>
      %min3A_458 = arith.minimumf %max3A_441, %min3A_456 : vector<16xf32>
      %max3A_459 = arith.maximumf %max3A_443, %get3A_145 : vector<16xf32>
      %min3A_460 = arith.minimumf %max3A_443, %get3A_145 : vector<16xf32>
      %max3A_461 = arith.maximumf %max3A_445, %min3A_460 : vector<16xf32>
      %min3A_462 = arith.minimumf %max3A_445, %min3A_460 : vector<16xf32>
      %max3A_463 = arith.maximumf %max3A_447, %min3A_462 : vector<16xf32>
      %min3A_464 = arith.minimumf %max3A_447, %min3A_462 : vector<16xf32>
      %max3A_465 = arith.maximumf %max3A_449, %min3A_464 : vector<16xf32>
      %min3A_466 = arith.minimumf %max3A_449, %min3A_464 : vector<16xf32>
      %max3A_467 = arith.maximumf %max3A_451, %min3A_466 : vector<16xf32>
      %min3A_468 = arith.minimumf %max3A_451, %min3A_466 : vector<16xf32>
      %max3A_469 = arith.maximumf %max3A_453, %min3A_468 : vector<16xf32>
      %min3A_470 = arith.minimumf %max3A_453, %min3A_468 : vector<16xf32>
      %max3A_471 = arith.maximumf %max3A_455, %min3A_470 : vector<16xf32>
      %min3A_472 = arith.minimumf %max3A_455, %min3A_470 : vector<16xf32>
      %max3A_473 = arith.maximumf %max3A_457, %min3A_472 : vector<16xf32>
      %min3A_474 = arith.minimumf %max3A_457, %min3A_472 : vector<16xf32>
      %max3A_475 = arith.maximumf %max3A_459, %get3A_150 : vector<16xf32>
      %min3A_476 = arith.minimumf %max3A_459, %get3A_150 : vector<16xf32>
      %max3A_477 = arith.maximumf %max3A_461, %min3A_476 : vector<16xf32>
      %min3A_478 = arith.minimumf %max3A_461, %min3A_476 : vector<16xf32>
      %max3A_479 = arith.maximumf %max3A_463, %min3A_478 : vector<16xf32>
      %min3A_480 = arith.minimumf %max3A_463, %min3A_478 : vector<16xf32>
      %max3A_481 = arith.maximumf %max3A_465, %min3A_480 : vector<16xf32>
      %min3A_482 = arith.minimumf %max3A_465, %min3A_480 : vector<16xf32>
      %max3A_483 = arith.maximumf %max3A_467, %min3A_482 : vector<16xf32>
      %min3A_484 = arith.minimumf %max3A_467, %min3A_482 : vector<16xf32>
      %max3A_485 = arith.maximumf %max3A_469, %min3A_484 : vector<16xf32>
      %min3A_486 = arith.minimumf %max3A_469, %min3A_484 : vector<16xf32>
      %max3A_487 = arith.maximumf %max3A_471, %min3A_486 : vector<16xf32>
      %min3A_488 = arith.minimumf %max3A_471, %min3A_486 : vector<16xf32>
      %max3A_489 = arith.maximumf %max3A_473, %min3A_488 : vector<16xf32>
      %min3A_490 = arith.minimumf %max3A_473, %min3A_488 : vector<16xf32>
      %max3A_491 = arith.maximumf %max3A_475, %get3A_155 : vector<16xf32>
      %min3A_492 = arith.minimumf %max3A_475, %get3A_155 : vector<16xf32>
      %max3A_493 = arith.maximumf %max3A_477, %min3A_492 : vector<16xf32>
      %min3A_494 = arith.minimumf %max3A_477, %min3A_492 : vector<16xf32>
      %max3A_495 = arith.maximumf %max3A_479, %min3A_494 : vector<16xf32>
      %min3A_496 = arith.minimumf %max3A_479, %min3A_494 : vector<16xf32>
      %max3A_497 = arith.maximumf %max3A_481, %min3A_496 : vector<16xf32>
      %min3A_498 = arith.minimumf %max3A_481, %min3A_496 : vector<16xf32>
      %max3A_499 = arith.maximumf %max3A_483, %min3A_498 : vector<16xf32>
      %min3A_500 = arith.minimumf %max3A_483, %min3A_498 : vector<16xf32>
      %max3A_501 = arith.maximumf %max3A_485, %min3A_500 : vector<16xf32>
      %min3A_502 = arith.minimumf %max3A_485, %min3A_500 : vector<16xf32>
      %max3A_503 = arith.maximumf %max3A_487, %min3A_502 : vector<16xf32>
      %min3A_504 = arith.minimumf %max3A_487, %min3A_502 : vector<16xf32>
      %max3A_505 = arith.maximumf %max3A_489, %min3A_504 : vector<16xf32>
      %min3A_506 = arith.minimumf %max3A_489, %min3A_504 : vector<16xf32>
      %broadcast_in_dim3A_507 = arith.constant 0 : i32
      %broadcast_in_dim3A_508 = vector.broadcast %broadcast_in_dim3A_507 : i32 to vector<16xi32>
      %gt3A = arith.cmpf ogt, %get3A_50, %max3A_505 : vector<16xf32>
      %jit3A_509 = arith.constant 1 : i32
      %jit3A_510 = arith.constant 0 : i32
      %broadcast_in_dim3A_511 = vector.broadcast %jit3A_509 : i32 to vector<16xi32>
      %broadcast_in_dim3A_512 = vector.broadcast %jit3A_510 : i32 to vector<16xi32>
      %select_n3A_513 = arith.select %gt3A, %broadcast_in_dim3A_511, %broadcast_in_dim3A_512 : vector<16xi1>, vector<16xi32>
      %add3A_514 = arith.addi %broadcast_in_dim3A_508, %select_n3A_513 : vector<16xi32>
      %gt3A_515 = arith.cmpf ogt, %get3A_55, %max3A_505 : vector<16xf32>
      %jit3A_516 = arith.constant 1 : i32
      %jit3A_517 = arith.constant 0 : i32
      %broadcast_in_dim3A_518 = vector.broadcast %jit3A_516 : i32 to vector<16xi32>
      %broadcast_in_dim3A_519 = vector.broadcast %jit3A_517 : i32 to vector<16xi32>
      %select_n3A_520 = arith.select %gt3A_515, %broadcast_in_dim3A_518, %broadcast_in_dim3A_519 : vector<16xi1>, vector<16xi32>
      %add3A_521 = arith.addi %add3A_514, %select_n3A_520 : vector<16xi32>
      %gt3A_522 = arith.cmpf ogt, %get3A_60, %max3A_505 : vector<16xf32>
      %jit3A_523 = arith.constant 1 : i32
      %jit3A_524 = arith.constant 0 : i32
      %broadcast_in_dim3A_525 = vector.broadcast %jit3A_523 : i32 to vector<16xi32>
      %broadcast_in_dim3A_526 = vector.broadcast %jit3A_524 : i32 to vector<16xi32>
      %select_n3A_527 = arith.select %gt3A_522, %broadcast_in_dim3A_525, %broadcast_in_dim3A_526 : vector<16xi1>, vector<16xi32>
      %add3A_528 = arith.addi %add3A_521, %select_n3A_527 : vector<16xi32>
      %gt3A_529 = arith.cmpf ogt, %get3A_65, %max3A_505 : vector<16xf32>
      %jit3A_530 = arith.constant 1 : i32
      %jit3A_531 = arith.constant 0 : i32
      %broadcast_in_dim3A_532 = vector.broadcast %jit3A_530 : i32 to vector<16xi32>
      %broadcast_in_dim3A_533 = vector.broadcast %jit3A_531 : i32 to vector<16xi32>
      %select_n3A_534 = arith.select %gt3A_529, %broadcast_in_dim3A_532, %broadcast_in_dim3A_533 : vector<16xi1>, vector<16xi32>
      %add3A_535 = arith.addi %add3A_528, %select_n3A_534 : vector<16xi32>
      %gt3A_536 = arith.cmpf ogt, %get3A_70, %max3A_505 : vector<16xf32>
      %jit3A_537 = arith.constant 1 : i32
      %jit3A_538 = arith.constant 0 : i32
      %broadcast_in_dim3A_539 = vector.broadcast %jit3A_537 : i32 to vector<16xi32>
      %broadcast_in_dim3A_540 = vector.broadcast %jit3A_538 : i32 to vector<16xi32>
      %select_n3A_541 = arith.select %gt3A_536, %broadcast_in_dim3A_539, %broadcast_in_dim3A_540 : vector<16xi1>, vector<16xi32>
      %add3A_542 = arith.addi %add3A_535, %select_n3A_541 : vector<16xi32>
      %gt3A_543 = arith.cmpf ogt, %get3A_75, %max3A_505 : vector<16xf32>
      %jit3A_544 = arith.constant 1 : i32
      %jit3A_545 = arith.constant 0 : i32
      %broadcast_in_dim3A_546 = vector.broadcast %jit3A_544 : i32 to vector<16xi32>
      %broadcast_in_dim3A_547 = vector.broadcast %jit3A_545 : i32 to vector<16xi32>
      %select_n3A_548 = arith.select %gt3A_543, %broadcast_in_dim3A_546, %broadcast_in_dim3A_547 : vector<16xi1>, vector<16xi32>
      %add3A_549 = arith.addi %add3A_542, %select_n3A_548 : vector<16xi32>
      %gt3A_550 = arith.cmpf ogt, %get3A_80, %max3A_505 : vector<16xf32>
      %jit3A_551 = arith.constant 1 : i32
      %jit3A_552 = arith.constant 0 : i32
      %broadcast_in_dim3A_553 = vector.broadcast %jit3A_551 : i32 to vector<16xi32>
      %broadcast_in_dim3A_554 = vector.broadcast %jit3A_552 : i32 to vector<16xi32>
      %select_n3A_555 = arith.select %gt3A_550, %broadcast_in_dim3A_553, %broadcast_in_dim3A_554 : vector<16xi1>, vector<16xi32>
      %add3A_556 = arith.addi %add3A_549, %select_n3A_555 : vector<16xi32>
      %gt3A_557 = arith.cmpf ogt, %get3A_85, %max3A_505 : vector<16xf32>
      %jit3A_558 = arith.constant 1 : i32
      %jit3A_559 = arith.constant 0 : i32
      %broadcast_in_dim3A_560 = vector.broadcast %jit3A_558 : i32 to vector<16xi32>
      %broadcast_in_dim3A_561 = vector.broadcast %jit3A_559 : i32 to vector<16xi32>
      %select_n3A_562 = arith.select %gt3A_557, %broadcast_in_dim3A_560, %broadcast_in_dim3A_561 : vector<16xi1>, vector<16xi32>
      %add3A_563 = arith.addi %add3A_556, %select_n3A_562 : vector<16xi32>
      %gt3A_564 = arith.cmpf ogt, %get3A_90, %max3A_505 : vector<16xf32>
      %jit3A_565 = arith.constant 1 : i32
      %jit3A_566 = arith.constant 0 : i32
      %broadcast_in_dim3A_567 = vector.broadcast %jit3A_565 : i32 to vector<16xi32>
      %broadcast_in_dim3A_568 = vector.broadcast %jit3A_566 : i32 to vector<16xi32>
      %select_n3A_569 = arith.select %gt3A_564, %broadcast_in_dim3A_567, %broadcast_in_dim3A_568 : vector<16xi1>, vector<16xi32>
      %add3A_570 = arith.addi %add3A_563, %select_n3A_569 : vector<16xi32>
      %gt3A_571 = arith.cmpf ogt, %get3A_95, %max3A_505 : vector<16xf32>
      %jit3A_572 = arith.constant 1 : i32
      %jit3A_573 = arith.constant 0 : i32
      %broadcast_in_dim3A_574 = vector.broadcast %jit3A_572 : i32 to vector<16xi32>
      %broadcast_in_dim3A_575 = vector.broadcast %jit3A_573 : i32 to vector<16xi32>
      %select_n3A_576 = arith.select %gt3A_571, %broadcast_in_dim3A_574, %broadcast_in_dim3A_575 : vector<16xi1>, vector<16xi32>
      %add3A_577 = arith.addi %add3A_570, %select_n3A_576 : vector<16xi32>
      %gt3A_578 = arith.cmpf ogt, %get3A_100, %max3A_505 : vector<16xf32>
      %jit3A_579 = arith.constant 1 : i32
      %jit3A_580 = arith.constant 0 : i32
      %broadcast_in_dim3A_581 = vector.broadcast %jit3A_579 : i32 to vector<16xi32>
      %broadcast_in_dim3A_582 = vector.broadcast %jit3A_580 : i32 to vector<16xi32>
      %select_n3A_583 = arith.select %gt3A_578, %broadcast_in_dim3A_581, %broadcast_in_dim3A_582 : vector<16xi1>, vector<16xi32>
      %add3A_584 = arith.addi %add3A_577, %select_n3A_583 : vector<16xi32>
      %gt3A_585 = arith.cmpf ogt, %get3A_105, %max3A_505 : vector<16xf32>
      %jit3A_586 = arith.constant 1 : i32
      %jit3A_587 = arith.constant 0 : i32
      %broadcast_in_dim3A_588 = vector.broadcast %jit3A_586 : i32 to vector<16xi32>
      %broadcast_in_dim3A_589 = vector.broadcast %jit3A_587 : i32 to vector<16xi32>
      %select_n3A_590 = arith.select %gt3A_585, %broadcast_in_dim3A_588, %broadcast_in_dim3A_589 : vector<16xi1>, vector<16xi32>
      %add3A_591 = arith.addi %add3A_584, %select_n3A_590 : vector<16xi32>
      %gt3A_592 = arith.cmpf ogt, %get3A_110, %max3A_505 : vector<16xf32>
      %jit3A_593 = arith.constant 1 : i32
      %jit3A_594 = arith.constant 0 : i32
      %broadcast_in_dim3A_595 = vector.broadcast %jit3A_593 : i32 to vector<16xi32>
      %broadcast_in_dim3A_596 = vector.broadcast %jit3A_594 : i32 to vector<16xi32>
      %select_n3A_597 = arith.select %gt3A_592, %broadcast_in_dim3A_595, %broadcast_in_dim3A_596 : vector<16xi1>, vector<16xi32>
      %add3A_598 = arith.addi %add3A_591, %select_n3A_597 : vector<16xi32>
      %gt3A_599 = arith.cmpf ogt, %get3A_115, %max3A_505 : vector<16xf32>
      %jit3A_600 = arith.constant 1 : i32
      %jit3A_601 = arith.constant 0 : i32
      %broadcast_in_dim3A_602 = vector.broadcast %jit3A_600 : i32 to vector<16xi32>
      %broadcast_in_dim3A_603 = vector.broadcast %jit3A_601 : i32 to vector<16xi32>
      %select_n3A_604 = arith.select %gt3A_599, %broadcast_in_dim3A_602, %broadcast_in_dim3A_603 : vector<16xi1>, vector<16xi32>
      %add3A_605 = arith.addi %add3A_598, %select_n3A_604 : vector<16xi32>
      %gt3A_606 = arith.cmpf ogt, %get3A_120, %max3A_505 : vector<16xf32>
      %jit3A_607 = arith.constant 1 : i32
      %jit3A_608 = arith.constant 0 : i32
      %broadcast_in_dim3A_609 = vector.broadcast %jit3A_607 : i32 to vector<16xi32>
      %broadcast_in_dim3A_610 = vector.broadcast %jit3A_608 : i32 to vector<16xi32>
      %select_n3A_611 = arith.select %gt3A_606, %broadcast_in_dim3A_609, %broadcast_in_dim3A_610 : vector<16xi1>, vector<16xi32>
      %add3A_612 = arith.addi %add3A_605, %select_n3A_611 : vector<16xi32>
      %gt3A_613 = arith.cmpf ogt, %get3A_125, %max3A_505 : vector<16xf32>
      %jit3A_614 = arith.constant 1 : i32
      %jit3A_615 = arith.constant 0 : i32
      %broadcast_in_dim3A_616 = vector.broadcast %jit3A_614 : i32 to vector<16xi32>
      %broadcast_in_dim3A_617 = vector.broadcast %jit3A_615 : i32 to vector<16xi32>
      %select_n3A_618 = arith.select %gt3A_613, %broadcast_in_dim3A_616, %broadcast_in_dim3A_617 : vector<16xi1>, vector<16xi32>
      %add3A_619 = arith.addi %add3A_612, %select_n3A_618 : vector<16xi32>
      %gt3A_620 = arith.cmpf ogt, %get3A_130, %max3A_505 : vector<16xf32>
      %jit3A_621 = arith.constant 1 : i32
      %jit3A_622 = arith.constant 0 : i32
      %broadcast_in_dim3A_623 = vector.broadcast %jit3A_621 : i32 to vector<16xi32>
      %broadcast_in_dim3A_624 = vector.broadcast %jit3A_622 : i32 to vector<16xi32>
      %select_n3A_625 = arith.select %gt3A_620, %broadcast_in_dim3A_623, %broadcast_in_dim3A_624 : vector<16xi1>, vector<16xi32>
      %add3A_626 = arith.addi %add3A_619, %select_n3A_625 : vector<16xi32>
      %gt3A_627 = arith.cmpf ogt, %get3A_135, %max3A_505 : vector<16xf32>
      %jit3A_628 = arith.constant 1 : i32
      %jit3A_629 = arith.constant 0 : i32
      %broadcast_in_dim3A_630 = vector.broadcast %jit3A_628 : i32 to vector<16xi32>
      %broadcast_in_dim3A_631 = vector.broadcast %jit3A_629 : i32 to vector<16xi32>
      %select_n3A_632 = arith.select %gt3A_627, %broadcast_in_dim3A_630, %broadcast_in_dim3A_631 : vector<16xi1>, vector<16xi32>
      %add3A_633 = arith.addi %add3A_626, %select_n3A_632 : vector<16xi32>
      %gt3A_634 = arith.cmpf ogt, %get3A_140, %max3A_505 : vector<16xf32>
      %jit3A_635 = arith.constant 1 : i32
      %jit3A_636 = arith.constant 0 : i32
      %broadcast_in_dim3A_637 = vector.broadcast %jit3A_635 : i32 to vector<16xi32>
      %broadcast_in_dim3A_638 = vector.broadcast %jit3A_636 : i32 to vector<16xi32>
      %select_n3A_639 = arith.select %gt3A_634, %broadcast_in_dim3A_637, %broadcast_in_dim3A_638 : vector<16xi1>, vector<16xi32>
      %add3A_640 = arith.addi %add3A_633, %select_n3A_639 : vector<16xi32>
      %gt3A_641 = arith.cmpf ogt, %get3A_145, %max3A_505 : vector<16xf32>
      %jit3A_642 = arith.constant 1 : i32
      %jit3A_643 = arith.constant 0 : i32
      %broadcast_in_dim3A_644 = vector.broadcast %jit3A_642 : i32 to vector<16xi32>
      %broadcast_in_dim3A_645 = vector.broadcast %jit3A_643 : i32 to vector<16xi32>
      %select_n3A_646 = arith.select %gt3A_641, %broadcast_in_dim3A_644, %broadcast_in_dim3A_645 : vector<16xi1>, vector<16xi32>
      %add3A_647 = arith.addi %add3A_640, %select_n3A_646 : vector<16xi32>
      %gt3A_648 = arith.cmpf ogt, %get3A_150, %max3A_505 : vector<16xf32>
      %jit3A_649 = arith.constant 1 : i32
      %jit3A_650 = arith.constant 0 : i32
      %broadcast_in_dim3A_651 = vector.broadcast %jit3A_649 : i32 to vector<16xi32>
      %broadcast_in_dim3A_652 = vector.broadcast %jit3A_650 : i32 to vector<16xi32>
      %select_n3A_653 = arith.select %gt3A_648, %broadcast_in_dim3A_651, %broadcast_in_dim3A_652 : vector<16xi1>, vector<16xi32>
      %add3A_654 = arith.addi %add3A_647, %select_n3A_653 : vector<16xi32>
      %gt3A_655 = arith.cmpf ogt, %get3A_155, %max3A_505 : vector<16xf32>
      %jit3A_656 = arith.constant 1 : i32
      %jit3A_657 = arith.constant 0 : i32
      %broadcast_in_dim3A_658 = vector.broadcast %jit3A_656 : i32 to vector<16xi32>
      %broadcast_in_dim3A_659 = vector.broadcast %jit3A_657 : i32 to vector<16xi32>
      %select_n3A_660 = arith.select %gt3A_655, %broadcast_in_dim3A_658, %broadcast_in_dim3A_659 : vector<16xi1>, vector<16xi32>
      %add3A_661 = arith.addi %add3A_654, %select_n3A_660 : vector<16xi32>
      %eq3A_662 = arith.cmpf oeq, %get3A_50, %max3A_505 : vector<16xf32>
      %gt3A_663 = arith.cmpf ogt, %get3A_50, %max3A_505 : vector<16xf32>
      %lt3A_664 = arith.constant 8 : i32
      %lt3A_665 = vector.broadcast %lt3A_664 : i32 to vector<16xi32>
      %lt3A_666 = arith.cmpi slt, %add3A_661, %lt3A_665 : vector<16xi32>
      %and3A_667 = arith.andi %eq3A_662, %lt3A_666 : vector<16xi1>
      %or3A = arith.ori %gt3A_663, %and3A_667 : vector<16xi1>
      %jit3A_668 = arith.constant 0.000000e+00 : f32
      %broadcast_in_dim3A_669 = vector.broadcast %jit3A_668 : f32 to vector<16xf32>
      %select_n3A_670 = arith.select %or3A, %get3A_50, %broadcast_in_dim3A_669 : vector<16xi1>, vector<16xf32>
      %swap3A = arith.constant 0 : i32
      %swap3A_671 = arith.index_cast %swap3A : i32 to index
      %swap3A_672 = arith.index_cast %mul3A_46 : i32 to index
      %swap3A_673 = tpu.vector_load %arg4[%swap3A_671, %swap3A_672] {strides = array<i32>} : memref<22x2048xf32, #tpu.memory_space<vmem>>, vector<1x16xf32>,
      %swap3A_674 = vector.shape_cast %swap3A_673 : vector<1x16xf32> to vector<16xf32>
      %swap3A_675 = vector.shape_cast %select_n3A_670 : vector<16xf32> to vector<1x16xf32>
      tpu.vector_store %arg4[%swap3A_671, %swap3A_672], %swap3A_675 {strides = array<i32>} : memref<22x2048xf32, #tpu.memory_space<vmem>>, vector<1x16xf32>,
      %jit3A_676 = arith.constant 1 : i32
      %jit3A_677 = arith.constant 0 : i32
      %broadcast_in_dim3A_678 = vector.broadcast %jit3A_676 : i32 to vector<16xi32>
      %broadcast_in_dim3A_679 = vector.broadcast %jit3A_677 : i32 to vector<16xi32>
      %select_n3A_680 = arith.select %eq3A_662, %broadcast_in_dim3A_678, %broadcast_in_dim3A_679 : vector<16xi1>, vector<16xi32>
      %add3A_681 = arith.addi %add3A_661, %select_n3A_680 : vector<16xi32>
      %eq3A_682 = arith.cmpf oeq, %get3A_55, %max3A_505 : vector<16xf32>
      %gt3A_683 = arith.cmpf ogt, %get3A_55, %max3A_505 : vector<16xf32>
      %lt3A_684 = arith.constant 8 : i32
      %lt3A_685 = vector.broadcast %lt3A_684 : i32 to vector<16xi32>
      %lt3A_686 = arith.cmpi slt, %add3A_681, %lt3A_685 : vector<16xi32>
      %and3A_687 = arith.andi %eq3A_682, %lt3A_686 : vector<16xi1>
      %or3A_688 = arith.ori %gt3A_683, %and3A_687 : vector<16xi1>
      %jit3A_689 = arith.constant 0.000000e+00 : f32
      %broadcast_in_dim3A_690 = vector.broadcast %jit3A_689 : f32 to vector<16xf32>
      %select_n3A_691 = arith.select %or3A_688, %get3A_55, %broadcast_in_dim3A_690 : vector<16xi1>, vector<16xf32>
      %swap3A_692 = arith.constant 1 : i32
      %swap3A_693 = arith.index_cast %swap3A_692 : i32 to index
      %swap3A_694 = arith.index_cast %mul3A_46 : i32 to index
      %swap3A_695 = tpu.vector_load %arg4[%swap3A_693, %swap3A_694] {strides = array<i32>} : memref<22x2048xf32, #tpu.memory_space<vmem>>, vector<1x16xf32>,
      %swap3A_696 = vector.shape_cast %swap3A_695 : vector<1x16xf32> to vector<16xf32>
      %swap3A_697 = vector.shape_cast %select_n3A_691 : vector<16xf32> to vector<1x16xf32>
      tpu.vector_store %arg4[%swap3A_693, %swap3A_694], %swap3A_697 {strides = array<i32>} : memref<22x2048xf32, #tpu.memory_space<vmem>>, vector<1x16xf32>,
      %jit3A_698 = arith.constant 1 : i32
      %jit3A_699 = arith.constant 0 : i32
      %broadcast_in_dim3A_700 = vector.broadcast %jit3A_698 : i32 to vector<16xi32>
      %broadcast_in_dim3A_701 = vector.broadcast %jit3A_699 : i32 to vector<16xi32>
      %select_n3A_702 = arith.select %eq3A_682, %broadcast_in_dim3A_700, %broadcast_in_dim3A_701 : vector<16xi1>, vector<16xi32>
      %add3A_703 = arith.addi %add3A_681, %select_n3A_702 : vector<16xi32>
      %eq3A_704 = arith.cmpf oeq, %get3A_60, %max3A_505 : vector<16xf32>
      %gt3A_705 = arith.cmpf ogt, %get3A_60, %max3A_505 : vector<16xf32>
      %lt3A_706 = arith.constant 8 : i32
      %lt3A_707 = vector.broadcast %lt3A_706 : i32 to vector<16xi32>
      %lt3A_708 = arith.cmpi slt, %add3A_703, %lt3A_707 : vector<16xi32>
      %and3A_709 = arith.andi %eq3A_704, %lt3A_708 : vector<16xi1>
      %or3A_710 = arith.ori %gt3A_705, %and3A_709 : vector<16xi1>
      %jit3A_711 = arith.constant 0.000000e+00 : f32
      %broadcast_in_dim3A_712 = vector.broadcast %jit3A_711 : f32 to vector<16xf32>
      %select_n3A_713 = arith.select %or3A_710, %get3A_60, %broadcast_in_dim3A_712 : vector<16xi1>, vector<16xf32>
      %swap3A_714 = arith.constant 2 : i32
      %swap3A_715 = arith.index_cast %swap3A_714 : i32 to index
      %swap3A_716 = arith.index_cast %mul3A_46 : i32 to index
      %swap3A_717 = tpu.vector_load %arg4[%swap3A_715, %swap3A_716] {strides = array<i32>} : memref<22x2048xf32, #tpu.memory_space<vmem>>, vector<1x16xf32>,
      %swap3A_718 = vector.shape_cast %swap3A_717 : vector<1x16xf32> to vector<16xf32>
      %swap3A_719 = vector.shape_cast %select_n3A_713 : vector<16xf32> to vector<1x16xf32>
      tpu.vector_store %arg4[%swap3A_715, %swap3A_716], %swap3A_719 {strides = array<i32>} : memref<22x2048xf32, #tpu.memory_space<vmem>>, vector<1x16xf32>,
      %jit3A_720 = arith.constant 1 : i32
      %jit3A_721 = arith.constant 0 : i32
      %broadcast_in_dim3A_722 = vector.broadcast %jit3A_720 : i32 to vector<16xi32>
      %broadcast_in_dim3A_723 = vector.broadcast %jit3A_721 : i32 to vector<16xi32>
      %select_n3A_724 = arith.select %eq3A_704, %broadcast_in_dim3A_722, %broadcast_in_dim3A_723 : vector<16xi1>, vector<16xi32>
      %add3A_725 = arith.addi %add3A_703, %select_n3A_724 : vector<16xi32>
      %eq3A_726 = arith.cmpf oeq, %get3A_65, %max3A_505 : vector<16xf32>
      %gt3A_727 = arith.cmpf ogt, %get3A_65, %max3A_505 : vector<16xf32>
      %lt3A_728 = arith.constant 8 : i32
      %lt3A_729 = vector.broadcast %lt3A_728 : i32 to vector<16xi32>
      %lt3A_730 = arith.cmpi slt, %add3A_725, %lt3A_729 : vector<16xi32>
      %and3A_731 = arith.andi %eq3A_726, %lt3A_730 : vector<16xi1>
      %or3A_732 = arith.ori %gt3A_727, %and3A_731 : vector<16xi1>
      %jit3A_733 = arith.constant 0.000000e+00 : f32
      %broadcast_in_dim3A_734 = vector.broadcast %jit3A_733 : f32 to vector<16xf32>
      %select_n3A_735 = arith.select %or3A_732, %get3A_65, %broadcast_in_dim3A_734 : vector<16xi1>, vector<16xf32>
      %swap3A_736 = arith.constant 3 : i32
      %swap3A_737 = arith.index_cast %swap3A_736 : i32 to index
      %swap3A_738 = arith.index_cast %mul3A_46 : i32 to index
      %swap3A_739 = tpu.vector_load %arg4[%swap3A_737, %swap3A_738] {strides = array<i32>} : memref<22x2048xf32, #tpu.memory_space<vmem>>, vector<1x16xf32>,
      %swap3A_740 = vector.shape_cast %swap3A_739 : vector<1x16xf32> to vector<16xf32>
      %swap3A_741 = vector.shape_cast %select_n3A_735 : vector<16xf32> to vector<1x16xf32>
      tpu.vector_store %arg4[%swap3A_737, %swap3A_738], %swap3A_741 {strides = array<i32>} : memref<22x2048xf32, #tpu.memory_space<vmem>>, vector<1x16xf32>,
      %jit3A_742 = arith.constant 1 : i32
      %jit3A_743 = arith.constant 0 : i32
      %broadcast_in_dim3A_744 = vector.broadcast %jit3A_742 : i32 to vector<16xi32>
      %broadcast_in_dim3A_745 = vector.broadcast %jit3A_743 : i32 to vector<16xi32>
      %select_n3A_746 = arith.select %eq3A_726, %broadcast_in_dim3A_744, %broadcast_in_dim3A_745 : vector<16xi1>, vector<16xi32>
      %add3A_747 = arith.addi %add3A_725, %select_n3A_746 : vector<16xi32>
      %eq3A_748 = arith.cmpf oeq, %get3A_70, %max3A_505 : vector<16xf32>
      %gt3A_749 = arith.cmpf ogt, %get3A_70, %max3A_505 : vector<16xf32>
      %lt3A_750 = arith.constant 8 : i32
      %lt3A_751 = vector.broadcast %lt3A_750 : i32 to vector<16xi32>
      %lt3A_752 = arith.cmpi slt, %add3A_747, %lt3A_751 : vector<16xi32>
      %and3A_753 = arith.andi %eq3A_748, %lt3A_752 : vector<16xi1>
      %or3A_754 = arith.ori %gt3A_749, %and3A_753 : vector<16xi1>
      %jit3A_755 = arith.constant 0.000000e+00 : f32
      %broadcast_in_dim3A_756 = vector.broadcast %jit3A_755 : f32 to vector<16xf32>
      %select_n3A_757 = arith.select %or3A_754, %get3A_70, %broadcast_in_dim3A_756 : vector<16xi1>, vector<16xf32>
      %swap3A_758 = arith.constant 4 : i32
      %swap3A_759 = arith.index_cast %swap3A_758 : i32 to index
      %swap3A_760 = arith.index_cast %mul3A_46 : i32 to index
      %swap3A_761 = tpu.vector_load %arg4[%swap3A_759, %swap3A_760] {strides = array<i32>} : memref<22x2048xf32, #tpu.memory_space<vmem>>, vector<1x16xf32>,
      %swap3A_762 = vector.shape_cast %swap3A_761 : vector<1x16xf32> to vector<16xf32>
      %swap3A_763 = vector.shape_cast %select_n3A_757 : vector<16xf32> to vector<1x16xf32>
      tpu.vector_store %arg4[%swap3A_759, %swap3A_760], %swap3A_763 {strides = array<i32>} : memref<22x2048xf32, #tpu.memory_space<vmem>>, vector<1x16xf32>,
      %jit3A_764 = arith.constant 1 : i32
      %jit3A_765 = arith.constant 0 : i32
      %broadcast_in_dim3A_766 = vector.broadcast %jit3A_764 : i32 to vector<16xi32>
      %broadcast_in_dim3A_767 = vector.broadcast %jit3A_765 : i32 to vector<16xi32>
      %select_n3A_768 = arith.select %eq3A_748, %broadcast_in_dim3A_766, %broadcast_in_dim3A_767 : vector<16xi1>, vector<16xi32>
      %add3A_769 = arith.addi %add3A_747, %select_n3A_768 : vector<16xi32>
      %eq3A_770 = arith.cmpf oeq, %get3A_75, %max3A_505 : vector<16xf32>
      %gt3A_771 = arith.cmpf ogt, %get3A_75, %max3A_505 : vector<16xf32>
      %lt3A_772 = arith.constant 8 : i32
      %lt3A_773 = vector.broadcast %lt3A_772 : i32 to vector<16xi32>
      %lt3A_774 = arith.cmpi slt, %add3A_769, %lt3A_773 : vector<16xi32>
      %and3A_775 = arith.andi %eq3A_770, %lt3A_774 : vector<16xi1>
      %or3A_776 = arith.ori %gt3A_771, %and3A_775 : vector<16xi1>
      %jit3A_777 = arith.constant 0.000000e+00 : f32
      %broadcast_in_dim3A_778 = vector.broadcast %jit3A_777 : f32 to vector<16xf32>
      %select_n3A_779 = arith.select %or3A_776, %get3A_75, %broadcast_in_dim3A_778 : vector<16xi1>, vector<16xf32>
      %swap3A_780 = arith.constant 5 : i32
      %swap3A_781 = arith.index_cast %swap3A_780 : i32 to index
      %swap3A_782 = arith.index_cast %mul3A_46 : i32 to index
      %swap3A_783 = tpu.vector_load %arg4[%swap3A_781, %swap3A_782] {strides = array<i32>} : memref<22x2048xf32, #tpu.memory_space<vmem>>, vector<1x16xf32>,
      %swap3A_784 = vector.shape_cast %swap3A_783 : vector<1x16xf32> to vector<16xf32>
      %swap3A_785 = vector.shape_cast %select_n3A_779 : vector<16xf32> to vector<1x16xf32>
      tpu.vector_store %arg4[%swap3A_781, %swap3A_782], %swap3A_785 {strides = array<i32>} : memref<22x2048xf32, #tpu.memory_space<vmem>>, vector<1x16xf32>,
      %jit3A_786 = arith.constant 1 : i32
      %jit3A_787 = arith.constant 0 : i32
      %broadcast_in_dim3A_788 = vector.broadcast %jit3A_786 : i32 to vector<16xi32>
      %broadcast_in_dim3A_789 = vector.broadcast %jit3A_787 : i32 to vector<16xi32>
      %select_n3A_790 = arith.select %eq3A_770, %broadcast_in_dim3A_788, %broadcast_in_dim3A_789 : vector<16xi1>, vector<16xi32>
      %add3A_791 = arith.addi %add3A_769, %select_n3A_790 : vector<16xi32>
      %eq3A_792 = arith.cmpf oeq, %get3A_80, %max3A_505 : vector<16xf32>
      %gt3A_793 = arith.cmpf ogt, %get3A_80, %max3A_505 : vector<16xf32>
      %lt3A_794 = arith.constant 8 : i32
      %lt3A_795 = vector.broadcast %lt3A_794 : i32 to vector<16xi32>
      %lt3A_796 = arith.cmpi slt, %add3A_791, %lt3A_795 : vector<16xi32>
      %and3A_797 = arith.andi %eq3A_792, %lt3A_796 : vector<16xi1>
      %or3A_798 = arith.ori %gt3A_793, %and3A_797 : vector<16xi1>
      %jit3A_799 = arith.constant 0.000000e+00 : f32
      %broadcast_in_dim3A_800 = vector.broadcast %jit3A_799 : f32 to vector<16xf32>
      %select_n3A_801 = arith.select %or3A_798, %get3A_80, %broadcast_in_dim3A_800 : vector<16xi1>, vector<16xf32>
      %swap3A_802 = arith.constant 6 : i32
      %swap3A_803 = arith.index_cast %swap3A_802 : i32 to index
      %swap3A_804 = arith.index_cast %mul3A_46 : i32 to index
      %swap3A_805 = tpu.vector_load %arg4[%swap3A_803, %swap3A_804] {strides = array<i32>} : memref<22x2048xf32, #tpu.memory_space<vmem>>, vector<1x16xf32>,
      %swap3A_806 = vector.shape_cast %swap3A_805 : vector<1x16xf32> to vector<16xf32>
      %swap3A_807 = vector.shape_cast %select_n3A_801 : vector<16xf32> to vector<1x16xf32>
      tpu.vector_store %arg4[%swap3A_803, %swap3A_804], %swap3A_807 {strides = array<i32>} : memref<22x2048xf32, #tpu.memory_space<vmem>>, vector<1x16xf32>,
      %jit3A_808 = arith.constant 1 : i32
      %jit3A_809 = arith.constant 0 : i32
      %broadcast_in_dim3A_810 = vector.broadcast %jit3A_808 : i32 to vector<16xi32>
      %broadcast_in_dim3A_811 = vector.broadcast %jit3A_809 : i32 to vector<16xi32>
      %select_n3A_812 = arith.select %eq3A_792, %broadcast_in_dim3A_810, %broadcast_in_dim3A_811 : vector<16xi1>, vector<16xi32>
      %add3A_813 = arith.addi %add3A_791, %select_n3A_812 : vector<16xi32>
      %eq3A_814 = arith.cmpf oeq, %get3A_85, %max3A_505 : vector<16xf32>
      %gt3A_815 = arith.cmpf ogt, %get3A_85, %max3A_505 : vector<16xf32>
      %lt3A_816 = arith.constant 8 : i32
      %lt3A_817 = vector.broadcast %lt3A_816 : i32 to vector<16xi32>
      %lt3A_818 = arith.cmpi slt, %add3A_813, %lt3A_817 : vector<16xi32>
      %and3A_819 = arith.andi %eq3A_814, %lt3A_818 : vector<16xi1>
      %or3A_820 = arith.ori %gt3A_815, %and3A_819 : vector<16xi1>
      %jit3A_821 = arith.constant 0.000000e+00 : f32
      %broadcast_in_dim3A_822 = vector.broadcast %jit3A_821 : f32 to vector<16xf32>
      %select_n3A_823 = arith.select %or3A_820, %get3A_85, %broadcast_in_dim3A_822 : vector<16xi1>, vector<16xf32>
      %swap3A_824 = arith.constant 7 : i32
      %swap3A_825 = arith.index_cast %swap3A_824 : i32 to index
      %swap3A_826 = arith.index_cast %mul3A_46 : i32 to index
      %swap3A_827 = tpu.vector_load %arg4[%swap3A_825, %swap3A_826] {strides = array<i32>} : memref<22x2048xf32, #tpu.memory_space<vmem>>, vector<1x16xf32>,
      %swap3A_828 = vector.shape_cast %swap3A_827 : vector<1x16xf32> to vector<16xf32>
      %swap3A_829 = vector.shape_cast %select_n3A_823 : vector<16xf32> to vector<1x16xf32>
      tpu.vector_store %arg4[%swap3A_825, %swap3A_826], %swap3A_829 {strides = array<i32>} : memref<22x2048xf32, #tpu.memory_space<vmem>>, vector<1x16xf32>,
      %jit3A_830 = arith.constant 1 : i32
      %jit3A_831 = arith.constant 0 : i32
      %broadcast_in_dim3A_832 = vector.broadcast %jit3A_830 : i32 to vector<16xi32>
      %broadcast_in_dim3A_833 = vector.broadcast %jit3A_831 : i32 to vector<16xi32>
      %select_n3A_834 = arith.select %eq3A_814, %broadcast_in_dim3A_832, %broadcast_in_dim3A_833 : vector<16xi1>, vector<16xi32>
      %add3A_835 = arith.addi %add3A_813, %select_n3A_834 : vector<16xi32>
      %eq3A_836 = arith.cmpf oeq, %get3A_90, %max3A_505 : vector<16xf32>
      %gt3A_837 = arith.cmpf ogt, %get3A_90, %max3A_505 : vector<16xf32>
      %lt3A_838 = arith.constant 8 : i32
      %lt3A_839 = vector.broadcast %lt3A_838 : i32 to vector<16xi32>
      %lt3A_840 = arith.cmpi slt, %add3A_835, %lt3A_839 : vector<16xi32>
      %and3A_841 = arith.andi %eq3A_836, %lt3A_840 : vector<16xi1>
      %or3A_842 = arith.ori %gt3A_837, %and3A_841 : vector<16xi1>
      %jit3A_843 = arith.constant 0.000000e+00 : f32
      %broadcast_in_dim3A_844 = vector.broadcast %jit3A_843 : f32 to vector<16xf32>
      %select_n3A_845 = arith.select %or3A_842, %get3A_90, %broadcast_in_dim3A_844 : vector<16xi1>, vector<16xf32>
      %swap3A_846 = arith.constant 8 : i32
      %swap3A_847 = arith.index_cast %swap3A_846 : i32 to index
      %swap3A_848 = arith.index_cast %mul3A_46 : i32 to index
      %swap3A_849 = tpu.vector_load %arg4[%swap3A_847, %swap3A_848] {strides = array<i32>} : memref<22x2048xf32, #tpu.memory_space<vmem>>, vector<1x16xf32>,
      %swap3A_850 = vector.shape_cast %swap3A_849 : vector<1x16xf32> to vector<16xf32>
      %swap3A_851 = vector.shape_cast %select_n3A_845 : vector<16xf32> to vector<1x16xf32>
      tpu.vector_store %arg4[%swap3A_847, %swap3A_848], %swap3A_851 {strides = array<i32>} : memref<22x2048xf32, #tpu.memory_space<vmem>>, vector<1x16xf32>,
      %jit3A_852 = arith.constant 1 : i32
      %jit3A_853 = arith.constant 0 : i32
      %broadcast_in_dim3A_854 = vector.broadcast %jit3A_852 : i32 to vector<16xi32>
      %broadcast_in_dim3A_855 = vector.broadcast %jit3A_853 : i32 to vector<16xi32>
      %select_n3A_856 = arith.select %eq3A_836, %broadcast_in_dim3A_854, %broadcast_in_dim3A_855 : vector<16xi1>, vector<16xi32>
      %add3A_857 = arith.addi %add3A_835, %select_n3A_856 : vector<16xi32>
      %eq3A_858 = arith.cmpf oeq, %get3A_95, %max3A_505 : vector<16xf32>
      %gt3A_859 = arith.cmpf ogt, %get3A_95, %max3A_505 : vector<16xf32>
      %lt3A_860 = arith.constant 8 : i32
      %lt3A_861 = vector.broadcast %lt3A_860 : i32 to vector<16xi32>
      %lt3A_862 = arith.cmpi slt, %add3A_857, %lt3A_861 : vector<16xi32>
      %and3A_863 = arith.andi %eq3A_858, %lt3A_862 : vector<16xi1>
      %or3A_864 = arith.ori %gt3A_859, %and3A_863 : vector<16xi1>
      %jit3A_865 = arith.constant 0.000000e+00 : f32
      %broadcast_in_dim3A_866 = vector.broadcast %jit3A_865 : f32 to vector<16xf32>
      %select_n3A_867 = arith.select %or3A_864, %get3A_95, %broadcast_in_dim3A_866 : vector<16xi1>, vector<16xf32>
      %swap3A_868 = arith.constant 9 : i32
      %swap3A_869 = arith.index_cast %swap3A_868 : i32 to index
      %swap3A_870 = arith.index_cast %mul3A_46 : i32 to index
      %swap3A_871 = tpu.vector_load %arg4[%swap3A_869, %swap3A_870] {strides = array<i32>} : memref<22x2048xf32, #tpu.memory_space<vmem>>, vector<1x16xf32>,
      %swap3A_872 = vector.shape_cast %swap3A_871 : vector<1x16xf32> to vector<16xf32>
      %swap3A_873 = vector.shape_cast %select_n3A_867 : vector<16xf32> to vector<1x16xf32>
      tpu.vector_store %arg4[%swap3A_869, %swap3A_870], %swap3A_873 {strides = array<i32>} : memref<22x2048xf32, #tpu.memory_space<vmem>>, vector<1x16xf32>,
      %jit3A_874 = arith.constant 1 : i32
      %jit3A_875 = arith.constant 0 : i32
      %broadcast_in_dim3A_876 = vector.broadcast %jit3A_874 : i32 to vector<16xi32>
      %broadcast_in_dim3A_877 = vector.broadcast %jit3A_875 : i32 to vector<16xi32>
      %select_n3A_878 = arith.select %eq3A_858, %broadcast_in_dim3A_876, %broadcast_in_dim3A_877 : vector<16xi1>, vector<16xi32>
      %add3A_879 = arith.addi %add3A_857, %select_n3A_878 : vector<16xi32>
      %eq3A_880 = arith.cmpf oeq, %get3A_100, %max3A_505 : vector<16xf32>
      %gt3A_881 = arith.cmpf ogt, %get3A_100, %max3A_505 : vector<16xf32>
      %lt3A_882 = arith.constant 8 : i32
      %lt3A_883 = vector.broadcast %lt3A_882 : i32 to vector<16xi32>
      %lt3A_884 = arith.cmpi slt, %add3A_879, %lt3A_883 : vector<16xi32>
      %and3A_885 = arith.andi %eq3A_880, %lt3A_884 : vector<16xi1>
      %or3A_886 = arith.ori %gt3A_881, %and3A_885 : vector<16xi1>
      %jit3A_887 = arith.constant 0.000000e+00 : f32
      %broadcast_in_dim3A_888 = vector.broadcast %jit3A_887 : f32 to vector<16xf32>
      %select_n3A_889 = arith.select %or3A_886, %get3A_100, %broadcast_in_dim3A_888 : vector<16xi1>, vector<16xf32>
      %swap3A_890 = arith.constant 10 : i32
      %swap3A_891 = arith.index_cast %swap3A_890 : i32 to index
      %swap3A_892 = arith.index_cast %mul3A_46 : i32 to index
      %swap3A_893 = tpu.vector_load %arg4[%swap3A_891, %swap3A_892] {strides = array<i32>} : memref<22x2048xf32, #tpu.memory_space<vmem>>, vector<1x16xf32>,
      %swap3A_894 = vector.shape_cast %swap3A_893 : vector<1x16xf32> to vector<16xf32>
      %swap3A_895 = vector.shape_cast %select_n3A_889 : vector<16xf32> to vector<1x16xf32>
      tpu.vector_store %arg4[%swap3A_891, %swap3A_892], %swap3A_895 {strides = array<i32>} : memref<22x2048xf32, #tpu.memory_space<vmem>>, vector<1x16xf32>,
      %jit3A_896 = arith.constant 1 : i32
      %jit3A_897 = arith.constant 0 : i32
      %broadcast_in_dim3A_898 = vector.broadcast %jit3A_896 : i32 to vector<16xi32>
      %broadcast_in_dim3A_899 = vector.broadcast %jit3A_897 : i32 to vector<16xi32>
      %select_n3A_900 = arith.select %eq3A_880, %broadcast_in_dim3A_898, %broadcast_in_dim3A_899 : vector<16xi1>, vector<16xi32>
      %add3A_901 = arith.addi %add3A_879, %select_n3A_900 : vector<16xi32>
      %eq3A_902 = arith.cmpf oeq, %get3A_105, %max3A_505 : vector<16xf32>
      %gt3A_903 = arith.cmpf ogt, %get3A_105, %max3A_505 : vector<16xf32>
      %lt3A_904 = arith.constant 8 : i32
      %lt3A_905 = vector.broadcast %lt3A_904 : i32 to vector<16xi32>
      %lt3A_906 = arith.cmpi slt, %add3A_901, %lt3A_905 : vector<16xi32>
      %and3A_907 = arith.andi %eq3A_902, %lt3A_906 : vector<16xi1>
      %or3A_908 = arith.ori %gt3A_903, %and3A_907 : vector<16xi1>
      %jit3A_909 = arith.constant 0.000000e+00 : f32
      %broadcast_in_dim3A_910 = vector.broadcast %jit3A_909 : f32 to vector<16xf32>
      %select_n3A_911 = arith.select %or3A_908, %get3A_105, %broadcast_in_dim3A_910 : vector<16xi1>, vector<16xf32>
      %swap3A_912 = arith.constant 11 : i32
      %swap3A_913 = arith.index_cast %swap3A_912 : i32 to index
      %swap3A_914 = arith.index_cast %mul3A_46 : i32 to index
      %swap3A_915 = tpu.vector_load %arg4[%swap3A_913, %swap3A_914] {strides = array<i32>} : memref<22x2048xf32, #tpu.memory_space<vmem>>, vector<1x16xf32>,
      %swap3A_916 = vector.shape_cast %swap3A_915 : vector<1x16xf32> to vector<16xf32>
      %swap3A_917 = vector.shape_cast %select_n3A_911 : vector<16xf32> to vector<1x16xf32>
      tpu.vector_store %arg4[%swap3A_913, %swap3A_914], %swap3A_917 {strides = array<i32>} : memref<22x2048xf32, #tpu.memory_space<vmem>>, vector<1x16xf32>,
      %jit3A_918 = arith.constant 1 : i32
      %jit3A_919 = arith.constant 0 : i32
      %broadcast_in_dim3A_920 = vector.broadcast %jit3A_918 : i32 to vector<16xi32>
      %broadcast_in_dim3A_921 = vector.broadcast %jit3A_919 : i32 to vector<16xi32>
      %select_n3A_922 = arith.select %eq3A_902, %broadcast_in_dim3A_920, %broadcast_in_dim3A_921 : vector<16xi1>, vector<16xi32>
      %add3A_923 = arith.addi %add3A_901, %select_n3A_922 : vector<16xi32>
      %eq3A_924 = arith.cmpf oeq, %get3A_110, %max3A_505 : vector<16xf32>
      %gt3A_925 = arith.cmpf ogt, %get3A_110, %max3A_505 : vector<16xf32>
      %lt3A_926 = arith.constant 8 : i32
      %lt3A_927 = vector.broadcast %lt3A_926 : i32 to vector<16xi32>
      %lt3A_928 = arith.cmpi slt, %add3A_923, %lt3A_927 : vector<16xi32>
      %and3A_929 = arith.andi %eq3A_924, %lt3A_928 : vector<16xi1>
      %or3A_930 = arith.ori %gt3A_925, %and3A_929 : vector<16xi1>
      %jit3A_931 = arith.constant 0.000000e+00 : f32
      %broadcast_in_dim3A_932 = vector.broadcast %jit3A_931 : f32 to vector<16xf32>
      %select_n3A_933 = arith.select %or3A_930, %get3A_110, %broadcast_in_dim3A_932 : vector<16xi1>, vector<16xf32>
      %swap3A_934 = arith.constant 12 : i32
      %swap3A_935 = arith.index_cast %swap3A_934 : i32 to index
      %swap3A_936 = arith.index_cast %mul3A_46 : i32 to index
      %swap3A_937 = tpu.vector_load %arg4[%swap3A_935, %swap3A_936] {strides = array<i32>} : memref<22x2048xf32, #tpu.memory_space<vmem>>, vector<1x16xf32>,
      %swap3A_938 = vector.shape_cast %swap3A_937 : vector<1x16xf32> to vector<16xf32>
      %swap3A_939 = vector.shape_cast %select_n3A_933 : vector<16xf32> to vector<1x16xf32>
      tpu.vector_store %arg4[%swap3A_935, %swap3A_936], %swap3A_939 {strides = array<i32>} : memref<22x2048xf32, #tpu.memory_space<vmem>>, vector<1x16xf32>,
      %jit3A_940 = arith.constant 1 : i32
      %jit3A_941 = arith.constant 0 : i32
      %broadcast_in_dim3A_942 = vector.broadcast %jit3A_940 : i32 to vector<16xi32>
      %broadcast_in_dim3A_943 = vector.broadcast %jit3A_941 : i32 to vector<16xi32>
      %select_n3A_944 = arith.select %eq3A_924, %broadcast_in_dim3A_942, %broadcast_in_dim3A_943 : vector<16xi1>, vector<16xi32>
      %add3A_945 = arith.addi %add3A_923, %select_n3A_944 : vector<16xi32>
      %eq3A_946 = arith.cmpf oeq, %get3A_115, %max3A_505 : vector<16xf32>
      %gt3A_947 = arith.cmpf ogt, %get3A_115, %max3A_505 : vector<16xf32>
      %lt3A_948 = arith.constant 8 : i32
      %lt3A_949 = vector.broadcast %lt3A_948 : i32 to vector<16xi32>
      %lt3A_950 = arith.cmpi slt, %add3A_945, %lt3A_949 : vector<16xi32>
      %and3A_951 = arith.andi %eq3A_946, %lt3A_950 : vector<16xi1>
      %or3A_952 = arith.ori %gt3A_947, %and3A_951 : vector<16xi1>
      %jit3A_953 = arith.constant 0.000000e+00 : f32
      %broadcast_in_dim3A_954 = vector.broadcast %jit3A_953 : f32 to vector<16xf32>
      %select_n3A_955 = arith.select %or3A_952, %get3A_115, %broadcast_in_dim3A_954 : vector<16xi1>, vector<16xf32>
      %swap3A_956 = arith.constant 13 : i32
      %swap3A_957 = arith.index_cast %swap3A_956 : i32 to index
      %swap3A_958 = arith.index_cast %mul3A_46 : i32 to index
      %swap3A_959 = tpu.vector_load %arg4[%swap3A_957, %swap3A_958] {strides = array<i32>} : memref<22x2048xf32, #tpu.memory_space<vmem>>, vector<1x16xf32>,
      %swap3A_960 = vector.shape_cast %swap3A_959 : vector<1x16xf32> to vector<16xf32>
      %swap3A_961 = vector.shape_cast %select_n3A_955 : vector<16xf32> to vector<1x16xf32>
      tpu.vector_store %arg4[%swap3A_957, %swap3A_958], %swap3A_961 {strides = array<i32>} : memref<22x2048xf32, #tpu.memory_space<vmem>>, vector<1x16xf32>,
      %jit3A_962 = arith.constant 1 : i32
      %jit3A_963 = arith.constant 0 : i32
      %broadcast_in_dim3A_964 = vector.broadcast %jit3A_962 : i32 to vector<16xi32>
      %broadcast_in_dim3A_965 = vector.broadcast %jit3A_963 : i32 to vector<16xi32>
      %select_n3A_966 = arith.select %eq3A_946, %broadcast_in_dim3A_964, %broadcast_in_dim3A_965 : vector<16xi1>, vector<16xi32>
      %add3A_967 = arith.addi %add3A_945, %select_n3A_966 : vector<16xi32>
      %eq3A_968 = arith.cmpf oeq, %get3A_120, %max3A_505 : vector<16xf32>
      %gt3A_969 = arith.cmpf ogt, %get3A_120, %max3A_505 : vector<16xf32>
      %lt3A_970 = arith.constant 8 : i32
      %lt3A_971 = vector.broadcast %lt3A_970 : i32 to vector<16xi32>
      %lt3A_972 = arith.cmpi slt, %add3A_967, %lt3A_971 : vector<16xi32>
      %and3A_973 = arith.andi %eq3A_968, %lt3A_972 : vector<16xi1>
      %or3A_974 = arith.ori %gt3A_969, %and3A_973 : vector<16xi1>
      %jit3A_975 = arith.constant 0.000000e+00 : f32
      %broadcast_in_dim3A_976 = vector.broadcast %jit3A_975 : f32 to vector<16xf32>
      %select_n3A_977 = arith.select %or3A_974, %get3A_120, %broadcast_in_dim3A_976 : vector<16xi1>, vector<16xf32>
      %swap3A_978 = arith.constant 14 : i32
      %swap3A_979 = arith.index_cast %swap3A_978 : i32 to index
      %swap3A_980 = arith.index_cast %mul3A_46 : i32 to index
      %swap3A_981 = tpu.vector_load %arg4[%swap3A_979, %swap3A_980] {strides = array<i32>} : memref<22x2048xf32, #tpu.memory_space<vmem>>, vector<1x16xf32>,
      %swap3A_982 = vector.shape_cast %swap3A_981 : vector<1x16xf32> to vector<16xf32>
      %swap3A_983 = vector.shape_cast %select_n3A_977 : vector<16xf32> to vector<1x16xf32>
      tpu.vector_store %arg4[%swap3A_979, %swap3A_980], %swap3A_983 {strides = array<i32>} : memref<22x2048xf32, #tpu.memory_space<vmem>>, vector<1x16xf32>,
      %jit3A_984 = arith.constant 1 : i32
      %jit3A_985 = arith.constant 0 : i32
      %broadcast_in_dim3A_986 = vector.broadcast %jit3A_984 : i32 to vector<16xi32>
      %broadcast_in_dim3A_987 = vector.broadcast %jit3A_985 : i32 to vector<16xi32>
      %select_n3A_988 = arith.select %eq3A_968, %broadcast_in_dim3A_986, %broadcast_in_dim3A_987 : vector<16xi1>, vector<16xi32>
      %add3A_989 = arith.addi %add3A_967, %select_n3A_988 : vector<16xi32>
      %eq3A_990 = arith.cmpf oeq, %get3A_125, %max3A_505 : vector<16xf32>
      %gt3A_991 = arith.cmpf ogt, %get3A_125, %max3A_505 : vector<16xf32>
      %lt3A_992 = arith.constant 8 : i32
      %lt3A_993 = vector.broadcast %lt3A_992 : i32 to vector<16xi32>
      %lt3A_994 = arith.cmpi slt, %add3A_989, %lt3A_993 : vector<16xi32>
      %and3A_995 = arith.andi %eq3A_990, %lt3A_994 : vector<16xi1>
      %or3A_996 = arith.ori %gt3A_991, %and3A_995 : vector<16xi1>
      %jit3A_997 = arith.constant 0.000000e+00 : f32
      %broadcast_in_dim3A_998 = vector.broadcast %jit3A_997 : f32 to vector<16xf32>
      %select_n3A_999 = arith.select %or3A_996, %get3A_125, %broadcast_in_dim3A_998 : vector<16xi1>, vector<16xf32>
      %swap3A_1000 = arith.constant 15 : i32
      %swap3A_1001 = arith.index_cast %swap3A_1000 : i32 to index
      %swap3A_1002 = arith.index_cast %mul3A_46 : i32 to index
      %swap3A_1003 = tpu.vector_load %arg4[%swap3A_1001, %swap3A_1002] {strides = array<i32>} : memref<22x2048xf32, #tpu.memory_space<vmem>>, vector<1x16xf32>,
      %swap3A_1004 = vector.shape_cast %swap3A_1003 : vector<1x16xf32> to vector<16xf32>
      %swap3A_1005 = vector.shape_cast %select_n3A_999 : vector<16xf32> to vector<1x16xf32>
      tpu.vector_store %arg4[%swap3A_1001, %swap3A_1002], %swap3A_1005 {strides = array<i32>} : memref<22x2048xf32, #tpu.memory_space<vmem>>, vector<1x16xf32>,
      %jit3A_1006 = arith.constant 1 : i32
      %jit3A_1007 = arith.constant 0 : i32
      %broadcast_in_dim3A_1008 = vector.broadcast %jit3A_1006 : i32 to vector<16xi32>
      %broadcast_in_dim3A_1009 = vector.broadcast %jit3A_1007 : i32 to vector<16xi32>
      %select_n3A_1010 = arith.select %eq3A_990, %broadcast_in_dim3A_1008, %broadcast_in_dim3A_1009 : vector<16xi1>, vector<16xi32>
      %add3A_1011 = arith.addi %add3A_989, %select_n3A_1010 : vector<16xi32>
      %eq3A_1012 = arith.cmpf oeq, %get3A_130, %max3A_505 : vector<16xf32>
      %gt3A_1013 = arith.cmpf ogt, %get3A_130, %max3A_505 : vector<16xf32>
      %lt3A_1014 = arith.constant 8 : i32
      %lt3A_1015 = vector.broadcast %lt3A_1014 : i32 to vector<16xi32>
      %lt3A_1016 = arith.cmpi slt, %add3A_1011, %lt3A_1015 : vector<16xi32>
      %and3A_1017 = arith.andi %eq3A_1012, %lt3A_1016 : vector<16xi1>
      %or3A_1018 = arith.ori %gt3A_1013, %and3A_1017 : vector<16xi1>
      %jit3A_1019 = arith.constant 0.000000e+00 : f32
      %broadcast_in_dim3A_1020 = vector.broadcast %jit3A_1019 : f32 to vector<16xf32>
      %select_n3A_1021 = arith.select %or3A_1018, %get3A_130, %broadcast_in_dim3A_1020 : vector<16xi1>, vector<16xf32>
      %swap3A_1022 = arith.constant 16 : i32
      %swap3A_1023 = arith.index_cast %swap3A_1022 : i32 to index
      %swap3A_1024 = arith.index_cast %mul3A_46 : i32 to index
      %swap3A_1025 = tpu.vector_load %arg4[%swap3A_1023, %swap3A_1024] {strides = array<i32>} : memref<22x2048xf32, #tpu.memory_space<vmem>>, vector<1x16xf32>,
      %swap3A_1026 = vector.shape_cast %swap3A_1025 : vector<1x16xf32> to vector<16xf32>
      %swap3A_1027 = vector.shape_cast %select_n3A_1021 : vector<16xf32> to vector<1x16xf32>
      tpu.vector_store %arg4[%swap3A_1023, %swap3A_1024], %swap3A_1027 {strides = array<i32>} : memref<22x2048xf32, #tpu.memory_space<vmem>>, vector<1x16xf32>,
      %jit3A_1028 = arith.constant 1 : i32
      %jit3A_1029 = arith.constant 0 : i32
      %broadcast_in_dim3A_1030 = vector.broadcast %jit3A_1028 : i32 to vector<16xi32>
      %broadcast_in_dim3A_1031 = vector.broadcast %jit3A_1029 : i32 to vector<16xi32>
      %select_n3A_1032 = arith.select %eq3A_1012, %broadcast_in_dim3A_1030, %broadcast_in_dim3A_1031 : vector<16xi1>, vector<16xi32>
      %add3A_1033 = arith.addi %add3A_1011, %select_n3A_1032 : vector<16xi32>
      %eq3A_1034 = arith.cmpf oeq, %get3A_135, %max3A_505 : vector<16xf32>
      %gt3A_1035 = arith.cmpf ogt, %get3A_135, %max3A_505 : vector<16xf32>
      %lt3A_1036 = arith.constant 8 : i32
      %lt3A_1037 = vector.broadcast %lt3A_1036 : i32 to vector<16xi32>
      %lt3A_1038 = arith.cmpi slt, %add3A_1033, %lt3A_1037 : vector<16xi32>
      %and3A_1039 = arith.andi %eq3A_1034, %lt3A_1038 : vector<16xi1>
      %or3A_1040 = arith.ori %gt3A_1035, %and3A_1039 : vector<16xi1>
      %jit3A_1041 = arith.constant 0.000000e+00 : f32
      %broadcast_in_dim3A_1042 = vector.broadcast %jit3A_1041 : f32 to vector<16xf32>
      %select_n3A_1043 = arith.select %or3A_1040, %get3A_135, %broadcast_in_dim3A_1042 : vector<16xi1>, vector<16xf32>
      %swap3A_1044 = arith.constant 17 : i32
      %swap3A_1045 = arith.index_cast %swap3A_1044 : i32 to index
      %swap3A_1046 = arith.index_cast %mul3A_46 : i32 to index
      %swap3A_1047 = tpu.vector_load %arg4[%swap3A_1045, %swap3A_1046] {strides = array<i32>} : memref<22x2048xf32, #tpu.memory_space<vmem>>, vector<1x16xf32>,
      %swap3A_1048 = vector.shape_cast %swap3A_1047 : vector<1x16xf32> to vector<16xf32>
      %swap3A_1049 = vector.shape_cast %select_n3A_1043 : vector<16xf32> to vector<1x16xf32>
      tpu.vector_store %arg4[%swap3A_1045, %swap3A_1046], %swap3A_1049 {strides = array<i32>} : memref<22x2048xf32, #tpu.memory_space<vmem>>, vector<1x16xf32>,
      %jit3A_1050 = arith.constant 1 : i32
      %jit3A_1051 = arith.constant 0 : i32
      %broadcast_in_dim3A_1052 = vector.broadcast %jit3A_1050 : i32 to vector<16xi32>
      %broadcast_in_dim3A_1053 = vector.broadcast %jit3A_1051 : i32 to vector<16xi32>
      %select_n3A_1054 = arith.select %eq3A_1034, %broadcast_in_dim3A_1052, %broadcast_in_dim3A_1053 : vector<16xi1>, vector<16xi32>
      %add3A_1055 = arith.addi %add3A_1033, %select_n3A_1054 : vector<16xi32>
      %eq3A_1056 = arith.cmpf oeq, %get3A_140, %max3A_505 : vector<16xf32>
      %gt3A_1057 = arith.cmpf ogt, %get3A_140, %max3A_505 : vector<16xf32>
      %lt3A_1058 = arith.constant 8 : i32
      %lt3A_1059 = vector.broadcast %lt3A_1058 : i32 to vector<16xi32>
      %lt3A_1060 = arith.cmpi slt, %add3A_1055, %lt3A_1059 : vector<16xi32>
      %and3A_1061 = arith.andi %eq3A_1056, %lt3A_1060 : vector<16xi1>
      %or3A_1062 = arith.ori %gt3A_1057, %and3A_1061 : vector<16xi1>
      %jit3A_1063 = arith.constant 0.000000e+00 : f32
      %broadcast_in_dim3A_1064 = vector.broadcast %jit3A_1063 : f32 to vector<16xf32>
      %select_n3A_1065 = arith.select %or3A_1062, %get3A_140, %broadcast_in_dim3A_1064 : vector<16xi1>, vector<16xf32>
      %swap3A_1066 = arith.constant 18 : i32
      %swap3A_1067 = arith.index_cast %swap3A_1066 : i32 to index
      %swap3A_1068 = arith.index_cast %mul3A_46 : i32 to index
      %swap3A_1069 = tpu.vector_load %arg4[%swap3A_1067, %swap3A_1068] {strides = array<i32>} : memref<22x2048xf32, #tpu.memory_space<vmem>>, vector<1x16xf32>,
      %swap3A_1070 = vector.shape_cast %swap3A_1069 : vector<1x16xf32> to vector<16xf32>
      %swap3A_1071 = vector.shape_cast %select_n3A_1065 : vector<16xf32> to vector<1x16xf32>
      tpu.vector_store %arg4[%swap3A_1067, %swap3A_1068], %swap3A_1071 {strides = array<i32>} : memref<22x2048xf32, #tpu.memory_space<vmem>>, vector<1x16xf32>,
      %jit3A_1072 = arith.constant 1 : i32
      %jit3A_1073 = arith.constant 0 : i32
      %broadcast_in_dim3A_1074 = vector.broadcast %jit3A_1072 : i32 to vector<16xi32>
      %broadcast_in_dim3A_1075 = vector.broadcast %jit3A_1073 : i32 to vector<16xi32>
      %select_n3A_1076 = arith.select %eq3A_1056, %broadcast_in_dim3A_1074, %broadcast_in_dim3A_1075 : vector<16xi1>, vector<16xi32>
      %add3A_1077 = arith.addi %add3A_1055, %select_n3A_1076 : vector<16xi32>
      %eq3A_1078 = arith.cmpf oeq, %get3A_145, %max3A_505 : vector<16xf32>
      %gt3A_1079 = arith.cmpf ogt, %get3A_145, %max3A_505 : vector<16xf32>
      %lt3A_1080 = arith.constant 8 : i32
      %lt3A_1081 = vector.broadcast %lt3A_1080 : i32 to vector<16xi32>
      %lt3A_1082 = arith.cmpi slt, %add3A_1077, %lt3A_1081 : vector<16xi32>
      %and3A_1083 = arith.andi %eq3A_1078, %lt3A_1082 : vector<16xi1>
      %or3A_1084 = arith.ori %gt3A_1079, %and3A_1083 : vector<16xi1>
      %jit3A_1085 = arith.constant 0.000000e+00 : f32
      %broadcast_in_dim3A_1086 = vector.broadcast %jit3A_1085 : f32 to vector<16xf32>
      %select_n3A_1087 = arith.select %or3A_1084, %get3A_145, %broadcast_in_dim3A_1086 : vector<16xi1>, vector<16xf32>
      %swap3A_1088 = arith.constant 19 : i32
      %swap3A_1089 = arith.index_cast %swap3A_1088 : i32 to index
      %swap3A_1090 = arith.index_cast %mul3A_46 : i32 to index
      %swap3A_1091 = tpu.vector_load %arg4[%swap3A_1089, %swap3A_1090] {strides = array<i32>} : memref<22x2048xf32, #tpu.memory_space<vmem>>, vector<1x16xf32>,
      %swap3A_1092 = vector.shape_cast %swap3A_1091 : vector<1x16xf32> to vector<16xf32>
      %swap3A_1093 = vector.shape_cast %select_n3A_1087 : vector<16xf32> to vector<1x16xf32>
      tpu.vector_store %arg4[%swap3A_1089, %swap3A_1090], %swap3A_1093 {strides = array<i32>} : memref<22x2048xf32, #tpu.memory_space<vmem>>, vector<1x16xf32>,
      %jit3A_1094 = arith.constant 1 : i32
      %jit3A_1095 = arith.constant 0 : i32
      %broadcast_in_dim3A_1096 = vector.broadcast %jit3A_1094 : i32 to vector<16xi32>
      %broadcast_in_dim3A_1097 = vector.broadcast %jit3A_1095 : i32 to vector<16xi32>
      %select_n3A_1098 = arith.select %eq3A_1078, %broadcast_in_dim3A_1096, %broadcast_in_dim3A_1097 : vector<16xi1>, vector<16xi32>
      %add3A_1099 = arith.addi %add3A_1077, %select_n3A_1098 : vector<16xi32>
      %eq3A_1100 = arith.cmpf oeq, %get3A_150, %max3A_505 : vector<16xf32>
      %gt3A_1101 = arith.cmpf ogt, %get3A_150, %max3A_505 : vector<16xf32>
      %lt3A_1102 = arith.constant 8 : i32
      %lt3A_1103 = vector.broadcast %lt3A_1102 : i32 to vector<16xi32>
      %lt3A_1104 = arith.cmpi slt, %add3A_1099, %lt3A_1103 : vector<16xi32>
      %and3A_1105 = arith.andi %eq3A_1100, %lt3A_1104 : vector<16xi1>
      %or3A_1106 = arith.ori %gt3A_1101, %and3A_1105 : vector<16xi1>
      %jit3A_1107 = arith.constant 0.000000e+00 : f32
      %broadcast_in_dim3A_1108 = vector.broadcast %jit3A_1107 : f32 to vector<16xf32>
      %select_n3A_1109 = arith.select %or3A_1106, %get3A_150, %broadcast_in_dim3A_1108 : vector<16xi1>, vector<16xf32>
      %swap3A_1110 = arith.constant 20 : i32
      %swap3A_1111 = arith.index_cast %swap3A_1110 : i32 to index
      %swap3A_1112 = arith.index_cast %mul3A_46 : i32 to index
      %swap3A_1113 = tpu.vector_load %arg4[%swap3A_1111, %swap3A_1112] {strides = array<i32>} : memref<22x2048xf32, #tpu.memory_space<vmem>>, vector<1x16xf32>,
      %swap3A_1114 = vector.shape_cast %swap3A_1113 : vector<1x16xf32> to vector<16xf32>
      %swap3A_1115 = vector.shape_cast %select_n3A_1109 : vector<16xf32> to vector<1x16xf32>
      tpu.vector_store %arg4[%swap3A_1111, %swap3A_1112], %swap3A_1115 {strides = array<i32>} : memref<22x2048xf32, #tpu.memory_space<vmem>>, vector<1x16xf32>,
      %jit3A_1116 = arith.constant 1 : i32
      %jit3A_1117 = arith.constant 0 : i32
      %broadcast_in_dim3A_1118 = vector.broadcast %jit3A_1116 : i32 to vector<16xi32>
      %broadcast_in_dim3A_1119 = vector.broadcast %jit3A_1117 : i32 to vector<16xi32>
      %select_n3A_1120 = arith.select %eq3A_1100, %broadcast_in_dim3A_1118, %broadcast_in_dim3A_1119 : vector<16xi1>, vector<16xi32>
      %add3A_1121 = arith.addi %add3A_1099, %select_n3A_1120 : vector<16xi32>
      %eq3A_1122 = arith.cmpf oeq, %get3A_155, %max3A_505 : vector<16xf32>
      %gt3A_1123 = arith.cmpf ogt, %get3A_155, %max3A_505 : vector<16xf32>
      %lt3A_1124 = arith.constant 8 : i32
      %lt3A_1125 = vector.broadcast %lt3A_1124 : i32 to vector<16xi32>
      %lt3A_1126 = arith.cmpi slt, %add3A_1121, %lt3A_1125 : vector<16xi32>
      %and3A_1127 = arith.andi %eq3A_1122, %lt3A_1126 : vector<16xi1>
      %or3A_1128 = arith.ori %gt3A_1123, %and3A_1127 : vector<16xi1>
      %jit3A_1129 = arith.constant 0.000000e+00 : f32
      %broadcast_in_dim3A_1130 = vector.broadcast %jit3A_1129 : f32 to vector<16xf32>
      %select_n3A_1131 = arith.select %or3A_1128, %get3A_155, %broadcast_in_dim3A_1130 : vector<16xi1>, vector<16xf32>
      %swap3A_1132 = arith.constant 21 : i32
      %swap3A_1133 = arith.index_cast %swap3A_1132 : i32 to index
      %swap3A_1134 = arith.index_cast %mul3A_46 : i32 to index
      %swap3A_1135 = tpu.vector_load %arg4[%swap3A_1133, %swap3A_1134] {strides = array<i32>} : memref<22x2048xf32, #tpu.memory_space<vmem>>, vector<1x16xf32>,
      %swap3A_1136 = vector.shape_cast %swap3A_1135 : vector<1x16xf32> to vector<16xf32>
      %swap3A_1137 = vector.shape_cast %select_n3A_1131 : vector<16xf32> to vector<1x16xf32>
      tpu.vector_store %arg4[%swap3A_1133, %swap3A_1134], %swap3A_1137 {strides = array<i32>} : memref<22x2048xf32, #tpu.memory_space<vmem>>, vector<1x16xf32>,
      %jit3A_1138 = arith.constant 1 : i32
      %jit3A_1139 = arith.constant 0 : i32
      %broadcast_in_dim3A_1140 = vector.broadcast %jit3A_1138 : i32 to vector<16xi32>
      %broadcast_in_dim3A_1141 = vector.broadcast %jit3A_1139 : i32 to vector<16xi32>
      %select_n3A_1142 = arith.select %eq3A_1122, %broadcast_in_dim3A_1140, %broadcast_in_dim3A_1141 : vector<16xi1>, vector<16xi32>
      %add3A_1143 = arith.addi %add3A_1121, %select_n3A_1142 : vector<16xi32>
      %scan3A_1144 = arith.constant 0 : i32
      scf.yield %scan3A_1144 : i32
    }
    %scan3A_42 = arith.constant 128 : i32
    "tpu.region"() ({
      %run_scoped3A = tpu.sem_alloc : memref<!tpu.dma_semaphore, #tpu.memory_space<semaphore_mem>>
      %dma_start3A = arith.constant 0 : i32
      %dma_start3A_43 = tpu.memref_slice %arg3[%select_n3A, %dma_start3A, %mul3A_36] : memref<32x22x2048xf32, #tpu.memory_space<hbm>> -> memref<1x22x2048xf32, #tpu.memory_space<hbm>>
      %dma_start3A_44 = tpu.memref_squeeze %dma_start3A_43 : memref<1x22x2048xf32, #tpu.memory_space<hbm>> -> memref<22x2048xf32, #tpu.memory_space<hbm>>
      %dma_start3A_45 = arith.constant 0 : i32
      %dma_start3A_46 = tpu.memref_slice %arg3[%select_n3A, %dma_start3A_45, %mul3A_36] : memref<32x22x2048xf32, #tpu.memory_space<hbm>> -> memref<1x22x2048xf32, #tpu.memory_space<hbm>>
      %dma_start3A_47 = tpu.memref_squeeze %dma_start3A_46 : memref<1x22x2048xf32, #tpu.memory_space<hbm>> -> memref<22x2048xf32, #tpu.memory_space<hbm>>
      tpu.enqueue_dma source(%arg4 : memref<22x2048xf32, #tpu.memory_space<vmem>>) target(%dma_start3A_47 : memref<22x2048xf32, #tpu.memory_space<hbm>>) target_semaphore(%run_scoped3A : memref<!tpu.dma_semaphore, #tpu.memory_space<semaphore_mem>>)
      %dma_wait3A = arith.constant 0 : i32
      %dma_wait3A_48 = tpu.memref_slice %arg3[%select_n3A, %dma_wait3A, %mul3A_36] : memref<32x22x2048xf32, #tpu.memory_space<hbm>> -> memref<1x22x2048xf32, #tpu.memory_space<hbm>>
      %dma_wait3A_49 = tpu.memref_squeeze %dma_wait3A_48 : memref<1x22x2048xf32, #tpu.memory_space<hbm>> -> memref<22x2048xf32, #tpu.memory_space<hbm>>
      %dma_wait3A_50 = arith.constant 0 : i32
      %dma_wait3A_51 = tpu.memref_slice %arg3[%select_n3A, %dma_wait3A_50, %mul3A_36] : memref<32x22x2048xf32, #tpu.memory_space<hbm>> -> memref<1x22x2048xf32, #tpu.memory_space<hbm>>
      %dma_wait3A_52 = tpu.memref_squeeze %dma_wait3A_51 : memref<1x22x2048xf32, #tpu.memory_space<hbm>> -> memref<22x2048xf32, #tpu.memory_space<hbm>>
      tpu.wait_dma2 semaphore(%run_scoped3A : memref<!tpu.dma_semaphore, #tpu.memory_space<semaphore_mem>>) src(%arg4 : memref<22x2048xf32, #tpu.memory_space<vmem>>) dst(%dma_wait3A_52 : memref<22x2048xf32, #tpu.memory_space<hbm>>)
      tpu.yield
    }) : () -> ()
    return
  }
}

#map = affine_map<(d0, d1) -> (0, 0, 0)>
module attributes {stable_mosaic.version = 14 : i64} {
  func.func @k(%arg0: i32, %arg1: i32, %arg2: memref<32x22x2048xf32, #tpu.memory_space<hbm>>, %arg3: memref<32x22x2048xf32, #tpu.memory_space<hbm>>, %arg4: memref<22x2048xf32, #tpu.memory_space<vmem>>) attributes {dimension_semantics = [#tpu.dimension_semantics<core_parallel>, #tpu.dimension_semantics<subcore_parallel>], iteration_bounds = array<i64: 2, 16>, scalar_prefetch = 0 : i64, scratch_operands = 1 : i64, tpu.core_type = #tpu.core_type<sc_vector_subcore>, window_params = [{transform_indices = #map}, {transform_indices = #map}]} {
    %mul3A = arith.constant 2 : i32
    %mul3A_0 = arith.muli %arg1, %mul3A : i32
    %add3A = arith.addi %mul3A_0, %arg0 : i32
    %mul3A_1 = arith.constant 1 : i32
    %mul3A_2 = arith.muli %add3A, %mul3A_1 : i32
    %add3A_3 = arith.constant 0 : i32
    %add3A_4 = arith.addi %mul3A_2, %add3A_3 : i32
    %jit3A = arith.constant 1 : i32
    %div3A = arith.divsi %add3A_4, %jit3A : i32
    %sign3A = arith.constant 0 : i32
    %sign3A_5 = arith.cmpi sgt, %add3A_4, %sign3A : i32
    %sign3A_6 = arith.extui %sign3A_5 : i1 to i32
    %sign3A_7 = arith.constant 0 : i32
    %sign3A_8 = arith.cmpi slt, %add3A_4, %sign3A_7 : i32
    %sign3A_9 = arith.extui %sign3A_8 : i1 to i32
    %sign3A_10 = arith.subi %sign3A_6, %sign3A_9 : i32
    %sign3A_11 = arith.constant 0 : i32
    %sign3A_12 = arith.cmpi sgt, %jit3A, %sign3A_11 : i32
    %sign3A_13 = arith.extui %sign3A_12 : i1 to i32
    %sign3A_14 = arith.constant 0 : i32
    %sign3A_15 = arith.cmpi slt, %jit3A, %sign3A_14 : i32
    %sign3A_16 = arith.extui %sign3A_15 : i1 to i32
    %sign3A_17 = arith.subi %sign3A_13, %sign3A_16 : i32
    %ne3A = arith.cmpi ne, %sign3A_10, %sign3A_17 : i32
    %rem3A = arith.remsi %add3A_4, %jit3A : i32
    %ne3A_18 = arith.constant 0 : i32
    %ne3A_19 = arith.cmpi ne, %rem3A, %ne3A_18 : i32
    %and3A = arith.andi %ne3A, %ne3A_19 : i1
    %sub3A = arith.constant 1 : i32
    %sub3A_20 = arith.subi %div3A, %sub3A : i32
    %select_n3A = arith.select %and3A, %sub3A_20, %div3A : i32
    %jit3A_21 = arith.constant 1 : i32
    %eq3A = arith.constant 0 : i32
    %eq3A_22 = arith.cmpi eq, %jit3A_21, %eq3A : i32
    %jit3A_23 = arith.constant 1 : i32
    %select_n3A_24 = arith.select %eq3A_22, %jit3A_23, %jit3A_21 : i32
    %rem3A_25 = arith.remsi %add3A_4, %select_n3A_24 : i32
    %ne3A_26 = arith.constant 0 : i32
    %ne3A_27 = arith.cmpi ne, %rem3A_25, %ne3A_26 : i32
    %lt3A = arith.constant 0 : i32
    %lt3A_28 = arith.cmpi slt, %rem3A_25, %lt3A : i32
    %lt3A_29 = arith.constant 0 : i32
    %lt3A_30 = arith.cmpi slt, %select_n3A_24, %lt3A_29 : i32
    %ne3A_31 = arith.xori %lt3A_28, %lt3A_30 : i1
    %and3A_32 = arith.andi %ne3A_31, %ne3A_27 : i1
    %add3A_33 = arith.addi %rem3A_25, %select_n3A_24 : i32
    %select_n3A_34 = arith.select %and3A_32, %add3A_33, %rem3A_25 : i32
    %mul3A_35 = arith.constant 2048 : i32
    %mul3A_36 = arith.muli %select_n3A_34, %mul3A_35 : i32
    "tpu.region"() ({
      %run_scoped3A = tpu.sem_alloc : memref<!tpu.dma_semaphore, #tpu.memory_space<semaphore_mem>>
      %dma_start3A = arith.constant 0 : i32
      %dma_start3A_43 = tpu.memref_slice %arg2[%select_n3A, %dma_start3A, %mul3A_36] : memref<32x22x2048xf32, #tpu.memory_space<hbm>> -> memref<1x22x2048xf32, #tpu.memory_space<hbm>>
      %dma_start3A_44 = tpu.memref_squeeze %dma_start3A_43 : memref<1x22x2048xf32, #tpu.memory_space<hbm>> -> memref<22x2048xf32, #tpu.memory_space<hbm>>
      %dma_start3A_45 = arith.constant 0 : i32
      %dma_start3A_46 = tpu.memref_slice %arg2[%select_n3A, %dma_start3A_45, %mul3A_36] : memref<32x22x2048xf32, #tpu.memory_space<hbm>> -> memref<1x22x2048xf32, #tpu.memory_space<hbm>>
      %dma_start3A_47 = tpu.memref_squeeze %dma_start3A_46 : memref<1x22x2048xf32, #tpu.memory_space<hbm>> -> memref<22x2048xf32, #tpu.memory_space<hbm>>
      tpu.enqueue_dma source(%dma_start3A_47 : memref<22x2048xf32, #tpu.memory_space<hbm>>) target(%arg4 : memref<22x2048xf32, #tpu.memory_space<vmem>>) target_semaphore(%run_scoped3A : memref<!tpu.dma_semaphore, #tpu.memory_space<semaphore_mem>>)
      %dma_wait3A = arith.constant 0 : i32
      %dma_wait3A_48 = tpu.memref_slice %arg2[%select_n3A, %dma_wait3A, %mul3A_36] : memref<32x22x2048xf32, #tpu.memory_space<hbm>> -> memref<1x22x2048xf32, #tpu.memory_space<hbm>>
      %dma_wait3A_49 = tpu.memref_squeeze %dma_wait3A_48 : memref<1x22x2048xf32, #tpu.memory_space<hbm>> -> memref<22x2048xf32, #tpu.memory_space<hbm>>
      %dma_wait3A_50 = arith.constant 0 : i32
      %dma_wait3A_51 = tpu.memref_slice %arg2[%select_n3A, %dma_wait3A_50, %mul3A_36] : memref<32x22x2048xf32, #tpu.memory_space<hbm>> -> memref<1x22x2048xf32, #tpu.memory_space<hbm>>
      %dma_wait3A_52 = tpu.memref_squeeze %dma_wait3A_51 : memref<1x22x2048xf32, #tpu.memory_space<hbm>> -> memref<22x2048xf32, #tpu.memory_space<hbm>>
      tpu.wait_dma2 semaphore(%run_scoped3A : memref<!tpu.dma_semaphore, #tpu.memory_space<semaphore_mem>>) src(%dma_wait3A_52 : memref<22x2048xf32, #tpu.memory_space<hbm>>) dst(%arg4 : memref<22x2048xf32, #tpu.memory_space<vmem>>)
      tpu.yield
    }) : () -> ()
    %scan3A = arith.constant 0 : i32
    %scan3A_37 = arith.constant 0 : i32
    %scan3A_38 = arith.constant 128 : i32
    %scan3A_39 = arith.addi %scan3A_37, %scan3A_38 : i32
    %scan3A_40 = arith.constant 1 : i32
    %scan3A_41 = scf.for %scan3A_43 = %scan3A_37 to %scan3A_39 step %scan3A_40 iter_args(%scan3A_44 = %scan3A) -> (i32)  : i32 {
      %mul3A_45 = arith.constant 16 : i32
      %mul3A_46 = arith.muli %scan3A_43, %mul3A_45 : i32
      %get3A = arith.constant 0 : i32
      %get3A_47 = arith.index_cast %get3A : i32 to index
      %get3A_48 = arith.index_cast %mul3A_46 : i32 to index
      %get3A_49 = tpu.vector_load %arg4[%get3A_47, %get3A_48] {strides = array<i32>} : memref<22x2048xf32, #tpu.memory_space<vmem>>, vector<1x16xf32>,
      %get3A_50 = vector.shape_cast %get3A_49 : vector<1x16xf32> to vector<16xf32>
      %get3A_51 = arith.constant 1 : i32
      %get3A_52 = arith.index_cast %get3A_51 : i32 to index
      %get3A_53 = arith.index_cast %mul3A_46 : i32 to index
      %get3A_54 = tpu.vector_load %arg4[%get3A_52, %get3A_53] {strides = array<i32>} : memref<22x2048xf32, #tpu.memory_space<vmem>>, vector<1x16xf32>,
      %get3A_55 = vector.shape_cast %get3A_54 : vector<1x16xf32> to vector<16xf32>
      %get3A_56 = arith.constant 2 : i32
      %get3A_57 = arith.index_cast %get3A_56 : i32 to index
      %get3A_58 = arith.index_cast %mul3A_46 : i32 to index
      %get3A_59 = tpu.vector_load %arg4[%get3A_57, %get3A_58] {strides = array<i32>} : memref<22x2048xf32, #tpu.memory_space<vmem>>, vector<1x16xf32>,
      %get3A_60 = vector.shape_cast %get3A_59 : vector<1x16xf32> to vector<16xf32>
      %get3A_61 = arith.constant 3 : i32
      %get3A_62 = arith.index_cast %get3A_61 : i32 to index
      %get3A_63 = arith.index_cast %mul3A_46 : i32 to index
      %get3A_64 = tpu.vector_load %arg4[%get3A_62, %get3A_63] {strides = array<i32>} : memref<22x2048xf32, #tpu.memory_space<vmem>>, vector<1x16xf32>,
      %get3A_65 = vector.shape_cast %get3A_64 : vector<1x16xf32> to vector<16xf32>
      %get3A_66 = arith.constant 4 : i32
      %get3A_67 = arith.index_cast %get3A_66 : i32 to index
      %get3A_68 = arith.index_cast %mul3A_46 : i32 to index
      %get3A_69 = tpu.vector_load %arg4[%get3A_67, %get3A_68] {strides = array<i32>} : memref<22x2048xf32, #tpu.memory_space<vmem>>, vector<1x16xf32>,
      %get3A_70 = vector.shape_cast %get3A_69 : vector<1x16xf32> to vector<16xf32>
      %get3A_71 = arith.constant 5 : i32
      %get3A_72 = arith.index_cast %get3A_71 : i32 to index
      %get3A_73 = arith.index_cast %mul3A_46 : i32 to index
      %get3A_74 = tpu.vector_load %arg4[%get3A_72, %get3A_73] {strides = array<i32>} : memref<22x2048xf32, #tpu.memory_space<vmem>>, vector<1x16xf32>,
      %get3A_75 = vector.shape_cast %get3A_74 : vector<1x16xf32> to vector<16xf32>
      %get3A_76 = arith.constant 6 : i32
      %get3A_77 = arith.index_cast %get3A_76 : i32 to index
      %get3A_78 = arith.index_cast %mul3A_46 : i32 to index
      %get3A_79 = tpu.vector_load %arg4[%get3A_77, %get3A_78] {strides = array<i32>} : memref<22x2048xf32, #tpu.memory_space<vmem>>, vector<1x16xf32>,
      %get3A_80 = vector.shape_cast %get3A_79 : vector<1x16xf32> to vector<16xf32>
      %get3A_81 = arith.constant 7 : i32
      %get3A_82 = arith.index_cast %get3A_81 : i32 to index
      %get3A_83 = arith.index_cast %mul3A_46 : i32 to index
      %get3A_84 = tpu.vector_load %arg4[%get3A_82, %get3A_83] {strides = array<i32>} : memref<22x2048xf32, #tpu.memory_space<vmem>>, vector<1x16xf32>,
      %get3A_85 = vector.shape_cast %get3A_84 : vector<1x16xf32> to vector<16xf32>
      %get3A_86 = arith.constant 8 : i32
      %get3A_87 = arith.index_cast %get3A_86 : i32 to index
      %get3A_88 = arith.index_cast %mul3A_46 : i32 to index
      %get3A_89 = tpu.vector_load %arg4[%get3A_87, %get3A_88] {strides = array<i32>} : memref<22x2048xf32, #tpu.memory_space<vmem>>, vector<1x16xf32>,
      %get3A_90 = vector.shape_cast %get3A_89 : vector<1x16xf32> to vector<16xf32>
      %get3A_91 = arith.constant 9 : i32
      %get3A_92 = arith.index_cast %get3A_91 : i32 to index
      %get3A_93 = arith.index_cast %mul3A_46 : i32 to index
      %get3A_94 = tpu.vector_load %arg4[%get3A_92, %get3A_93] {strides = array<i32>} : memref<22x2048xf32, #tpu.memory_space<vmem>>, vector<1x16xf32>,
      %get3A_95 = vector.shape_cast %get3A_94 : vector<1x16xf32> to vector<16xf32>
      %get3A_96 = arith.constant 10 : i32
      %get3A_97 = arith.index_cast %get3A_96 : i32 to index
      %get3A_98 = arith.index_cast %mul3A_46 : i32 to index
      %get3A_99 = tpu.vector_load %arg4[%get3A_97, %get3A_98] {strides = array<i32>} : memref<22x2048xf32, #tpu.memory_space<vmem>>, vector<1x16xf32>,
      %get3A_100 = vector.shape_cast %get3A_99 : vector<1x16xf32> to vector<16xf32>
      %get3A_101 = arith.constant 11 : i32
      %get3A_102 = arith.index_cast %get3A_101 : i32 to index
      %get3A_103 = arith.index_cast %mul3A_46 : i32 to index
      %get3A_104 = tpu.vector_load %arg4[%get3A_102, %get3A_103] {strides = array<i32>} : memref<22x2048xf32, #tpu.memory_space<vmem>>, vector<1x16xf32>,
      %get3A_105 = vector.shape_cast %get3A_104 : vector<1x16xf32> to vector<16xf32>
      %get3A_106 = arith.constant 12 : i32
      %get3A_107 = arith.index_cast %get3A_106 : i32 to index
      %get3A_108 = arith.index_cast %mul3A_46 : i32 to index
      %get3A_109 = tpu.vector_load %arg4[%get3A_107, %get3A_108] {strides = array<i32>} : memref<22x2048xf32, #tpu.memory_space<vmem>>, vector<1x16xf32>,
      %get3A_110 = vector.shape_cast %get3A_109 : vector<1x16xf32> to vector<16xf32>
      %get3A_111 = arith.constant 13 : i32
      %get3A_112 = arith.index_cast %get3A_111 : i32 to index
      %get3A_113 = arith.index_cast %mul3A_46 : i32 to index
      %get3A_114 = tpu.vector_load %arg4[%get3A_112, %get3A_113] {strides = array<i32>} : memref<22x2048xf32, #tpu.memory_space<vmem>>, vector<1x16xf32>,
      %get3A_115 = vector.shape_cast %get3A_114 : vector<1x16xf32> to vector<16xf32>
      %get3A_116 = arith.constant 14 : i32
      %get3A_117 = arith.index_cast %get3A_116 : i32 to index
      %get3A_118 = arith.index_cast %mul3A_46 : i32 to index
      %get3A_119 = tpu.vector_load %arg4[%get3A_117, %get3A_118] {strides = array<i32>} : memref<22x2048xf32, #tpu.memory_space<vmem>>, vector<1x16xf32>,
      %get3A_120 = vector.shape_cast %get3A_119 : vector<1x16xf32> to vector<16xf32>
      %get3A_121 = arith.constant 15 : i32
      %get3A_122 = arith.index_cast %get3A_121 : i32 to index
      %get3A_123 = arith.index_cast %mul3A_46 : i32 to index
      %get3A_124 = tpu.vector_load %arg4[%get3A_122, %get3A_123] {strides = array<i32>} : memref<22x2048xf32, #tpu.memory_space<vmem>>, vector<1x16xf32>,
      %get3A_125 = vector.shape_cast %get3A_124 : vector<1x16xf32> to vector<16xf32>
      %get3A_126 = arith.constant 16 : i32
      %get3A_127 = arith.index_cast %get3A_126 : i32 to index
      %get3A_128 = arith.index_cast %mul3A_46 : i32 to index
      %get3A_129 = tpu.vector_load %arg4[%get3A_127, %get3A_128] {strides = array<i32>} : memref<22x2048xf32, #tpu.memory_space<vmem>>, vector<1x16xf32>,
      %get3A_130 = vector.shape_cast %get3A_129 : vector<1x16xf32> to vector<16xf32>
      %get3A_131 = arith.constant 17 : i32
      %get3A_132 = arith.index_cast %get3A_131 : i32 to index
      %get3A_133 = arith.index_cast %mul3A_46 : i32 to index
      %get3A_134 = tpu.vector_load %arg4[%get3A_132, %get3A_133] {strides = array<i32>} : memref<22x2048xf32, #tpu.memory_space<vmem>>, vector<1x16xf32>,
      %get3A_135 = vector.shape_cast %get3A_134 : vector<1x16xf32> to vector<16xf32>
      %get3A_136 = arith.constant 18 : i32
      %get3A_137 = arith.index_cast %get3A_136 : i32 to index
      %get3A_138 = arith.index_cast %mul3A_46 : i32 to index
      %get3A_139 = tpu.vector_load %arg4[%get3A_137, %get3A_138] {strides = array<i32>} : memref<22x2048xf32, #tpu.memory_space<vmem>>, vector<1x16xf32>,
      %get3A_140 = vector.shape_cast %get3A_139 : vector<1x16xf32> to vector<16xf32>
      %get3A_141 = arith.constant 19 : i32
      %get3A_142 = arith.index_cast %get3A_141 : i32 to index
      %get3A_143 = arith.index_cast %mul3A_46 : i32 to index
      %get3A_144 = tpu.vector_load %arg4[%get3A_142, %get3A_143] {strides = array<i32>} : memref<22x2048xf32, #tpu.memory_space<vmem>>, vector<1x16xf32>,
      %get3A_145 = vector.shape_cast %get3A_144 : vector<1x16xf32> to vector<16xf32>
      %get3A_146 = arith.constant 20 : i32
      %get3A_147 = arith.index_cast %get3A_146 : i32 to index
      %get3A_148 = arith.index_cast %mul3A_46 : i32 to index
      %get3A_149 = tpu.vector_load %arg4[%get3A_147, %get3A_148] {strides = array<i32>} : memref<22x2048xf32, #tpu.memory_space<vmem>>, vector<1x16xf32>,
      %get3A_150 = vector.shape_cast %get3A_149 : vector<1x16xf32> to vector<16xf32>
      %get3A_151 = arith.constant 21 : i32
      %get3A_152 = arith.index_cast %get3A_151 : i32 to index
      %get3A_153 = arith.index_cast %mul3A_46 : i32 to index
      %get3A_154 = tpu.vector_load %arg4[%get3A_152, %get3A_153] {strides = array<i32>} : memref<22x2048xf32, #tpu.memory_space<vmem>>, vector<1x16xf32>,
      %get3A_155 = vector.shape_cast %get3A_154 : vector<1x16xf32> to vector<16xf32>
      %broadcast_in_dim3A = arith.constant 0xFF800000 : f32
      %broadcast_in_dim3A_156 = vector.broadcast %broadcast_in_dim3A : f32 to vector<16xf32>
      %max3A = arith.maximumf %broadcast_in_dim3A_156, %get3A_50 : vector<16xf32>
      %min3A = arith.minimumf %broadcast_in_dim3A_156, %get3A_50 : vector<16xf32>
      %max3A_157 = arith.maximumf %broadcast_in_dim3A_156, %min3A : vector<16xf32>
      %min3A_158 = arith.minimumf %broadcast_in_dim3A_156, %min3A : vector<16xf32>
      %max3A_159 = arith.maximumf %broadcast_in_dim3A_156, %min3A_158 : vector<16xf32>
      %min3A_160 = arith.minimumf %broadcast_in_dim3A_156, %min3A_158 : vector<16xf32>
      %max3A_161 = arith.maximumf %broadcast_in_dim3A_156, %min3A_160 : vector<16xf32>
      %min3A_162 = arith.minimumf %broadcast_in_dim3A_156, %min3A_160 : vector<16xf32>
      %max3A_163 = arith.maximumf %broadcast_in_dim3A_156, %min3A_162 : vector<16xf32>
      %min3A_164 = arith.minimumf %broadcast_in_dim3A_156, %min3A_162 : vector<16xf32>
      %max3A_165 = arith.maximumf %broadcast_in_dim3A_156, %min3A_164 : vector<16xf32>
      %min3A_166 = arith.minimumf %broadcast_in_dim3A_156, %min3A_164 : vector<16xf32>
      %max3A_167 = arith.maximumf %broadcast_in_dim3A_156, %min3A_166 : vector<16xf32>
      %min3A_168 = arith.minimumf %broadcast_in_dim3A_156, %min3A_166 : vector<16xf32>
      %max3A_169 = arith.maximumf %broadcast_in_dim3A_156, %min3A_168 : vector<16xf32>
      %min3A_170 = arith.minimumf %broadcast_in_dim3A_156, %min3A_168 : vector<16xf32>
      %max3A_171 = arith.maximumf %max3A, %get3A_55 : vector<16xf32>
      %min3A_172 = arith.minimumf %max3A, %get3A_55 : vector<16xf32>
      %max3A_173 = arith.maximumf %max3A_157, %min3A_172 : vector<16xf32>
      %min3A_174 = arith.minimumf %max3A_157, %min3A_172 : vector<16xf32>
      %max3A_175 = arith.maximumf %max3A_159, %min3A_174 : vector<16xf32>
      %min3A_176 = arith.minimumf %max3A_159, %min3A_174 : vector<16xf32>
      %max3A_177 = arith.maximumf %max3A_161, %min3A_176 : vector<16xf32>
      %min3A_178 = arith.minimumf %max3A_161, %min3A_176 : vector<16xf32>
      %max3A_179 = arith.maximumf %max3A_163, %min3A_178 : vector<16xf32>
      %min3A_180 = arith.minimumf %max3A_163, %min3A_178 : vector<16xf32>
      %max3A_181 = arith.maximumf %max3A_165, %min3A_180 : vector<16xf32>
      %min3A_182 = arith.minimumf %max3A_165, %min3A_180 : vector<16xf32>
      %max3A_183 = arith.maximumf %max3A_167, %min3A_182 : vector<16xf32>
      %min3A_184 = arith.minimumf %max3A_167, %min3A_182 : vector<16xf32>
      %max3A_185 = arith.maximumf %max3A_169, %min3A_184 : vector<16xf32>
      %min3A_186 = arith.minimumf %max3A_169, %min3A_184 : vector<16xf32>
      %max3A_187 = arith.maximumf %max3A_171, %get3A_60 : vector<16xf32>
      %min3A_188 = arith.minimumf %max3A_171, %get3A_60 : vector<16xf32>
      %max3A_189 = arith.maximumf %max3A_173, %min3A_188 : vector<16xf32>
      %min3A_190 = arith.minimumf %max3A_173, %min3A_188 : vector<16xf32>
      %max3A_191 = arith.maximumf %max3A_175, %min3A_190 : vector<16xf32>
      %min3A_192 = arith.minimumf %max3A_175, %min3A_190 : vector<16xf32>
      %max3A_193 = arith.maximumf %max3A_177, %min3A_192 : vector<16xf32>
      %min3A_194 = arith.minimumf %max3A_177, %min3A_192 : vector<16xf32>
      %max3A_195 = arith.maximumf %max3A_179, %min3A_194 : vector<16xf32>
      %min3A_196 = arith.minimumf %max3A_179, %min3A_194 : vector<16xf32>
      %max3A_197 = arith.maximumf %max3A_181, %min3A_196 : vector<16xf32>
      %min3A_198 = arith.minimumf %max3A_181, %min3A_196 : vector<16xf32>
      %max3A_199 = arith.maximumf %max3A_183, %min3A_198 : vector<16xf32>
      %min3A_200 = arith.minimumf %max3A_183, %min3A_198 : vector<16xf32>
      %max3A_201 = arith.maximumf %max3A_185, %min3A_200 : vector<16xf32>
      %min3A_202 = arith.minimumf %max3A_185, %min3A_200 : vector<16xf32>
      %max3A_203 = arith.maximumf %max3A_187, %get3A_65 : vector<16xf32>
      %min3A_204 = arith.minimumf %max3A_187, %get3A_65 : vector<16xf32>
      %max3A_205 = arith.maximumf %max3A_189, %min3A_204 : vector<16xf32>
      %min3A_206 = arith.minimumf %max3A_189, %min3A_204 : vector<16xf32>
      %max3A_207 = arith.maximumf %max3A_191, %min3A_206 : vector<16xf32>
      %min3A_208 = arith.minimumf %max3A_191, %min3A_206 : vector<16xf32>
      %max3A_209 = arith.maximumf %max3A_193, %min3A_208 : vector<16xf32>
      %min3A_210 = arith.minimumf %max3A_193, %min3A_208 : vector<16xf32>
      %max3A_211 = arith.maximumf %max3A_195, %min3A_210 : vector<16xf32>
      %min3A_212 = arith.minimumf %max3A_195, %min3A_210 : vector<16xf32>
      %max3A_213 = arith.maximumf %max3A_197, %min3A_212 : vector<16xf32>
      %min3A_214 = arith.minimumf %max3A_197, %min3A_212 : vector<16xf32>
      %max3A_215 = arith.maximumf %max3A_199, %min3A_214 : vector<16xf32>
      %min3A_216 = arith.minimumf %max3A_199, %min3A_214 : vector<16xf32>
      %max3A_217 = arith.maximumf %max3A_201, %min3A_216 : vector<16xf32>
      %min3A_218 = arith.minimumf %max3A_201, %min3A_216 : vector<16xf32>
      %max3A_219 = arith.maximumf %max3A_203, %get3A_70 : vector<16xf32>
      %min3A_220 = arith.minimumf %max3A_203, %get3A_70 : vector<16xf32>
      %max3A_221 = arith.maximumf %max3A_205, %min3A_220 : vector<16xf32>
      %min3A_222 = arith.minimumf %max3A_205, %min3A_220 : vector<16xf32>
      %max3A_223 = arith.maximumf %max3A_207, %min3A_222 : vector<16xf32>
      %min3A_224 = arith.minimumf %max3A_207, %min3A_222 : vector<16xf32>
      %max3A_225 = arith.maximumf %max3A_209, %min3A_224 : vector<16xf32>
      %min3A_226 = arith.minimumf %max3A_209, %min3A_224 : vector<16xf32>
      %max3A_227 = arith.maximumf %max3A_211, %min3A_226 : vector<16xf32>
      %min3A_228 = arith.minimumf %max3A_211, %min3A_226 : vector<16xf32>
      %max3A_229 = arith.maximumf %max3A_213, %min3A_228 : vector<16xf32>
      %min3A_230 = arith.minimumf %max3A_213, %min3A_228 : vector<16xf32>
      %max3A_231 = arith.maximumf %max3A_215, %min3A_230 : vector<16xf32>
      %min3A_232 = arith.minimumf %max3A_215, %min3A_230 : vector<16xf32>
      %max3A_233 = arith.maximumf %max3A_217, %min3A_232 : vector<16xf32>
      %min3A_234 = arith.minimumf %max3A_217, %min3A_232 : vector<16xf32>
      %max3A_235 = arith.maximumf %max3A_219, %get3A_75 : vector<16xf32>
      %min3A_236 = arith.minimumf %max3A_219, %get3A_75 : vector<16xf32>
      %max3A_237 = arith.maximumf %max3A_221, %min3A_236 : vector<16xf32>
      %min3A_238 = arith.minimumf %max3A_221, %min3A_236 : vector<16xf32>
      %max3A_239 = arith.maximumf %max3A_223, %min3A_238 : vector<16xf32>
      %min3A_240 = arith.minimumf %max3A_223, %min3A_238 : vector<16xf32>
      %max3A_241 = arith.maximumf %max3A_225, %min3A_240 : vector<16xf32>
      %min3A_242 = arith.minimumf %max3A_225, %min3A_240 : vector<16xf32>
      %max3A_243 = arith.maximumf %max3A_227, %min3A_242 : vector<16xf32>
      %min3A_244 = arith.minimumf %max3A_227, %min3A_242 : vector<16xf32>
      %max3A_245 = arith.maximumf %max3A_229, %min3A_244 : vector<16xf32>
      %min3A_246 = arith.minimumf %max3A_229, %min3A_244 : vector<16xf32>
      %max3A_247 = arith.maximumf %max3A_231, %min3A_246 : vector<16xf32>
      %min3A_248 = arith.minimumf %max3A_231, %min3A_246 : vector<16xf32>
      %max3A_249 = arith.maximumf %max3A_233, %min3A_248 : vector<16xf32>
      %min3A_250 = arith.minimumf %max3A_233, %min3A_248 : vector<16xf32>
      %max3A_251 = arith.maximumf %max3A_235, %get3A_80 : vector<16xf32>
      %min3A_252 = arith.minimumf %max3A_235, %get3A_80 : vector<16xf32>
      %max3A_253 = arith.maximumf %max3A_237, %min3A_252 : vector<16xf32>
      %min3A_254 = arith.minimumf %max3A_237, %min3A_252 : vector<16xf32>
      %max3A_255 = arith.maximumf %max3A_239, %min3A_254 : vector<16xf32>
      %min3A_256 = arith.minimumf %max3A_239, %min3A_254 : vector<16xf32>
      %max3A_257 = arith.maximumf %max3A_241, %min3A_256 : vector<16xf32>
      %min3A_258 = arith.minimumf %max3A_241, %min3A_256 : vector<16xf32>
      %max3A_259 = arith.maximumf %max3A_243, %min3A_258 : vector<16xf32>
      %min3A_260 = arith.minimumf %max3A_243, %min3A_258 : vector<16xf32>
      %max3A_261 = arith.maximumf %max3A_245, %min3A_260 : vector<16xf32>
      %min3A_262 = arith.minimumf %max3A_245, %min3A_260 : vector<16xf32>
      %max3A_263 = arith.maximumf %max3A_247, %min3A_262 : vector<16xf32>
      %min3A_264 = arith.minimumf %max3A_247, %min3A_262 : vector<16xf32>
      %max3A_265 = arith.maximumf %max3A_249, %min3A_264 : vector<16xf32>
      %min3A_266 = arith.minimumf %max3A_249, %min3A_264 : vector<16xf32>
      %max3A_267 = arith.maximumf %max3A_251, %get3A_85 : vector<16xf32>
      %min3A_268 = arith.minimumf %max3A_251, %get3A_85 : vector<16xf32>
      %max3A_269 = arith.maximumf %max3A_253, %min3A_268 : vector<16xf32>
      %min3A_270 = arith.minimumf %max3A_253, %min3A_268 : vector<16xf32>
      %max3A_271 = arith.maximumf %max3A_255, %min3A_270 : vector<16xf32>
      %min3A_272 = arith.minimumf %max3A_255, %min3A_270 : vector<16xf32>
      %max3A_273 = arith.maximumf %max3A_257, %min3A_272 : vector<16xf32>
      %min3A_274 = arith.minimumf %max3A_257, %min3A_272 : vector<16xf32>
      %max3A_275 = arith.maximumf %max3A_259, %min3A_274 : vector<16xf32>
      %min3A_276 = arith.minimumf %max3A_259, %min3A_274 : vector<16xf32>
      %max3A_277 = arith.maximumf %max3A_261, %min3A_276 : vector<16xf32>
      %min3A_278 = arith.minimumf %max3A_261, %min3A_276 : vector<16xf32>
      %max3A_279 = arith.maximumf %max3A_263, %min3A_278 : vector<16xf32>
      %min3A_280 = arith.minimumf %max3A_263, %min3A_278 : vector<16xf32>
      %max3A_281 = arith.maximumf %max3A_265, %min3A_280 : vector<16xf32>
      %min3A_282 = arith.minimumf %max3A_265, %min3A_280 : vector<16xf32>
      %max3A_283 = arith.maximumf %max3A_267, %get3A_90 : vector<16xf32>
      %min3A_284 = arith.minimumf %max3A_267, %get3A_90 : vector<16xf32>
      %max3A_285 = arith.maximumf %max3A_269, %min3A_284 : vector<16xf32>
      %min3A_286 = arith.minimumf %max3A_269, %min3A_284 : vector<16xf32>
      %max3A_287 = arith.maximumf %max3A_271, %min3A_286 : vector<16xf32>
      %min3A_288 = arith.minimumf %max3A_271, %min3A_286 : vector<16xf32>
      %max3A_289 = arith.maximumf %max3A_273, %min3A_288 : vector<16xf32>
      %min3A_290 = arith.minimumf %max3A_273, %min3A_288 : vector<16xf32>
      %max3A_291 = arith.maximumf %max3A_275, %min3A_290 : vector<16xf32>
      %min3A_292 = arith.minimumf %max3A_275, %min3A_290 : vector<16xf32>
      %max3A_293 = arith.maximumf %max3A_277, %min3A_292 : vector<16xf32>
      %min3A_294 = arith.minimumf %max3A_277, %min3A_292 : vector<16xf32>
      %max3A_295 = arith.maximumf %max3A_279, %min3A_294 : vector<16xf32>
      %min3A_296 = arith.minimumf %max3A_279, %min3A_294 : vector<16xf32>
      %max3A_297 = arith.maximumf %max3A_281, %min3A_296 : vector<16xf32>
      %min3A_298 = arith.minimumf %max3A_281, %min3A_296 : vector<16xf32>
      %max3A_299 = arith.maximumf %max3A_283, %get3A_95 : vector<16xf32>
      %min3A_300 = arith.minimumf %max3A_283, %get3A_95 : vector<16xf32>
      %max3A_301 = arith.maximumf %max3A_285, %min3A_300 : vector<16xf32>
      %min3A_302 = arith.minimumf %max3A_285, %min3A_300 : vector<16xf32>
      %max3A_303 = arith.maximumf %max3A_287, %min3A_302 : vector<16xf32>
      %min3A_304 = arith.minimumf %max3A_287, %min3A_302 : vector<16xf32>
      %max3A_305 = arith.maximumf %max3A_289, %min3A_304 : vector<16xf32>
      %min3A_306 = arith.minimumf %max3A_289, %min3A_304 : vector<16xf32>
      %max3A_307 = arith.maximumf %max3A_291, %min3A_306 : vector<16xf32>
      %min3A_308 = arith.minimumf %max3A_291, %min3A_306 : vector<16xf32>
      %max3A_309 = arith.maximumf %max3A_293, %min3A_308 : vector<16xf32>
      %min3A_310 = arith.minimumf %max3A_293, %min3A_308 : vector<16xf32>
      %max3A_311 = arith.maximumf %max3A_295, %min3A_310 : vector<16xf32>
      %min3A_312 = arith.minimumf %max3A_295, %min3A_310 : vector<16xf32>
      %max3A_313 = arith.maximumf %max3A_297, %min3A_312 : vector<16xf32>
      %min3A_314 = arith.minimumf %max3A_297, %min3A_312 : vector<16xf32>
      %max3A_315 = arith.maximumf %max3A_299, %get3A_100 : vector<16xf32>
      %min3A_316 = arith.minimumf %max3A_299, %get3A_100 : vector<16xf32>
      %max3A_317 = arith.maximumf %max3A_301, %min3A_316 : vector<16xf32>
      %min3A_318 = arith.minimumf %max3A_301, %min3A_316 : vector<16xf32>
      %max3A_319 = arith.maximumf %max3A_303, %min3A_318 : vector<16xf32>
      %min3A_320 = arith.minimumf %max3A_303, %min3A_318 : vector<16xf32>
      %max3A_321 = arith.maximumf %max3A_305, %min3A_320 : vector<16xf32>
      %min3A_322 = arith.minimumf %max3A_305, %min3A_320 : vector<16xf32>
      %max3A_323 = arith.maximumf %max3A_307, %min3A_322 : vector<16xf32>
      %min3A_324 = arith.minimumf %max3A_307, %min3A_322 : vector<16xf32>
      %max3A_325 = arith.maximumf %max3A_309, %min3A_324 : vector<16xf32>
      %min3A_326 = arith.minimumf %max3A_309, %min3A_324 : vector<16xf32>
      %max3A_327 = arith.maximumf %max3A_311, %min3A_326 : vector<16xf32>
      %min3A_328 = arith.minimumf %max3A_311, %min3A_326 : vector<16xf32>
      %max3A_329 = arith.maximumf %max3A_313, %min3A_328 : vector<16xf32>
      %min3A_330 = arith.minimumf %max3A_313, %min3A_328 : vector<16xf32>
      %max3A_331 = arith.maximumf %max3A_315, %get3A_105 : vector<16xf32>
      %min3A_332 = arith.minimumf %max3A_315, %get3A_105 : vector<16xf32>
      %max3A_333 = arith.maximumf %max3A_317, %min3A_332 : vector<16xf32>
      %min3A_334 = arith.minimumf %max3A_317, %min3A_332 : vector<16xf32>
      %max3A_335 = arith.maximumf %max3A_319, %min3A_334 : vector<16xf32>
      %min3A_336 = arith.minimumf %max3A_319, %min3A_334 : vector<16xf32>
      %max3A_337 = arith.maximumf %max3A_321, %min3A_336 : vector<16xf32>
      %min3A_338 = arith.minimumf %max3A_321, %min3A_336 : vector<16xf32>
      %max3A_339 = arith.maximumf %max3A_323, %min3A_338 : vector<16xf32>
      %min3A_340 = arith.minimumf %max3A_323, %min3A_338 : vector<16xf32>
      %max3A_341 = arith.maximumf %max3A_325, %min3A_340 : vector<16xf32>
      %min3A_342 = arith.minimumf %max3A_325, %min3A_340 : vector<16xf32>
      %max3A_343 = arith.maximumf %max3A_327, %min3A_342 : vector<16xf32>
      %min3A_344 = arith.minimumf %max3A_327, %min3A_342 : vector<16xf32>
      %max3A_345 = arith.maximumf %max3A_329, %min3A_344 : vector<16xf32>
      %min3A_346 = arith.minimumf %max3A_329, %min3A_344 : vector<16xf32>
      %max3A_347 = arith.maximumf %max3A_331, %get3A_110 : vector<16xf32>
      %min3A_348 = arith.minimumf %max3A_331, %get3A_110 : vector<16xf32>
      %max3A_349 = arith.maximumf %max3A_333, %min3A_348 : vector<16xf32>
      %min3A_350 = arith.minimumf %max3A_333, %min3A_348 : vector<16xf32>
      %max3A_351 = arith.maximumf %max3A_335, %min3A_350 : vector<16xf32>
      %min3A_352 = arith.minimumf %max3A_335, %min3A_350 : vector<16xf32>
      %max3A_353 = arith.maximumf %max3A_337, %min3A_352 : vector<16xf32>
      %min3A_354 = arith.minimumf %max3A_337, %min3A_352 : vector<16xf32>
      %max3A_355 = arith.maximumf %max3A_339, %min3A_354 : vector<16xf32>
      %min3A_356 = arith.minimumf %max3A_339, %min3A_354 : vector<16xf32>
      %max3A_357 = arith.maximumf %max3A_341, %min3A_356 : vector<16xf32>
      %min3A_358 = arith.minimumf %max3A_341, %min3A_356 : vector<16xf32>
      %max3A_359 = arith.maximumf %max3A_343, %min3A_358 : vector<16xf32>
      %min3A_360 = arith.minimumf %max3A_343, %min3A_358 : vector<16xf32>
      %max3A_361 = arith.maximumf %max3A_345, %min3A_360 : vector<16xf32>
      %min3A_362 = arith.minimumf %max3A_345, %min3A_360 : vector<16xf32>
      %max3A_363 = arith.maximumf %max3A_347, %get3A_115 : vector<16xf32>
      %min3A_364 = arith.minimumf %max3A_347, %get3A_115 : vector<16xf32>
      %max3A_365 = arith.maximumf %max3A_349, %min3A_364 : vector<16xf32>
      %min3A_366 = arith.minimumf %max3A_349, %min3A_364 : vector<16xf32>
      %max3A_367 = arith.maximumf %max3A_351, %min3A_366 : vector<16xf32>
      %min3A_368 = arith.minimumf %max3A_351, %min3A_366 : vector<16xf32>
      %max3A_369 = arith.maximumf %max3A_353, %min3A_368 : vector<16xf32>
      %min3A_370 = arith.minimumf %max3A_353, %min3A_368 : vector<16xf32>
      %max3A_371 = arith.maximumf %max3A_355, %min3A_370 : vector<16xf32>
      %min3A_372 = arith.minimumf %max3A_355, %min3A_370 : vector<16xf32>
      %max3A_373 = arith.maximumf %max3A_357, %min3A_372 : vector<16xf32>
      %min3A_374 = arith.minimumf %max3A_357, %min3A_372 : vector<16xf32>
      %max3A_375 = arith.maximumf %max3A_359, %min3A_374 : vector<16xf32>
      %min3A_376 = arith.minimumf %max3A_359, %min3A_374 : vector<16xf32>
      %max3A_377 = arith.maximumf %max3A_361, %min3A_376 : vector<16xf32>
      %min3A_378 = arith.minimumf %max3A_361, %min3A_376 : vector<16xf32>
      %max3A_379 = arith.maximumf %max3A_363, %get3A_120 : vector<16xf32>
      %min3A_380 = arith.minimumf %max3A_363, %get3A_120 : vector<16xf32>
      %max3A_381 = arith.maximumf %max3A_365, %min3A_380 : vector<16xf32>
      %min3A_382 = arith.minimumf %max3A_365, %min3A_380 : vector<16xf32>
      %max3A_383 = arith.maximumf %max3A_367, %min3A_382 : vector<16xf32>
      %min3A_384 = arith.minimumf %max3A_367, %min3A_382 : vector<16xf32>
      %max3A_385 = arith.maximumf %max3A_369, %min3A_384 : vector<16xf32>
      %min3A_386 = arith.minimumf %max3A_369, %min3A_384 : vector<16xf32>
      %max3A_387 = arith.maximumf %max3A_371, %min3A_386 : vector<16xf32>
      %min3A_388 = arith.minimumf %max3A_371, %min3A_386 : vector<16xf32>
      %max3A_389 = arith.maximumf %max3A_373, %min3A_388 : vector<16xf32>
      %min3A_390 = arith.minimumf %max3A_373, %min3A_388 : vector<16xf32>
      %max3A_391 = arith.maximumf %max3A_375, %min3A_390 : vector<16xf32>
      %min3A_392 = arith.minimumf %max3A_375, %min3A_390 : vector<16xf32>
      %max3A_393 = arith.maximumf %max3A_377, %min3A_392 : vector<16xf32>
      %min3A_394 = arith.minimumf %max3A_377, %min3A_392 : vector<16xf32>
      %max3A_395 = arith.maximumf %max3A_379, %get3A_125 : vector<16xf32>
      %min3A_396 = arith.minimumf %max3A_379, %get3A_125 : vector<16xf32>
      %max3A_397 = arith.maximumf %max3A_381, %min3A_396 : vector<16xf32>
      %min3A_398 = arith.minimumf %max3A_381, %min3A_396 : vector<16xf32>
      %max3A_399 = arith.maximumf %max3A_383, %min3A_398 : vector<16xf32>
      %min3A_400 = arith.minimumf %max3A_383, %min3A_398 : vector<16xf32>
      %max3A_401 = arith.maximumf %max3A_385, %min3A_400 : vector<16xf32>
      %min3A_402 = arith.minimumf %max3A_385, %min3A_400 : vector<16xf32>
      %max3A_403 = arith.maximumf %max3A_387, %min3A_402 : vector<16xf32>
      %min3A_404 = arith.minimumf %max3A_387, %min3A_402 : vector<16xf32>
      %max3A_405 = arith.maximumf %max3A_389, %min3A_404 : vector<16xf32>
      %min3A_406 = arith.minimumf %max3A_389, %min3A_404 : vector<16xf32>
      %max3A_407 = arith.maximumf %max3A_391, %min3A_406 : vector<16xf32>
      %min3A_408 = arith.minimumf %max3A_391, %min3A_406 : vector<16xf32>
      %max3A_409 = arith.maximumf %max3A_393, %min3A_408 : vector<16xf32>
      %min3A_410 = arith.minimumf %max3A_393, %min3A_408 : vector<16xf32>
      %max3A_411 = arith.maximumf %max3A_395, %get3A_130 : vector<16xf32>
      %min3A_412 = arith.minimumf %max3A_395, %get3A_130 : vector<16xf32>
      %max3A_413 = arith.maximumf %max3A_397, %min3A_412 : vector<16xf32>
      %min3A_414 = arith.minimumf %max3A_397, %min3A_412 : vector<16xf32>
      %max3A_415 = arith.maximumf %max3A_399, %min3A_414 : vector<16xf32>
      %min3A_416 = arith.minimumf %max3A_399, %min3A_414 : vector<16xf32>
      %max3A_417 = arith.maximumf %max3A_401, %min3A_416 : vector<16xf32>
      %min3A_418 = arith.minimumf %max3A_401, %min3A_416 : vector<16xf32>
      %max3A_419 = arith.maximumf %max3A_403, %min3A_418 : vector<16xf32>
      %min3A_420 = arith.minimumf %max3A_403, %min3A_418 : vector<16xf32>
      %max3A_421 = arith.maximumf %max3A_405, %min3A_420 : vector<16xf32>
      %min3A_422 = arith.minimumf %max3A_405, %min3A_420 : vector<16xf32>
      %max3A_423 = arith.maximumf %max3A_407, %min3A_422 : vector<16xf32>
      %min3A_424 = arith.minimumf %max3A_407, %min3A_422 : vector<16xf32>
      %max3A_425 = arith.maximumf %max3A_409, %min3A_424 : vector<16xf32>
      %min3A_426 = arith.minimumf %max3A_409, %min3A_424 : vector<16xf32>
      %max3A_427 = arith.maximumf %max3A_411, %get3A_135 : vector<16xf32>
      %min3A_428 = arith.minimumf %max3A_411, %get3A_135 : vector<16xf32>
      %max3A_429 = arith.maximumf %max3A_413, %min3A_428 : vector<16xf32>
      %min3A_430 = arith.minimumf %max3A_413, %min3A_428 : vector<16xf32>
      %max3A_431 = arith.maximumf %max3A_415, %min3A_430 : vector<16xf32>
      %min3A_432 = arith.minimumf %max3A_415, %min3A_430 : vector<16xf32>
      %max3A_433 = arith.maximumf %max3A_417, %min3A_432 : vector<16xf32>
      %min3A_434 = arith.minimumf %max3A_417, %min3A_432 : vector<16xf32>
      %max3A_435 = arith.maximumf %max3A_419, %min3A_434 : vector<16xf32>
      %min3A_436 = arith.minimumf %max3A_419, %min3A_434 : vector<16xf32>
      %max3A_437 = arith.maximumf %max3A_421, %min3A_436 : vector<16xf32>
      %min3A_438 = arith.minimumf %max3A_421, %min3A_436 : vector<16xf32>
      %max3A_439 = arith.maximumf %max3A_423, %min3A_438 : vector<16xf32>
      %min3A_440 = arith.minimumf %max3A_423, %min3A_438 : vector<16xf32>
      %max3A_441 = arith.maximumf %max3A_425, %min3A_440 : vector<16xf32>
      %min3A_442 = arith.minimumf %max3A_425, %min3A_440 : vector<16xf32>
      %max3A_443 = arith.maximumf %max3A_427, %get3A_140 : vector<16xf32>
      %min3A_444 = arith.minimumf %max3A_427, %get3A_140 : vector<16xf32>
      %max3A_445 = arith.maximumf %max3A_429, %min3A_444 : vector<16xf32>
      %min3A_446 = arith.minimumf %max3A_429, %min3A_444 : vector<16xf32>
      %max3A_447 = arith.maximumf %max3A_431, %min3A_446 : vector<16xf32>
      %min3A_448 = arith.minimumf %max3A_431, %min3A_446 : vector<16xf32>
      %max3A_449 = arith.maximumf %max3A_433, %min3A_448 : vector<16xf32>
      %min3A_450 = arith.minimumf %max3A_433, %min3A_448 : vector<16xf32>
      %max3A_451 = arith.maximumf %max3A_435, %min3A_450 : vector<16xf32>
      %min3A_452 = arith.minimumf %max3A_435, %min3A_450 : vector<16xf32>
      %max3A_453 = arith.maximumf %max3A_437, %min3A_452 : vector<16xf32>
      %min3A_454 = arith.minimumf %max3A_437, %min3A_452 : vector<16xf32>
      %max3A_455 = arith.maximumf %max3A_439, %min3A_454 : vector<16xf32>
      %min3A_456 = arith.minimumf %max3A_439, %min3A_454 : vector<16xf32>
      %max3A_457 = arith.maximumf %max3A_441, %min3A_456 : vector<16xf32>
      %min3A_458 = arith.minimumf %max3A_441, %min3A_456 : vector<16xf32>
      %max3A_459 = arith.maximumf %max3A_443, %get3A_145 : vector<16xf32>
      %min3A_460 = arith.minimumf %max3A_443, %get3A_145 : vector<16xf32>
      %max3A_461 = arith.maximumf %max3A_445, %min3A_460 : vector<16xf32>
      %min3A_462 = arith.minimumf %max3A_445, %min3A_460 : vector<16xf32>
      %max3A_463 = arith.maximumf %max3A_447, %min3A_462 : vector<16xf32>
      %min3A_464 = arith.minimumf %max3A_447, %min3A_462 : vector<16xf32>
      %max3A_465 = arith.maximumf %max3A_449, %min3A_464 : vector<16xf32>
      %min3A_466 = arith.minimumf %max3A_449, %min3A_464 : vector<16xf32>
      %max3A_467 = arith.maximumf %max3A_451, %min3A_466 : vector<16xf32>
      %min3A_468 = arith.minimumf %max3A_451, %min3A_466 : vector<16xf32>
      %max3A_469 = arith.maximumf %max3A_453, %min3A_468 : vector<16xf32>
      %min3A_470 = arith.minimumf %max3A_453, %min3A_468 : vector<16xf32>
      %max3A_471 = arith.maximumf %max3A_455, %min3A_470 : vector<16xf32>
      %min3A_472 = arith.minimumf %max3A_455, %min3A_470 : vector<16xf32>
      %max3A_473 = arith.maximumf %max3A_457, %min3A_472 : vector<16xf32>
      %min3A_474 = arith.minimumf %max3A_457, %min3A_472 : vector<16xf32>
      %max3A_475 = arith.maximumf %max3A_459, %get3A_150 : vector<16xf32>
      %min3A_476 = arith.minimumf %max3A_459, %get3A_150 : vector<16xf32>
      %max3A_477 = arith.maximumf %max3A_461, %min3A_476 : vector<16xf32>
      %min3A_478 = arith.minimumf %max3A_461, %min3A_476 : vector<16xf32>
      %max3A_479 = arith.maximumf %max3A_463, %min3A_478 : vector<16xf32>
      %min3A_480 = arith.minimumf %max3A_463, %min3A_478 : vector<16xf32>
      %max3A_481 = arith.maximumf %max3A_465, %min3A_480 : vector<16xf32>
      %min3A_482 = arith.minimumf %max3A_465, %min3A_480 : vector<16xf32>
      %max3A_483 = arith.maximumf %max3A_467, %min3A_482 : vector<16xf32>
      %min3A_484 = arith.minimumf %max3A_467, %min3A_482 : vector<16xf32>
      %max3A_485 = arith.maximumf %max3A_469, %min3A_484 : vector<16xf32>
      %min3A_486 = arith.minimumf %max3A_469, %min3A_484 : vector<16xf32>
      %max3A_487 = arith.maximumf %max3A_471, %min3A_486 : vector<16xf32>
      %min3A_488 = arith.minimumf %max3A_471, %min3A_486 : vector<16xf32>
      %max3A_489 = arith.maximumf %max3A_473, %min3A_488 : vector<16xf32>
      %min3A_490 = arith.minimumf %max3A_473, %min3A_488 : vector<16xf32>
      %max3A_491 = arith.maximumf %max3A_475, %get3A_155 : vector<16xf32>
      %min3A_492 = arith.minimumf %max3A_475, %get3A_155 : vector<16xf32>
      %max3A_493 = arith.maximumf %max3A_477, %min3A_492 : vector<16xf32>
      %min3A_494 = arith.minimumf %max3A_477, %min3A_492 : vector<16xf32>
      %max3A_495 = arith.maximumf %max3A_479, %min3A_494 : vector<16xf32>
      %min3A_496 = arith.minimumf %max3A_479, %min3A_494 : vector<16xf32>
      %max3A_497 = arith.maximumf %max3A_481, %min3A_496 : vector<16xf32>
      %min3A_498 = arith.minimumf %max3A_481, %min3A_496 : vector<16xf32>
      %max3A_499 = arith.maximumf %max3A_483, %min3A_498 : vector<16xf32>
      %min3A_500 = arith.minimumf %max3A_483, %min3A_498 : vector<16xf32>
      %max3A_501 = arith.maximumf %max3A_485, %min3A_500 : vector<16xf32>
      %min3A_502 = arith.minimumf %max3A_485, %min3A_500 : vector<16xf32>
      %max3A_503 = arith.maximumf %max3A_487, %min3A_502 : vector<16xf32>
      %min3A_504 = arith.minimumf %max3A_487, %min3A_502 : vector<16xf32>
      %max3A_505 = arith.maximumf %max3A_489, %min3A_504 : vector<16xf32>
      %min3A_506 = arith.minimumf %max3A_489, %min3A_504 : vector<16xf32>
      %broadcast_in_dim3A_507 = arith.constant 0 : i32
      %broadcast_in_dim3A_508 = vector.broadcast %broadcast_in_dim3A_507 : i32 to vector<16xi32>
      %gt3A = arith.cmpf ogt, %get3A_50, %max3A_505 : vector<16xf32>
      %jit3A_509 = arith.constant 1 : i32
      %jit3A_510 = arith.constant 0 : i32
      %broadcast_in_dim3A_511 = vector.broadcast %jit3A_509 : i32 to vector<16xi32>
      %broadcast_in_dim3A_512 = vector.broadcast %jit3A_510 : i32 to vector<16xi32>
      %select_n3A_513 = arith.select %gt3A, %broadcast_in_dim3A_511, %broadcast_in_dim3A_512 : vector<16xi1>, vector<16xi32>
      %add3A_514 = arith.addi %broadcast_in_dim3A_508, %select_n3A_513 : vector<16xi32>
      %gt3A_515 = arith.cmpf ogt, %get3A_55, %max3A_505 : vector<16xf32>
      %jit3A_516 = arith.constant 1 : i32
      %jit3A_517 = arith.constant 0 : i32
      %broadcast_in_dim3A_518 = vector.broadcast %jit3A_516 : i32 to vector<16xi32>
      %broadcast_in_dim3A_519 = vector.broadcast %jit3A_517 : i32 to vector<16xi32>
      %select_n3A_520 = arith.select %gt3A_515, %broadcast_in_dim3A_518, %broadcast_in_dim3A_519 : vector<16xi1>, vector<16xi32>
      %add3A_521 = arith.addi %add3A_514, %select_n3A_520 : vector<16xi32>
      %gt3A_522 = arith.cmpf ogt, %get3A_60, %max3A_505 : vector<16xf32>
      %jit3A_523 = arith.constant 1 : i32
      %jit3A_524 = arith.constant 0 : i32
      %broadcast_in_dim3A_525 = vector.broadcast %jit3A_523 : i32 to vector<16xi32>
      %broadcast_in_dim3A_526 = vector.broadcast %jit3A_524 : i32 to vector<16xi32>
      %select_n3A_527 = arith.select %gt3A_522, %broadcast_in_dim3A_525, %broadcast_in_dim3A_526 : vector<16xi1>, vector<16xi32>
      %add3A_528 = arith.addi %add3A_521, %select_n3A_527 : vector<16xi32>
      %gt3A_529 = arith.cmpf ogt, %get3A_65, %max3A_505 : vector<16xf32>
      %jit3A_530 = arith.constant 1 : i32
      %jit3A_531 = arith.constant 0 : i32
      %broadcast_in_dim3A_532 = vector.broadcast %jit3A_530 : i32 to vector<16xi32>
      %broadcast_in_dim3A_533 = vector.broadcast %jit3A_531 : i32 to vector<16xi32>
      %select_n3A_534 = arith.select %gt3A_529, %broadcast_in_dim3A_532, %broadcast_in_dim3A_533 : vector<16xi1>, vector<16xi32>
      %add3A_535 = arith.addi %add3A_528, %select_n3A_534 : vector<16xi32>
      %gt3A_536 = arith.cmpf ogt, %get3A_70, %max3A_505 : vector<16xf32>
      %jit3A_537 = arith.constant 1 : i32
      %jit3A_538 = arith.constant 0 : i32
      %broadcast_in_dim3A_539 = vector.broadcast %jit3A_537 : i32 to vector<16xi32>
      %broadcast_in_dim3A_540 = vector.broadcast %jit3A_538 : i32 to vector<16xi32>
      %select_n3A_541 = arith.select %gt3A_536, %broadcast_in_dim3A_539, %broadcast_in_dim3A_540 : vector<16xi1>, vector<16xi32>
      %add3A_542 = arith.addi %add3A_535, %select_n3A_541 : vector<16xi32>
      %gt3A_543 = arith.cmpf ogt, %get3A_75, %max3A_505 : vector<16xf32>
      %jit3A_544 = arith.constant 1 : i32
      %jit3A_545 = arith.constant 0 : i32
      %broadcast_in_dim3A_546 = vector.broadcast %jit3A_544 : i32 to vector<16xi32>
      %broadcast_in_dim3A_547 = vector.broadcast %jit3A_545 : i32 to vector<16xi32>
      %select_n3A_548 = arith.select %gt3A_543, %broadcast_in_dim3A_546, %broadcast_in_dim3A_547 : vector<16xi1>, vector<16xi32>
      %add3A_549 = arith.addi %add3A_542, %select_n3A_548 : vector<16xi32>
      %gt3A_550 = arith.cmpf ogt, %get3A_80, %max3A_505 : vector<16xf32>
      %jit3A_551 = arith.constant 1 : i32
      %jit3A_552 = arith.constant 0 : i32
      %broadcast_in_dim3A_553 = vector.broadcast %jit3A_551 : i32 to vector<16xi32>
      %broadcast_in_dim3A_554 = vector.broadcast %jit3A_552 : i32 to vector<16xi32>
      %select_n3A_555 = arith.select %gt3A_550, %broadcast_in_dim3A_553, %broadcast_in_dim3A_554 : vector<16xi1>, vector<16xi32>
      %add3A_556 = arith.addi %add3A_549, %select_n3A_555 : vector<16xi32>
      %gt3A_557 = arith.cmpf ogt, %get3A_85, %max3A_505 : vector<16xf32>
      %jit3A_558 = arith.constant 1 : i32
      %jit3A_559 = arith.constant 0 : i32
      %broadcast_in_dim3A_560 = vector.broadcast %jit3A_558 : i32 to vector<16xi32>
      %broadcast_in_dim3A_561 = vector.broadcast %jit3A_559 : i32 to vector<16xi32>
      %select_n3A_562 = arith.select %gt3A_557, %broadcast_in_dim3A_560, %broadcast_in_dim3A_561 : vector<16xi1>, vector<16xi32>
      %add3A_563 = arith.addi %add3A_556, %select_n3A_562 : vector<16xi32>
      %gt3A_564 = arith.cmpf ogt, %get3A_90, %max3A_505 : vector<16xf32>
      %jit3A_565 = arith.constant 1 : i32
      %jit3A_566 = arith.constant 0 : i32
      %broadcast_in_dim3A_567 = vector.broadcast %jit3A_565 : i32 to vector<16xi32>
      %broadcast_in_dim3A_568 = vector.broadcast %jit3A_566 : i32 to vector<16xi32>
      %select_n3A_569 = arith.select %gt3A_564, %broadcast_in_dim3A_567, %broadcast_in_dim3A_568 : vector<16xi1>, vector<16xi32>
      %add3A_570 = arith.addi %add3A_563, %select_n3A_569 : vector<16xi32>
      %gt3A_571 = arith.cmpf ogt, %get3A_95, %max3A_505 : vector<16xf32>
      %jit3A_572 = arith.constant 1 : i32
      %jit3A_573 = arith.constant 0 : i32
      %broadcast_in_dim3A_574 = vector.broadcast %jit3A_572 : i32 to vector<16xi32>
      %broadcast_in_dim3A_575 = vector.broadcast %jit3A_573 : i32 to vector<16xi32>
      %select_n3A_576 = arith.select %gt3A_571, %broadcast_in_dim3A_574, %broadcast_in_dim3A_575 : vector<16xi1>, vector<16xi32>
      %add3A_577 = arith.addi %add3A_570, %select_n3A_576 : vector<16xi32>
      %gt3A_578 = arith.cmpf ogt, %get3A_100, %max3A_505 : vector<16xf32>
      %jit3A_579 = arith.constant 1 : i32
      %jit3A_580 = arith.constant 0 : i32
      %broadcast_in_dim3A_581 = vector.broadcast %jit3A_579 : i32 to vector<16xi32>
      %broadcast_in_dim3A_582 = vector.broadcast %jit3A_580 : i32 to vector<16xi32>
      %select_n3A_583 = arith.select %gt3A_578, %broadcast_in_dim3A_581, %broadcast_in_dim3A_582 : vector<16xi1>, vector<16xi32>
      %add3A_584 = arith.addi %add3A_577, %select_n3A_583 : vector<16xi32>
      %gt3A_585 = arith.cmpf ogt, %get3A_105, %max3A_505 : vector<16xf32>
      %jit3A_586 = arith.constant 1 : i32
      %jit3A_587 = arith.constant 0 : i32
      %broadcast_in_dim3A_588 = vector.broadcast %jit3A_586 : i32 to vector<16xi32>
      %broadcast_in_dim3A_589 = vector.broadcast %jit3A_587 : i32 to vector<16xi32>
      %select_n3A_590 = arith.select %gt3A_585, %broadcast_in_dim3A_588, %broadcast_in_dim3A_589 : vector<16xi1>, vector<16xi32>
      %add3A_591 = arith.addi %add3A_584, %select_n3A_590 : vector<16xi32>
      %gt3A_592 = arith.cmpf ogt, %get3A_110, %max3A_505 : vector<16xf32>
      %jit3A_593 = arith.constant 1 : i32
      %jit3A_594 = arith.constant 0 : i32
      %broadcast_in_dim3A_595 = vector.broadcast %jit3A_593 : i32 to vector<16xi32>
      %broadcast_in_dim3A_596 = vector.broadcast %jit3A_594 : i32 to vector<16xi32>
      %select_n3A_597 = arith.select %gt3A_592, %broadcast_in_dim3A_595, %broadcast_in_dim3A_596 : vector<16xi1>, vector<16xi32>
      %add3A_598 = arith.addi %add3A_591, %select_n3A_597 : vector<16xi32>
      %gt3A_599 = arith.cmpf ogt, %get3A_115, %max3A_505 : vector<16xf32>
      %jit3A_600 = arith.constant 1 : i32
      %jit3A_601 = arith.constant 0 : i32
      %broadcast_in_dim3A_602 = vector.broadcast %jit3A_600 : i32 to vector<16xi32>
      %broadcast_in_dim3A_603 = vector.broadcast %jit3A_601 : i32 to vector<16xi32>
      %select_n3A_604 = arith.select %gt3A_599, %broadcast_in_dim3A_602, %broadcast_in_dim3A_603 : vector<16xi1>, vector<16xi32>
      %add3A_605 = arith.addi %add3A_598, %select_n3A_604 : vector<16xi32>
      %gt3A_606 = arith.cmpf ogt, %get3A_120, %max3A_505 : vector<16xf32>
      %jit3A_607 = arith.constant 1 : i32
      %jit3A_608 = arith.constant 0 : i32
      %broadcast_in_dim3A_609 = vector.broadcast %jit3A_607 : i32 to vector<16xi32>
      %broadcast_in_dim3A_610 = vector.broadcast %jit3A_608 : i32 to vector<16xi32>
      %select_n3A_611 = arith.select %gt3A_606, %broadcast_in_dim3A_609, %broadcast_in_dim3A_610 : vector<16xi1>, vector<16xi32>
      %add3A_612 = arith.addi %add3A_605, %select_n3A_611 : vector<16xi32>
      %gt3A_613 = arith.cmpf ogt, %get3A_125, %max3A_505 : vector<16xf32>
      %jit3A_614 = arith.constant 1 : i32
      %jit3A_615 = arith.constant 0 : i32
      %broadcast_in_dim3A_616 = vector.broadcast %jit3A_614 : i32 to vector<16xi32>
      %broadcast_in_dim3A_617 = vector.broadcast %jit3A_615 : i32 to vector<16xi32>
      %select_n3A_618 = arith.select %gt3A_613, %broadcast_in_dim3A_616, %broadcast_in_dim3A_617 : vector<16xi1>, vector<16xi32>
      %add3A_619 = arith.addi %add3A_612, %select_n3A_618 : vector<16xi32>
      %gt3A_620 = arith.cmpf ogt, %get3A_130, %max3A_505 : vector<16xf32>
      %jit3A_621 = arith.constant 1 : i32
      %jit3A_622 = arith.constant 0 : i32
      %broadcast_in_dim3A_623 = vector.broadcast %jit3A_621 : i32 to vector<16xi32>
      %broadcast_in_dim3A_624 = vector.broadcast %jit3A_622 : i32 to vector<16xi32>
      %select_n3A_625 = arith.select %gt3A_620, %broadcast_in_dim3A_623, %broadcast_in_dim3A_624 : vector<16xi1>, vector<16xi32>
      %add3A_626 = arith.addi %add3A_619, %select_n3A_625 : vector<16xi32>
      %gt3A_627 = arith.cmpf ogt, %get3A_135, %max3A_505 : vector<16xf32>
      %jit3A_628 = arith.constant 1 : i32
      %jit3A_629 = arith.constant 0 : i32
      %broadcast_in_dim3A_630 = vector.broadcast %jit3A_628 : i32 to vector<16xi32>
      %broadcast_in_dim3A_631 = vector.broadcast %jit3A_629 : i32 to vector<16xi32>
      %select_n3A_632 = arith.select %gt3A_627, %broadcast_in_dim3A_630, %broadcast_in_dim3A_631 : vector<16xi1>, vector<16xi32>
      %add3A_633 = arith.addi %add3A_626, %select_n3A_632 : vector<16xi32>
      %gt3A_634 = arith.cmpf ogt, %get3A_140, %max3A_505 : vector<16xf32>
      %jit3A_635 = arith.constant 1 : i32
      %jit3A_636 = arith.constant 0 : i32
      %broadcast_in_dim3A_637 = vector.broadcast %jit3A_635 : i32 to vector<16xi32>
      %broadcast_in_dim3A_638 = vector.broadcast %jit3A_636 : i32 to vector<16xi32>
      %select_n3A_639 = arith.select %gt3A_634, %broadcast_in_dim3A_637, %broadcast_in_dim3A_638 : vector<16xi1>, vector<16xi32>
      %add3A_640 = arith.addi %add3A_633, %select_n3A_639 : vector<16xi32>
      %gt3A_641 = arith.cmpf ogt, %get3A_145, %max3A_505 : vector<16xf32>
      %jit3A_642 = arith.constant 1 : i32
      %jit3A_643 = arith.constant 0 : i32
      %broadcast_in_dim3A_644 = vector.broadcast %jit3A_642 : i32 to vector<16xi32>
      %broadcast_in_dim3A_645 = vector.broadcast %jit3A_643 : i32 to vector<16xi32>
      %select_n3A_646 = arith.select %gt3A_641, %broadcast_in_dim3A_644, %broadcast_in_dim3A_645 : vector<16xi1>, vector<16xi32>
      %add3A_647 = arith.addi %add3A_640, %select_n3A_646 : vector<16xi32>
      %gt3A_648 = arith.cmpf ogt, %get3A_150, %max3A_505 : vector<16xf32>
      %jit3A_649 = arith.constant 1 : i32
      %jit3A_650 = arith.constant 0 : i32
      %broadcast_in_dim3A_651 = vector.broadcast %jit3A_649 : i32 to vector<16xi32>
      %broadcast_in_dim3A_652 = vector.broadcast %jit3A_650 : i32 to vector<16xi32>
      %select_n3A_653 = arith.select %gt3A_648, %broadcast_in_dim3A_651, %broadcast_in_dim3A_652 : vector<16xi1>, vector<16xi32>
      %add3A_654 = arith.addi %add3A_647, %select_n3A_653 : vector<16xi32>
      %gt3A_655 = arith.cmpf ogt, %get3A_155, %max3A_505 : vector<16xf32>
      %jit3A_656 = arith.constant 1 : i32
      %jit3A_657 = arith.constant 0 : i32
      %broadcast_in_dim3A_658 = vector.broadcast %jit3A_656 : i32 to vector<16xi32>
      %broadcast_in_dim3A_659 = vector.broadcast %jit3A_657 : i32 to vector<16xi32>
      %select_n3A_660 = arith.select %gt3A_655, %broadcast_in_dim3A_658, %broadcast_in_dim3A_659 : vector<16xi1>, vector<16xi32>
      %add3A_661 = arith.addi %add3A_654, %select_n3A_660 : vector<16xi32>
      %eq3A_662 = arith.cmpf oeq, %get3A_50, %max3A_505 : vector<16xf32>
      %gt3A_663 = arith.cmpf ogt, %get3A_50, %max3A_505 : vector<16xf32>
      %lt3A_664 = arith.constant 8 : i32
      %lt3A_665 = vector.broadcast %lt3A_664 : i32 to vector<16xi32>
      %lt3A_666 = arith.cmpi slt, %add3A_661, %lt3A_665 : vector<16xi32>
      %and3A_667 = arith.andi %eq3A_662, %lt3A_666 : vector<16xi1>
      %or3A = arith.ori %gt3A_663, %and3A_667 : vector<16xi1>
      %jit3A_668 = arith.constant 0.000000e+00 : f32
      %broadcast_in_dim3A_669 = vector.broadcast %jit3A_668 : f32 to vector<16xf32>
      %select_n3A_670 = arith.select %or3A, %get3A_50, %broadcast_in_dim3A_669 : vector<16xi1>, vector<16xf32>
      %swap3A = arith.constant 0 : i32
      %swap3A_671 = arith.index_cast %swap3A : i32 to index
      %swap3A_672 = arith.index_cast %mul3A_46 : i32 to index
      %swap3A_673 = tpu.vector_load %arg4[%swap3A_671, %swap3A_672] {strides = array<i32>} : memref<22x2048xf32, #tpu.memory_space<vmem>>, vector<1x16xf32>,
      %swap3A_674 = vector.shape_cast %swap3A_673 : vector<1x16xf32> to vector<16xf32>
      %swap3A_675 = vector.shape_cast %select_n3A_670 : vector<16xf32> to vector<1x16xf32>
      tpu.vector_store %arg4[%swap3A_671, %swap3A_672], %swap3A_675 {strides = array<i32>} : memref<22x2048xf32, #tpu.memory_space<vmem>>, vector<1x16xf32>,
      %jit3A_676 = arith.constant 1 : i32
      %jit3A_677 = arith.constant 0 : i32
      %broadcast_in_dim3A_678 = vector.broadcast %jit3A_676 : i32 to vector<16xi32>
      %broadcast_in_dim3A_679 = vector.broadcast %jit3A_677 : i32 to vector<16xi32>
      %select_n3A_680 = arith.select %eq3A_662, %broadcast_in_dim3A_678, %broadcast_in_dim3A_679 : vector<16xi1>, vector<16xi32>
      %add3A_681 = arith.addi %add3A_661, %select_n3A_680 : vector<16xi32>
      %eq3A_682 = arith.cmpf oeq, %get3A_55, %max3A_505 : vector<16xf32>
      %gt3A_683 = arith.cmpf ogt, %get3A_55, %max3A_505 : vector<16xf32>
      %lt3A_684 = arith.constant 8 : i32
      %lt3A_685 = vector.broadcast %lt3A_684 : i32 to vector<16xi32>
      %lt3A_686 = arith.cmpi slt, %add3A_681, %lt3A_685 : vector<16xi32>
      %and3A_687 = arith.andi %eq3A_682, %lt3A_686 : vector<16xi1>
      %or3A_688 = arith.ori %gt3A_683, %and3A_687 : vector<16xi1>
      %jit3A_689 = arith.constant 0.000000e+00 : f32
      %broadcast_in_dim3A_690 = vector.broadcast %jit3A_689 : f32 to vector<16xf32>
      %select_n3A_691 = arith.select %or3A_688, %get3A_55, %broadcast_in_dim3A_690 : vector<16xi1>, vector<16xf32>
      %swap3A_692 = arith.constant 1 : i32
      %swap3A_693 = arith.index_cast %swap3A_692 : i32 to index
      %swap3A_694 = arith.index_cast %mul3A_46 : i32 to index
      %swap3A_695 = tpu.vector_load %arg4[%swap3A_693, %swap3A_694] {strides = array<i32>} : memref<22x2048xf32, #tpu.memory_space<vmem>>, vector<1x16xf32>,
      %swap3A_696 = vector.shape_cast %swap3A_695 : vector<1x16xf32> to vector<16xf32>
      %swap3A_697 = vector.shape_cast %select_n3A_691 : vector<16xf32> to vector<1x16xf32>
      tpu.vector_store %arg4[%swap3A_693, %swap3A_694], %swap3A_697 {strides = array<i32>} : memref<22x2048xf32, #tpu.memory_space<vmem>>, vector<1x16xf32>,
      %jit3A_698 = arith.constant 1 : i32
      %jit3A_699 = arith.constant 0 : i32
      %broadcast_in_dim3A_700 = vector.broadcast %jit3A_698 : i32 to vector<16xi32>
      %broadcast_in_dim3A_701 = vector.broadcast %jit3A_699 : i32 to vector<16xi32>
      %select_n3A_702 = arith.select %eq3A_682, %broadcast_in_dim3A_700, %broadcast_in_dim3A_701 : vector<16xi1>, vector<16xi32>
      %add3A_703 = arith.addi %add3A_681, %select_n3A_702 : vector<16xi32>
      %eq3A_704 = arith.cmpf oeq, %get3A_60, %max3A_505 : vector<16xf32>
      %gt3A_705 = arith.cmpf ogt, %get3A_60, %max3A_505 : vector<16xf32>
      %lt3A_706 = arith.constant 8 : i32
      %lt3A_707 = vector.broadcast %lt3A_706 : i32 to vector<16xi32>
      %lt3A_708 = arith.cmpi slt, %add3A_703, %lt3A_707 : vector<16xi32>
      %and3A_709 = arith.andi %eq3A_704, %lt3A_708 : vector<16xi1>
      %or3A_710 = arith.ori %gt3A_705, %and3A_709 : vector<16xi1>
      %jit3A_711 = arith.constant 0.000000e+00 : f32
      %broadcast_in_dim3A_712 = vector.broadcast %jit3A_711 : f32 to vector<16xf32>
      %select_n3A_713 = arith.select %or3A_710, %get3A_60, %broadcast_in_dim3A_712 : vector<16xi1>, vector<16xf32>
      %swap3A_714 = arith.constant 2 : i32
      %swap3A_715 = arith.index_cast %swap3A_714 : i32 to index
      %swap3A_716 = arith.index_cast %mul3A_46 : i32 to index
      %swap3A_717 = tpu.vector_load %arg4[%swap3A_715, %swap3A_716] {strides = array<i32>} : memref<22x2048xf32, #tpu.memory_space<vmem>>, vector<1x16xf32>,
      %swap3A_718 = vector.shape_cast %swap3A_717 : vector<1x16xf32> to vector<16xf32>
      %swap3A_719 = vector.shape_cast %select_n3A_713 : vector<16xf32> to vector<1x16xf32>
      tpu.vector_store %arg4[%swap3A_715, %swap3A_716], %swap3A_719 {strides = array<i32>} : memref<22x2048xf32, #tpu.memory_space<vmem>>, vector<1x16xf32>,
      %jit3A_720 = arith.constant 1 : i32
      %jit3A_721 = arith.constant 0 : i32
      %broadcast_in_dim3A_722 = vector.broadcast %jit3A_720 : i32 to vector<16xi32>
      %broadcast_in_dim3A_723 = vector.broadcast %jit3A_721 : i32 to vector<16xi32>
      %select_n3A_724 = arith.select %eq3A_704, %broadcast_in_dim3A_722, %broadcast_in_dim3A_723 : vector<16xi1>, vector<16xi32>
      %add3A_725 = arith.addi %add3A_703, %select_n3A_724 : vector<16xi32>
      %eq3A_726 = arith.cmpf oeq, %get3A_65, %max3A_505 : vector<16xf32>
      %gt3A_727 = arith.cmpf ogt, %get3A_65, %max3A_505 : vector<16xf32>
      %lt3A_728 = arith.constant 8 : i32
      %lt3A_729 = vector.broadcast %lt3A_728 : i32 to vector<16xi32>
      %lt3A_730 = arith.cmpi slt, %add3A_725, %lt3A_729 : vector<16xi32>
      %and3A_731 = arith.andi %eq3A_726, %lt3A_730 : vector<16xi1>
      %or3A_732 = arith.ori %gt3A_727, %and3A_731 : vector<16xi1>
      %jit3A_733 = arith.constant 0.000000e+00 : f32
      %broadcast_in_dim3A_734 = vector.broadcast %jit3A_733 : f32 to vector<16xf32>
      %select_n3A_735 = arith.select %or3A_732, %get3A_65, %broadcast_in_dim3A_734 : vector<16xi1>, vector<16xf32>
      %swap3A_736 = arith.constant 3 : i32
      %swap3A_737 = arith.index_cast %swap3A_736 : i32 to index
      %swap3A_738 = arith.index_cast %mul3A_46 : i32 to index
      %swap3A_739 = tpu.vector_load %arg4[%swap3A_737, %swap3A_738] {strides = array<i32>} : memref<22x2048xf32, #tpu.memory_space<vmem>>, vector<1x16xf32>,
      %swap3A_740 = vector.shape_cast %swap3A_739 : vector<1x16xf32> to vector<16xf32>
      %swap3A_741 = vector.shape_cast %select_n3A_735 : vector<16xf32> to vector<1x16xf32>
      tpu.vector_store %arg4[%swap3A_737, %swap3A_738], %swap3A_741 {strides = array<i32>} : memref<22x2048xf32, #tpu.memory_space<vmem>>, vector<1x16xf32>,
      %jit3A_742 = arith.constant 1 : i32
      %jit3A_743 = arith.constant 0 : i32
      %broadcast_in_dim3A_744 = vector.broadcast %jit3A_742 : i32 to vector<16xi32>
      %broadcast_in_dim3A_745 = vector.broadcast %jit3A_743 : i32 to vector<16xi32>
      %select_n3A_746 = arith.select %eq3A_726, %broadcast_in_dim3A_744, %broadcast_in_dim3A_745 : vector<16xi1>, vector<16xi32>
      %add3A_747 = arith.addi %add3A_725, %select_n3A_746 : vector<16xi32>
      %eq3A_748 = arith.cmpf oeq, %get3A_70, %max3A_505 : vector<16xf32>
      %gt3A_749 = arith.cmpf ogt, %get3A_70, %max3A_505 : vector<16xf32>
      %lt3A_750 = arith.constant 8 : i32
      %lt3A_751 = vector.broadcast %lt3A_750 : i32 to vector<16xi32>
      %lt3A_752 = arith.cmpi slt, %add3A_747, %lt3A_751 : vector<16xi32>
      %and3A_753 = arith.andi %eq3A_748, %lt3A_752 : vector<16xi1>
      %or3A_754 = arith.ori %gt3A_749, %and3A_753 : vector<16xi1>
      %jit3A_755 = arith.constant 0.000000e+00 : f32
      %broadcast_in_dim3A_756 = vector.broadcast %jit3A_755 : f32 to vector<16xf32>
      %select_n3A_757 = arith.select %or3A_754, %get3A_70, %broadcast_in_dim3A_756 : vector<16xi1>, vector<16xf32>
      %swap3A_758 = arith.constant 4 : i32
      %swap3A_759 = arith.index_cast %swap3A_758 : i32 to index
      %swap3A_760 = arith.index_cast %mul3A_46 : i32 to index
      %swap3A_761 = tpu.vector_load %arg4[%swap3A_759, %swap3A_760] {strides = array<i32>} : memref<22x2048xf32, #tpu.memory_space<vmem>>, vector<1x16xf32>,
      %swap3A_762 = vector.shape_cast %swap3A_761 : vector<1x16xf32> to vector<16xf32>
      %swap3A_763 = vector.shape_cast %select_n3A_757 : vector<16xf32> to vector<1x16xf32>
      tpu.vector_store %arg4[%swap3A_759, %swap3A_760], %swap3A_763 {strides = array<i32>} : memref<22x2048xf32, #tpu.memory_space<vmem>>, vector<1x16xf32>,
      %jit3A_764 = arith.constant 1 : i32
      %jit3A_765 = arith.constant 0 : i32
      %broadcast_in_dim3A_766 = vector.broadcast %jit3A_764 : i32 to vector<16xi32>
      %broadcast_in_dim3A_767 = vector.broadcast %jit3A_765 : i32 to vector<16xi32>
      %select_n3A_768 = arith.select %eq3A_748, %broadcast_in_dim3A_766, %broadcast_in_dim3A_767 : vector<16xi1>, vector<16xi32>
      %add3A_769 = arith.addi %add3A_747, %select_n3A_768 : vector<16xi32>
      %eq3A_770 = arith.cmpf oeq, %get3A_75, %max3A_505 : vector<16xf32>
      %gt3A_771 = arith.cmpf ogt, %get3A_75, %max3A_505 : vector<16xf32>
      %lt3A_772 = arith.constant 8 : i32
      %lt3A_773 = vector.broadcast %lt3A_772 : i32 to vector<16xi32>
      %lt3A_774 = arith.cmpi slt, %add3A_769, %lt3A_773 : vector<16xi32>
      %and3A_775 = arith.andi %eq3A_770, %lt3A_774 : vector<16xi1>
      %or3A_776 = arith.ori %gt3A_771, %and3A_775 : vector<16xi1>
      %jit3A_777 = arith.constant 0.000000e+00 : f32
      %broadcast_in_dim3A_778 = vector.broadcast %jit3A_777 : f32 to vector<16xf32>
      %select_n3A_779 = arith.select %or3A_776, %get3A_75, %broadcast_in_dim3A_778 : vector<16xi1>, vector<16xf32>
      %swap3A_780 = arith.constant 5 : i32
      %swap3A_781 = arith.index_cast %swap3A_780 : i32 to index
      %swap3A_782 = arith.index_cast %mul3A_46 : i32 to index
      %swap3A_783 = tpu.vector_load %arg4[%swap3A_781, %swap3A_782] {strides = array<i32>} : memref<22x2048xf32, #tpu.memory_space<vmem>>, vector<1x16xf32>,
      %swap3A_784 = vector.shape_cast %swap3A_783 : vector<1x16xf32> to vector<16xf32>
      %swap3A_785 = vector.shape_cast %select_n3A_779 : vector<16xf32> to vector<1x16xf32>
      tpu.vector_store %arg4[%swap3A_781, %swap3A_782], %swap3A_785 {strides = array<i32>} : memref<22x2048xf32, #tpu.memory_space<vmem>>, vector<1x16xf32>,
      %jit3A_786 = arith.constant 1 : i32
      %jit3A_787 = arith.constant 0 : i32
      %broadcast_in_dim3A_788 = vector.broadcast %jit3A_786 : i32 to vector<16xi32>
      %broadcast_in_dim3A_789 = vector.broadcast %jit3A_787 : i32 to vector<16xi32>
      %select_n3A_790 = arith.select %eq3A_770, %broadcast_in_dim3A_788, %broadcast_in_dim3A_789 : vector<16xi1>, vector<16xi32>
      %add3A_791 = arith.addi %add3A_769, %select_n3A_790 : vector<16xi32>
      %eq3A_792 = arith.cmpf oeq, %get3A_80, %max3A_505 : vector<16xf32>
      %gt3A_793 = arith.cmpf ogt, %get3A_80, %max3A_505 : vector<16xf32>
      %lt3A_794 = arith.constant 8 : i32
      %lt3A_795 = vector.broadcast %lt3A_794 : i32 to vector<16xi32>
      %lt3A_796 = arith.cmpi slt, %add3A_791, %lt3A_795 : vector<16xi32>
      %and3A_797 = arith.andi %eq3A_792, %lt3A_796 : vector<16xi1>
      %or3A_798 = arith.ori %gt3A_793, %and3A_797 : vector<16xi1>
      %jit3A_799 = arith.constant 0.000000e+00 : f32
      %broadcast_in_dim3A_800 = vector.broadcast %jit3A_799 : f32 to vector<16xf32>
      %select_n3A_801 = arith.select %or3A_798, %get3A_80, %broadcast_in_dim3A_800 : vector<16xi1>, vector<16xf32>
      %swap3A_802 = arith.constant 6 : i32
      %swap3A_803 = arith.index_cast %swap3A_802 : i32 to index
      %swap3A_804 = arith.index_cast %mul3A_46 : i32 to index
      %swap3A_805 = tpu.vector_load %arg4[%swap3A_803, %swap3A_804] {strides = array<i32>} : memref<22x2048xf32, #tpu.memory_space<vmem>>, vector<1x16xf32>,
      %swap3A_806 = vector.shape_cast %swap3A_805 : vector<1x16xf32> to vector<16xf32>
      %swap3A_807 = vector.shape_cast %select_n3A_801 : vector<16xf32> to vector<1x16xf32>
      tpu.vector_store %arg4[%swap3A_803, %swap3A_804], %swap3A_807 {strides = array<i32>} : memref<22x2048xf32, #tpu.memory_space<vmem>>, vector<1x16xf32>,
      %jit3A_808 = arith.constant 1 : i32
      %jit3A_809 = arith.constant 0 : i32
      %broadcast_in_dim3A_810 = vector.broadcast %jit3A_808 : i32 to vector<16xi32>
      %broadcast_in_dim3A_811 = vector.broadcast %jit3A_809 : i32 to vector<16xi32>
      %select_n3A_812 = arith.select %eq3A_792, %broadcast_in_dim3A_810, %broadcast_in_dim3A_811 : vector<16xi1>, vector<16xi32>
      %add3A_813 = arith.addi %add3A_791, %select_n3A_812 : vector<16xi32>
      %eq3A_814 = arith.cmpf oeq, %get3A_85, %max3A_505 : vector<16xf32>
      %gt3A_815 = arith.cmpf ogt, %get3A_85, %max3A_505 : vector<16xf32>
      %lt3A_816 = arith.constant 8 : i32
      %lt3A_817 = vector.broadcast %lt3A_816 : i32 to vector<16xi32>
      %lt3A_818 = arith.cmpi slt, %add3A_813, %lt3A_817 : vector<16xi32>
      %and3A_819 = arith.andi %eq3A_814, %lt3A_818 : vector<16xi1>
      %or3A_820 = arith.ori %gt3A_815, %and3A_819 : vector<16xi1>
      %jit3A_821 = arith.constant 0.000000e+00 : f32
      %broadcast_in_dim3A_822 = vector.broadcast %jit3A_821 : f32 to vector<16xf32>
      %select_n3A_823 = arith.select %or3A_820, %get3A_85, %broadcast_in_dim3A_822 : vector<16xi1>, vector<16xf32>
      %swap3A_824 = arith.constant 7 : i32
      %swap3A_825 = arith.index_cast %swap3A_824 : i32 to index
      %swap3A_826 = arith.index_cast %mul3A_46 : i32 to index
      %swap3A_827 = tpu.vector_load %arg4[%swap3A_825, %swap3A_826] {strides = array<i32>} : memref<22x2048xf32, #tpu.memory_space<vmem>>, vector<1x16xf32>,
      %swap3A_828 = vector.shape_cast %swap3A_827 : vector<1x16xf32> to vector<16xf32>
      %swap3A_829 = vector.shape_cast %select_n3A_823 : vector<16xf32> to vector<1x16xf32>
      tpu.vector_store %arg4[%swap3A_825, %swap3A_826], %swap3A_829 {strides = array<i32>} : memref<22x2048xf32, #tpu.memory_space<vmem>>, vector<1x16xf32>,
      %jit3A_830 = arith.constant 1 : i32
      %jit3A_831 = arith.constant 0 : i32
      %broadcast_in_dim3A_832 = vector.broadcast %jit3A_830 : i32 to vector<16xi32>
      %broadcast_in_dim3A_833 = vector.broadcast %jit3A_831 : i32 to vector<16xi32>
      %select_n3A_834 = arith.select %eq3A_814, %broadcast_in_dim3A_832, %broadcast_in_dim3A_833 : vector<16xi1>, vector<16xi32>
      %add3A_835 = arith.addi %add3A_813, %select_n3A_834 : vector<16xi32>
      %eq3A_836 = arith.cmpf oeq, %get3A_90, %max3A_505 : vector<16xf32>
      %gt3A_837 = arith.cmpf ogt, %get3A_90, %max3A_505 : vector<16xf32>
      %lt3A_838 = arith.constant 8 : i32
      %lt3A_839 = vector.broadcast %lt3A_838 : i32 to vector<16xi32>
      %lt3A_840 = arith.cmpi slt, %add3A_835, %lt3A_839 : vector<16xi32>
      %and3A_841 = arith.andi %eq3A_836, %lt3A_840 : vector<16xi1>
      %or3A_842 = arith.ori %gt3A_837, %and3A_841 : vector<16xi1>
      %jit3A_843 = arith.constant 0.000000e+00 : f32
      %broadcast_in_dim3A_844 = vector.broadcast %jit3A_843 : f32 to vector<16xf32>
      %select_n3A_845 = arith.select %or3A_842, %get3A_90, %broadcast_in_dim3A_844 : vector<16xi1>, vector<16xf32>
      %swap3A_846 = arith.constant 8 : i32
      %swap3A_847 = arith.index_cast %swap3A_846 : i32 to index
      %swap3A_848 = arith.index_cast %mul3A_46 : i32 to index
      %swap3A_849 = tpu.vector_load %arg4[%swap3A_847, %swap3A_848] {strides = array<i32>} : memref<22x2048xf32, #tpu.memory_space<vmem>>, vector<1x16xf32>,
      %swap3A_850 = vector.shape_cast %swap3A_849 : vector<1x16xf32> to vector<16xf32>
      %swap3A_851 = vector.shape_cast %select_n3A_845 : vector<16xf32> to vector<1x16xf32>
      tpu.vector_store %arg4[%swap3A_847, %swap3A_848], %swap3A_851 {strides = array<i32>} : memref<22x2048xf32, #tpu.memory_space<vmem>>, vector<1x16xf32>,
      %jit3A_852 = arith.constant 1 : i32
      %jit3A_853 = arith.constant 0 : i32
      %broadcast_in_dim3A_854 = vector.broadcast %jit3A_852 : i32 to vector<16xi32>
      %broadcast_in_dim3A_855 = vector.broadcast %jit3A_853 : i32 to vector<16xi32>
      %select_n3A_856 = arith.select %eq3A_836, %broadcast_in_dim3A_854, %broadcast_in_dim3A_855 : vector<16xi1>, vector<16xi32>
      %add3A_857 = arith.addi %add3A_835, %select_n3A_856 : vector<16xi32>
      %eq3A_858 = arith.cmpf oeq, %get3A_95, %max3A_505 : vector<16xf32>
      %gt3A_859 = arith.cmpf ogt, %get3A_95, %max3A_505 : vector<16xf32>
      %lt3A_860 = arith.constant 8 : i32
      %lt3A_861 = vector.broadcast %lt3A_860 : i32 to vector<16xi32>
      %lt3A_862 = arith.cmpi slt, %add3A_857, %lt3A_861 : vector<16xi32>
      %and3A_863 = arith.andi %eq3A_858, %lt3A_862 : vector<16xi1>
      %or3A_864 = arith.ori %gt3A_859, %and3A_863 : vector<16xi1>
      %jit3A_865 = arith.constant 0.000000e+00 : f32
      %broadcast_in_dim3A_866 = vector.broadcast %jit3A_865 : f32 to vector<16xf32>
      %select_n3A_867 = arith.select %or3A_864, %get3A_95, %broadcast_in_dim3A_866 : vector<16xi1>, vector<16xf32>
      %swap3A_868 = arith.constant 9 : i32
      %swap3A_869 = arith.index_cast %swap3A_868 : i32 to index
      %swap3A_870 = arith.index_cast %mul3A_46 : i32 to index
      %swap3A_871 = tpu.vector_load %arg4[%swap3A_869, %swap3A_870] {strides = array<i32>} : memref<22x2048xf32, #tpu.memory_space<vmem>>, vector<1x16xf32>,
      %swap3A_872 = vector.shape_cast %swap3A_871 : vector<1x16xf32> to vector<16xf32>
      %swap3A_873 = vector.shape_cast %select_n3A_867 : vector<16xf32> to vector<1x16xf32>
      tpu.vector_store %arg4[%swap3A_869, %swap3A_870], %swap3A_873 {strides = array<i32>} : memref<22x2048xf32, #tpu.memory_space<vmem>>, vector<1x16xf32>,
      %jit3A_874 = arith.constant 1 : i32
      %jit3A_875 = arith.constant 0 : i32
      %broadcast_in_dim3A_876 = vector.broadcast %jit3A_874 : i32 to vector<16xi32>
      %broadcast_in_dim3A_877 = vector.broadcast %jit3A_875 : i32 to vector<16xi32>
      %select_n3A_878 = arith.select %eq3A_858, %broadcast_in_dim3A_876, %broadcast_in_dim3A_877 : vector<16xi1>, vector<16xi32>
      %add3A_879 = arith.addi %add3A_857, %select_n3A_878 : vector<16xi32>
      %eq3A_880 = arith.cmpf oeq, %get3A_100, %max3A_505 : vector<16xf32>
      %gt3A_881 = arith.cmpf ogt, %get3A_100, %max3A_505 : vector<16xf32>
      %lt3A_882 = arith.constant 8 : i32
      %lt3A_883 = vector.broadcast %lt3A_882 : i32 to vector<16xi32>
      %lt3A_884 = arith.cmpi slt, %add3A_879, %lt3A_883 : vector<16xi32>
      %and3A_885 = arith.andi %eq3A_880, %lt3A_884 : vector<16xi1>
      %or3A_886 = arith.ori %gt3A_881, %and3A_885 : vector<16xi1>
      %jit3A_887 = arith.constant 0.000000e+00 : f32
      %broadcast_in_dim3A_888 = vector.broadcast %jit3A_887 : f32 to vector<16xf32>
      %select_n3A_889 = arith.select %or3A_886, %get3A_100, %broadcast_in_dim3A_888 : vector<16xi1>, vector<16xf32>
      %swap3A_890 = arith.constant 10 : i32
      %swap3A_891 = arith.index_cast %swap3A_890 : i32 to index
      %swap3A_892 = arith.index_cast %mul3A_46 : i32 to index
      %swap3A_893 = tpu.vector_load %arg4[%swap3A_891, %swap3A_892] {strides = array<i32>} : memref<22x2048xf32, #tpu.memory_space<vmem>>, vector<1x16xf32>,
      %swap3A_894 = vector.shape_cast %swap3A_893 : vector<1x16xf32> to vector<16xf32>
      %swap3A_895 = vector.shape_cast %select_n3A_889 : vector<16xf32> to vector<1x16xf32>
      tpu.vector_store %arg4[%swap3A_891, %swap3A_892], %swap3A_895 {strides = array<i32>} : memref<22x2048xf32, #tpu.memory_space<vmem>>, vector<1x16xf32>,
      %jit3A_896 = arith.constant 1 : i32
      %jit3A_897 = arith.constant 0 : i32
      %broadcast_in_dim3A_898 = vector.broadcast %jit3A_896 : i32 to vector<16xi32>
      %broadcast_in_dim3A_899 = vector.broadcast %jit3A_897 : i32 to vector<16xi32>
      %select_n3A_900 = arith.select %eq3A_880, %broadcast_in_dim3A_898, %broadcast_in_dim3A_899 : vector<16xi1>, vector<16xi32>
      %add3A_901 = arith.addi %add3A_879, %select_n3A_900 : vector<16xi32>
      %eq3A_902 = arith.cmpf oeq, %get3A_105, %max3A_505 : vector<16xf32>
      %gt3A_903 = arith.cmpf ogt, %get3A_105, %max3A_505 : vector<16xf32>
      %lt3A_904 = arith.constant 8 : i32
      %lt3A_905 = vector.broadcast %lt3A_904 : i32 to vector<16xi32>
      %lt3A_906 = arith.cmpi slt, %add3A_901, %lt3A_905 : vector<16xi32>
      %and3A_907 = arith.andi %eq3A_902, %lt3A_906 : vector<16xi1>
      %or3A_908 = arith.ori %gt3A_903, %and3A_907 : vector<16xi1>
      %jit3A_909 = arith.constant 0.000000e+00 : f32
      %broadcast_in_dim3A_910 = vector.broadcast %jit3A_909 : f32 to vector<16xf32>
      %select_n3A_911 = arith.select %or3A_908, %get3A_105, %broadcast_in_dim3A_910 : vector<16xi1>, vector<16xf32>
      %swap3A_912 = arith.constant 11 : i32
      %swap3A_913 = arith.index_cast %swap3A_912 : i32 to index
      %swap3A_914 = arith.index_cast %mul3A_46 : i32 to index
      %swap3A_915 = tpu.vector_load %arg4[%swap3A_913, %swap3A_914] {strides = array<i32>} : memref<22x2048xf32, #tpu.memory_space<vmem>>, vector<1x16xf32>,
      %swap3A_916 = vector.shape_cast %swap3A_915 : vector<1x16xf32> to vector<16xf32>
      %swap3A_917 = vector.shape_cast %select_n3A_911 : vector<16xf32> to vector<1x16xf32>
      tpu.vector_store %arg4[%swap3A_913, %swap3A_914], %swap3A_917 {strides = array<i32>} : memref<22x2048xf32, #tpu.memory_space<vmem>>, vector<1x16xf32>,
      %jit3A_918 = arith.constant 1 : i32
      %jit3A_919 = arith.constant 0 : i32
      %broadcast_in_dim3A_920 = vector.broadcast %jit3A_918 : i32 to vector<16xi32>
      %broadcast_in_dim3A_921 = vector.broadcast %jit3A_919 : i32 to vector<16xi32>
      %select_n3A_922 = arith.select %eq3A_902, %broadcast_in_dim3A_920, %broadcast_in_dim3A_921 : vector<16xi1>, vector<16xi32>
      %add3A_923 = arith.addi %add3A_901, %select_n3A_922 : vector<16xi32>
      %eq3A_924 = arith.cmpf oeq, %get3A_110, %max3A_505 : vector<16xf32>
      %gt3A_925 = arith.cmpf ogt, %get3A_110, %max3A_505 : vector<16xf32>
      %lt3A_926 = arith.constant 8 : i32
      %lt3A_927 = vector.broadcast %lt3A_926 : i32 to vector<16xi32>
      %lt3A_928 = arith.cmpi slt, %add3A_923, %lt3A_927 : vector<16xi32>
      %and3A_929 = arith.andi %eq3A_924, %lt3A_928 : vector<16xi1>
      %or3A_930 = arith.ori %gt3A_925, %and3A_929 : vector<16xi1>
      %jit3A_931 = arith.constant 0.000000e+00 : f32
      %broadcast_in_dim3A_932 = vector.broadcast %jit3A_931 : f32 to vector<16xf32>
      %select_n3A_933 = arith.select %or3A_930, %get3A_110, %broadcast_in_dim3A_932 : vector<16xi1>, vector<16xf32>
      %swap3A_934 = arith.constant 12 : i32
      %swap3A_935 = arith.index_cast %swap3A_934 : i32 to index
      %swap3A_936 = arith.index_cast %mul3A_46 : i32 to index
      %swap3A_937 = tpu.vector_load %arg4[%swap3A_935, %swap3A_936] {strides = array<i32>} : memref<22x2048xf32, #tpu.memory_space<vmem>>, vector<1x16xf32>,
      %swap3A_938 = vector.shape_cast %swap3A_937 : vector<1x16xf32> to vector<16xf32>
      %swap3A_939 = vector.shape_cast %select_n3A_933 : vector<16xf32> to vector<1x16xf32>
      tpu.vector_store %arg4[%swap3A_935, %swap3A_936], %swap3A_939 {strides = array<i32>} : memref<22x2048xf32, #tpu.memory_space<vmem>>, vector<1x16xf32>,
      %jit3A_940 = arith.constant 1 : i32
      %jit3A_941 = arith.constant 0 : i32
      %broadcast_in_dim3A_942 = vector.broadcast %jit3A_940 : i32 to vector<16xi32>
      %broadcast_in_dim3A_943 = vector.broadcast %jit3A_941 : i32 to vector<16xi32>
      %select_n3A_944 = arith.select %eq3A_924, %broadcast_in_dim3A_942, %broadcast_in_dim3A_943 : vector<16xi1>, vector<16xi32>
      %add3A_945 = arith.addi %add3A_923, %select_n3A_944 : vector<16xi32>
      %eq3A_946 = arith.cmpf oeq, %get3A_115, %max3A_505 : vector<16xf32>
      %gt3A_947 = arith.cmpf ogt, %get3A_115, %max3A_505 : vector<16xf32>
      %lt3A_948 = arith.constant 8 : i32
      %lt3A_949 = vector.broadcast %lt3A_948 : i32 to vector<16xi32>
      %lt3A_950 = arith.cmpi slt, %add3A_945, %lt3A_949 : vector<16xi32>
      %and3A_951 = arith.andi %eq3A_946, %lt3A_950 : vector<16xi1>
      %or3A_952 = arith.ori %gt3A_947, %and3A_951 : vector<16xi1>
      %jit3A_953 = arith.constant 0.000000e+00 : f32
      %broadcast_in_dim3A_954 = vector.broadcast %jit3A_953 : f32 to vector<16xf32>
      %select_n3A_955 = arith.select %or3A_952, %get3A_115, %broadcast_in_dim3A_954 : vector<16xi1>, vector<16xf32>
      %swap3A_956 = arith.constant 13 : i32
      %swap3A_957 = arith.index_cast %swap3A_956 : i32 to index
      %swap3A_958 = arith.index_cast %mul3A_46 : i32 to index
      %swap3A_959 = tpu.vector_load %arg4[%swap3A_957, %swap3A_958] {strides = array<i32>} : memref<22x2048xf32, #tpu.memory_space<vmem>>, vector<1x16xf32>,
      %swap3A_960 = vector.shape_cast %swap3A_959 : vector<1x16xf32> to vector<16xf32>
      %swap3A_961 = vector.shape_cast %select_n3A_955 : vector<16xf32> to vector<1x16xf32>
      tpu.vector_store %arg4[%swap3A_957, %swap3A_958], %swap3A_961 {strides = array<i32>} : memref<22x2048xf32, #tpu.memory_space<vmem>>, vector<1x16xf32>,
      %jit3A_962 = arith.constant 1 : i32
      %jit3A_963 = arith.constant 0 : i32
      %broadcast_in_dim3A_964 = vector.broadcast %jit3A_962 : i32 to vector<16xi32>
      %broadcast_in_dim3A_965 = vector.broadcast %jit3A_963 : i32 to vector<16xi32>
      %select_n3A_966 = arith.select %eq3A_946, %broadcast_in_dim3A_964, %broadcast_in_dim3A_965 : vector<16xi1>, vector<16xi32>
      %add3A_967 = arith.addi %add3A_945, %select_n3A_966 : vector<16xi32>
      %eq3A_968 = arith.cmpf oeq, %get3A_120, %max3A_505 : vector<16xf32>
      %gt3A_969 = arith.cmpf ogt, %get3A_120, %max3A_505 : vector<16xf32>
      %lt3A_970 = arith.constant 8 : i32
      %lt3A_971 = vector.broadcast %lt3A_970 : i32 to vector<16xi32>
      %lt3A_972 = arith.cmpi slt, %add3A_967, %lt3A_971 : vector<16xi32>
      %and3A_973 = arith.andi %eq3A_968, %lt3A_972 : vector<16xi1>
      %or3A_974 = arith.ori %gt3A_969, %and3A_973 : vector<16xi1>
      %jit3A_975 = arith.constant 0.000000e+00 : f32
      %broadcast_in_dim3A_976 = vector.broadcast %jit3A_975 : f32 to vector<16xf32>
      %select_n3A_977 = arith.select %or3A_974, %get3A_120, %broadcast_in_dim3A_976 : vector<16xi1>, vector<16xf32>
      %swap3A_978 = arith.constant 14 : i32
      %swap3A_979 = arith.index_cast %swap3A_978 : i32 to index
      %swap3A_980 = arith.index_cast %mul3A_46 : i32 to index
      %swap3A_981 = tpu.vector_load %arg4[%swap3A_979, %swap3A_980] {strides = array<i32>} : memref<22x2048xf32, #tpu.memory_space<vmem>>, vector<1x16xf32>,
      %swap3A_982 = vector.shape_cast %swap3A_981 : vector<1x16xf32> to vector<16xf32>
      %swap3A_983 = vector.shape_cast %select_n3A_977 : vector<16xf32> to vector<1x16xf32>
      tpu.vector_store %arg4[%swap3A_979, %swap3A_980], %swap3A_983 {strides = array<i32>} : memref<22x2048xf32, #tpu.memory_space<vmem>>, vector<1x16xf32>,
      %jit3A_984 = arith.constant 1 : i32
      %jit3A_985 = arith.constant 0 : i32
      %broadcast_in_dim3A_986 = vector.broadcast %jit3A_984 : i32 to vector<16xi32>
      %broadcast_in_dim3A_987 = vector.broadcast %jit3A_985 : i32 to vector<16xi32>
      %select_n3A_988 = arith.select %eq3A_968, %broadcast_in_dim3A_986, %broadcast_in_dim3A_987 : vector<16xi1>, vector<16xi32>
      %add3A_989 = arith.addi %add3A_967, %select_n3A_988 : vector<16xi32>
      %eq3A_990 = arith.cmpf oeq, %get3A_125, %max3A_505 : vector<16xf32>
      %gt3A_991 = arith.cmpf ogt, %get3A_125, %max3A_505 : vector<16xf32>
      %lt3A_992 = arith.constant 8 : i32
      %lt3A_993 = vector.broadcast %lt3A_992 : i32 to vector<16xi32>
      %lt3A_994 = arith.cmpi slt, %add3A_989, %lt3A_993 : vector<16xi32>
      %and3A_995 = arith.andi %eq3A_990, %lt3A_994 : vector<16xi1>
      %or3A_996 = arith.ori %gt3A_991, %and3A_995 : vector<16xi1>
      %jit3A_997 = arith.constant 0.000000e+00 : f32
      %broadcast_in_dim3A_998 = vector.broadcast %jit3A_997 : f32 to vector<16xf32>
      %select_n3A_999 = arith.select %or3A_996, %get3A_125, %broadcast_in_dim3A_998 : vector<16xi1>, vector<16xf32>
      %swap3A_1000 = arith.constant 15 : i32
      %swap3A_1001 = arith.index_cast %swap3A_1000 : i32 to index
      %swap3A_1002 = arith.index_cast %mul3A_46 : i32 to index
      %swap3A_1003 = tpu.vector_load %arg4[%swap3A_1001, %swap3A_1002] {strides = array<i32>} : memref<22x2048xf32, #tpu.memory_space<vmem>>, vector<1x16xf32>,
      %swap3A_1004 = vector.shape_cast %swap3A_1003 : vector<1x16xf32> to vector<16xf32>
      %swap3A_1005 = vector.shape_cast %select_n3A_999 : vector<16xf32> to vector<1x16xf32>
      tpu.vector_store %arg4[%swap3A_1001, %swap3A_1002], %swap3A_1005 {strides = array<i32>} : memref<22x2048xf32, #tpu.memory_space<vmem>>, vector<1x16xf32>,
      %jit3A_1006 = arith.constant 1 : i32
      %jit3A_1007 = arith.constant 0 : i32
      %broadcast_in_dim3A_1008 = vector.broadcast %jit3A_1006 : i32 to vector<16xi32>
      %broadcast_in_dim3A_1009 = vector.broadcast %jit3A_1007 : i32 to vector<16xi32>
      %select_n3A_1010 = arith.select %eq3A_990, %broadcast_in_dim3A_1008, %broadcast_in_dim3A_1009 : vector<16xi1>, vector<16xi32>
      %add3A_1011 = arith.addi %add3A_989, %select_n3A_1010 : vector<16xi32>
      %eq3A_1012 = arith.cmpf oeq, %get3A_130, %max3A_505 : vector<16xf32>
      %gt3A_1013 = arith.cmpf ogt, %get3A_130, %max3A_505 : vector<16xf32>
      %lt3A_1014 = arith.constant 8 : i32
      %lt3A_1015 = vector.broadcast %lt3A_1014 : i32 to vector<16xi32>
      %lt3A_1016 = arith.cmpi slt, %add3A_1011, %lt3A_1015 : vector<16xi32>
      %and3A_1017 = arith.andi %eq3A_1012, %lt3A_1016 : vector<16xi1>
      %or3A_1018 = arith.ori %gt3A_1013, %and3A_1017 : vector<16xi1>
      %jit3A_1019 = arith.constant 0.000000e+00 : f32
      %broadcast_in_dim3A_1020 = vector.broadcast %jit3A_1019 : f32 to vector<16xf32>
      %select_n3A_1021 = arith.select %or3A_1018, %get3A_130, %broadcast_in_dim3A_1020 : vector<16xi1>, vector<16xf32>
      %swap3A_1022 = arith.constant 16 : i32
      %swap3A_1023 = arith.index_cast %swap3A_1022 : i32 to index
      %swap3A_1024 = arith.index_cast %mul3A_46 : i32 to index
      %swap3A_1025 = tpu.vector_load %arg4[%swap3A_1023, %swap3A_1024] {strides = array<i32>} : memref<22x2048xf32, #tpu.memory_space<vmem>>, vector<1x16xf32>,
      %swap3A_1026 = vector.shape_cast %swap3A_1025 : vector<1x16xf32> to vector<16xf32>
      %swap3A_1027 = vector.shape_cast %select_n3A_1021 : vector<16xf32> to vector<1x16xf32>
      tpu.vector_store %arg4[%swap3A_1023, %swap3A_1024], %swap3A_1027 {strides = array<i32>} : memref<22x2048xf32, #tpu.memory_space<vmem>>, vector<1x16xf32>,
      %jit3A_1028 = arith.constant 1 : i32
      %jit3A_1029 = arith.constant 0 : i32
      %broadcast_in_dim3A_1030 = vector.broadcast %jit3A_1028 : i32 to vector<16xi32>
      %broadcast_in_dim3A_1031 = vector.broadcast %jit3A_1029 : i32 to vector<16xi32>
      %select_n3A_1032 = arith.select %eq3A_1012, %broadcast_in_dim3A_1030, %broadcast_in_dim3A_1031 : vector<16xi1>, vector<16xi32>
      %add3A_1033 = arith.addi %add3A_1011, %select_n3A_1032 : vector<16xi32>
      %eq3A_1034 = arith.cmpf oeq, %get3A_135, %max3A_505 : vector<16xf32>
      %gt3A_1035 = arith.cmpf ogt, %get3A_135, %max3A_505 : vector<16xf32>
      %lt3A_1036 = arith.constant 8 : i32
      %lt3A_1037 = vector.broadcast %lt3A_1036 : i32 to vector<16xi32>
      %lt3A_1038 = arith.cmpi slt, %add3A_1033, %lt3A_1037 : vector<16xi32>
      %and3A_1039 = arith.andi %eq3A_1034, %lt3A_1038 : vector<16xi1>
      %or3A_1040 = arith.ori %gt3A_1035, %and3A_1039 : vector<16xi1>
      %jit3A_1041 = arith.constant 0.000000e+00 : f32
      %broadcast_in_dim3A_1042 = vector.broadcast %jit3A_1041 : f32 to vector<16xf32>
      %select_n3A_1043 = arith.select %or3A_1040, %get3A_135, %broadcast_in_dim3A_1042 : vector<16xi1>, vector<16xf32>
      %swap3A_1044 = arith.constant 17 : i32
      %swap3A_1045 = arith.index_cast %swap3A_1044 : i32 to index
      %swap3A_1046 = arith.index_cast %mul3A_46 : i32 to index
      %swap3A_1047 = tpu.vector_load %arg4[%swap3A_1045, %swap3A_1046] {strides = array<i32>} : memref<22x2048xf32, #tpu.memory_space<vmem>>, vector<1x16xf32>,
      %swap3A_1048 = vector.shape_cast %swap3A_1047 : vector<1x16xf32> to vector<16xf32>
      %swap3A_1049 = vector.shape_cast %select_n3A_1043 : vector<16xf32> to vector<1x16xf32>
      tpu.vector_store %arg4[%swap3A_1045, %swap3A_1046], %swap3A_1049 {strides = array<i32>} : memref<22x2048xf32, #tpu.memory_space<vmem>>, vector<1x16xf32>,
      %jit3A_1050 = arith.constant 1 : i32
      %jit3A_1051 = arith.constant 0 : i32
      %broadcast_in_dim3A_1052 = vector.broadcast %jit3A_1050 : i32 to vector<16xi32>
      %broadcast_in_dim3A_1053 = vector.broadcast %jit3A_1051 : i32 to vector<16xi32>
      %select_n3A_1054 = arith.select %eq3A_1034, %broadcast_in_dim3A_1052, %broadcast_in_dim3A_1053 : vector<16xi1>, vector<16xi32>
      %add3A_1055 = arith.addi %add3A_1033, %select_n3A_1054 : vector<16xi32>
      %eq3A_1056 = arith.cmpf oeq, %get3A_140, %max3A_505 : vector<16xf32>
      %gt3A_1057 = arith.cmpf ogt, %get3A_140, %max3A_505 : vector<16xf32>
      %lt3A_1058 = arith.constant 8 : i32
      %lt3A_1059 = vector.broadcast %lt3A_1058 : i32 to vector<16xi32>
      %lt3A_1060 = arith.cmpi slt, %add3A_1055, %lt3A_1059 : vector<16xi32>
      %and3A_1061 = arith.andi %eq3A_1056, %lt3A_1060 : vector<16xi1>
      %or3A_1062 = arith.ori %gt3A_1057, %and3A_1061 : vector<16xi1>
      %jit3A_1063 = arith.constant 0.000000e+00 : f32
      %broadcast_in_dim3A_1064 = vector.broadcast %jit3A_1063 : f32 to vector<16xf32>
      %select_n3A_1065 = arith.select %or3A_1062, %get3A_140, %broadcast_in_dim3A_1064 : vector<16xi1>, vector<16xf32>
      %swap3A_1066 = arith.constant 18 : i32
      %swap3A_1067 = arith.index_cast %swap3A_1066 : i32 to index
      %swap3A_1068 = arith.index_cast %mul3A_46 : i32 to index
      %swap3A_1069 = tpu.vector_load %arg4[%swap3A_1067, %swap3A_1068] {strides = array<i32>} : memref<22x2048xf32, #tpu.memory_space<vmem>>, vector<1x16xf32>,
      %swap3A_1070 = vector.shape_cast %swap3A_1069 : vector<1x16xf32> to vector<16xf32>
      %swap3A_1071 = vector.shape_cast %select_n3A_1065 : vector<16xf32> to vector<1x16xf32>
      tpu.vector_store %arg4[%swap3A_1067, %swap3A_1068], %swap3A_1071 {strides = array<i32>} : memref<22x2048xf32, #tpu.memory_space<vmem>>, vector<1x16xf32>,
      %jit3A_1072 = arith.constant 1 : i32
      %jit3A_1073 = arith.constant 0 : i32
      %broadcast_in_dim3A_1074 = vector.broadcast %jit3A_1072 : i32 to vector<16xi32>
      %broadcast_in_dim3A_1075 = vector.broadcast %jit3A_1073 : i32 to vector<16xi32>
      %select_n3A_1076 = arith.select %eq3A_1056, %broadcast_in_dim3A_1074, %broadcast_in_dim3A_1075 : vector<16xi1>, vector<16xi32>
      %add3A_1077 = arith.addi %add3A_1055, %select_n3A_1076 : vector<16xi32>
      %eq3A_1078 = arith.cmpf oeq, %get3A_145, %max3A_505 : vector<16xf32>
      %gt3A_1079 = arith.cmpf ogt, %get3A_145, %max3A_505 : vector<16xf32>
      %lt3A_1080 = arith.constant 8 : i32
      %lt3A_1081 = vector.broadcast %lt3A_1080 : i32 to vector<16xi32>
      %lt3A_1082 = arith.cmpi slt, %add3A_1077, %lt3A_1081 : vector<16xi32>
      %and3A_1083 = arith.andi %eq3A_1078, %lt3A_1082 : vector<16xi1>
      %or3A_1084 = arith.ori %gt3A_1079, %and3A_1083 : vector<16xi1>
      %jit3A_1085 = arith.constant 0.000000e+00 : f32
      %broadcast_in_dim3A_1086 = vector.broadcast %jit3A_1085 : f32 to vector<16xf32>
      %select_n3A_1087 = arith.select %or3A_1084, %get3A_145, %broadcast_in_dim3A_1086 : vector<16xi1>, vector<16xf32>
      %swap3A_1088 = arith.constant 19 : i32
      %swap3A_1089 = arith.index_cast %swap3A_1088 : i32 to index
      %swap3A_1090 = arith.index_cast %mul3A_46 : i32 to index
      %swap3A_1091 = tpu.vector_load %arg4[%swap3A_1089, %swap3A_1090] {strides = array<i32>} : memref<22x2048xf32, #tpu.memory_space<vmem>>, vector<1x16xf32>,
      %swap3A_1092 = vector.shape_cast %swap3A_1091 : vector<1x16xf32> to vector<16xf32>
      %swap3A_1093 = vector.shape_cast %select_n3A_1087 : vector<16xf32> to vector<1x16xf32>
      tpu.vector_store %arg4[%swap3A_1089, %swap3A_1090], %swap3A_1093 {strides = array<i32>} : memref<22x2048xf32, #tpu.memory_space<vmem>>, vector<1x16xf32>,
      %jit3A_1094 = arith.constant 1 : i32
      %jit3A_1095 = arith.constant 0 : i32
      %broadcast_in_dim3A_1096 = vector.broadcast %jit3A_1094 : i32 to vector<16xi32>
      %broadcast_in_dim3A_1097 = vector.broadcast %jit3A_1095 : i32 to vector<16xi32>
      %select_n3A_1098 = arith.select %eq3A_1078, %broadcast_in_dim3A_1096, %broadcast_in_dim3A_1097 : vector<16xi1>, vector<16xi32>
      %add3A_1099 = arith.addi %add3A_1077, %select_n3A_1098 : vector<16xi32>
      %eq3A_1100 = arith.cmpf oeq, %get3A_150, %max3A_505 : vector<16xf32>
      %gt3A_1101 = arith.cmpf ogt, %get3A_150, %max3A_505 : vector<16xf32>
      %lt3A_1102 = arith.constant 8 : i32
      %lt3A_1103 = vector.broadcast %lt3A_1102 : i32 to vector<16xi32>
      %lt3A_1104 = arith.cmpi slt, %add3A_1099, %lt3A_1103 : vector<16xi32>
      %and3A_1105 = arith.andi %eq3A_1100, %lt3A_1104 : vector<16xi1>
      %or3A_1106 = arith.ori %gt3A_1101, %and3A_1105 : vector<16xi1>
      %jit3A_1107 = arith.constant 0.000000e+00 : f32
      %broadcast_in_dim3A_1108 = vector.broadcast %jit3A_1107 : f32 to vector<16xf32>
      %select_n3A_1109 = arith.select %or3A_1106, %get3A_150, %broadcast_in_dim3A_1108 : vector<16xi1>, vector<16xf32>
      %swap3A_1110 = arith.constant 20 : i32
      %swap3A_1111 = arith.index_cast %swap3A_1110 : i32 to index
      %swap3A_1112 = arith.index_cast %mul3A_46 : i32 to index
      %swap3A_1113 = tpu.vector_load %arg4[%swap3A_1111, %swap3A_1112] {strides = array<i32>} : memref<22x2048xf32, #tpu.memory_space<vmem>>, vector<1x16xf32>,
      %swap3A_1114 = vector.shape_cast %swap3A_1113 : vector<1x16xf32> to vector<16xf32>
      %swap3A_1115 = vector.shape_cast %select_n3A_1109 : vector<16xf32> to vector<1x16xf32>
      tpu.vector_store %arg4[%swap3A_1111, %swap3A_1112], %swap3A_1115 {strides = array<i32>} : memref<22x2048xf32, #tpu.memory_space<vmem>>, vector<1x16xf32>,
      %jit3A_1116 = arith.constant 1 : i32
      %jit3A_1117 = arith.constant 0 : i32
      %broadcast_in_dim3A_1118 = vector.broadcast %jit3A_1116 : i32 to vector<16xi32>
      %broadcast_in_dim3A_1119 = vector.broadcast %jit3A_1117 : i32 to vector<16xi32>
      %select_n3A_1120 = arith.select %eq3A_1100, %broadcast_in_dim3A_1118, %broadcast_in_dim3A_1119 : vector<16xi1>, vector<16xi32>
      %add3A_1121 = arith.addi %add3A_1099, %select_n3A_1120 : vector<16xi32>
      %eq3A_1122 = arith.cmpf oeq, %get3A_155, %max3A_505 : vector<16xf32>
      %gt3A_1123 = arith.cmpf ogt, %get3A_155, %max3A_505 : vector<16xf32>
      %lt3A_1124 = arith.constant 8 : i32
      %lt3A_1125 = vector.broadcast %lt3A_1124 : i32 to vector<16xi32>
      %lt3A_1126 = arith.cmpi slt, %add3A_1121, %lt3A_1125 : vector<16xi32>
      %and3A_1127 = arith.andi %eq3A_1122, %lt3A_1126 : vector<16xi1>
      %or3A_1128 = arith.ori %gt3A_1123, %and3A_1127 : vector<16xi1>
      %jit3A_1129 = arith.constant 0.000000e+00 : f32
      %broadcast_in_dim3A_1130 = vector.broadcast %jit3A_1129 : f32 to vector<16xf32>
      %select_n3A_1131 = arith.select %or3A_1128, %get3A_155, %broadcast_in_dim3A_1130 : vector<16xi1>, vector<16xf32>
      %swap3A_1132 = arith.constant 21 : i32
      %swap3A_1133 = arith.index_cast %swap3A_1132 : i32 to index
      %swap3A_1134 = arith.index_cast %mul3A_46 : i32 to index
      %swap3A_1135 = tpu.vector_load %arg4[%swap3A_1133, %swap3A_1134] {strides = array<i32>} : memref<22x2048xf32, #tpu.memory_space<vmem>>, vector<1x16xf32>,
      %swap3A_1136 = vector.shape_cast %swap3A_1135 : vector<1x16xf32> to vector<16xf32>
      %swap3A_1137 = vector.shape_cast %select_n3A_1131 : vector<16xf32> to vector<1x16xf32>
      tpu.vector_store %arg4[%swap3A_1133, %swap3A_1134], %swap3A_1137 {strides = array<i32>} : memref<22x2048xf32, #tpu.memory_space<vmem>>, vector<1x16xf32>,
      %jit3A_1138 = arith.constant 1 : i32
      %jit3A_1139 = arith.constant 0 : i32
      %broadcast_in_dim3A_1140 = vector.broadcast %jit3A_1138 : i32 to vector<16xi32>
      %broadcast_in_dim3A_1141 = vector.broadcast %jit3A_1139 : i32 to vector<16xi32>
      %select_n3A_1142 = arith.select %eq3A_1122, %broadcast_in_dim3A_1140, %broadcast_in_dim3A_1141 : vector<16xi1>, vector<16xi32>
      %add3A_1143 = arith.addi %add3A_1121, %select_n3A_1142 : vector<16xi32>
      %scan3A_1144 = arith.constant 0 : i32
      scf.yield %scan3A_1144 : i32
    }
    %scan3A_42 = arith.constant 128 : i32
    "tpu.region"() ({
      %run_scoped3A = tpu.sem_alloc : memref<!tpu.dma_semaphore, #tpu.memory_space<semaphore_mem>>
      %dma_start3A = arith.constant 0 : i32
      %dma_start3A_43 = tpu.memref_slice %arg3[%select_n3A, %dma_start3A, %mul3A_36] : memref<32x22x2048xf32, #tpu.memory_space<hbm>> -> memref<1x22x2048xf32, #tpu.memory_space<hbm>>
      %dma_start3A_44 = tpu.memref_squeeze %dma_start3A_43 : memref<1x22x2048xf32, #tpu.memory_space<hbm>> -> memref<22x2048xf32, #tpu.memory_space<hbm>>
      %dma_start3A_45 = arith.constant 0 : i32
      %dma_start3A_46 = tpu.memref_slice %arg3[%select_n3A, %dma_start3A_45, %mul3A_36] : memref<32x22x2048xf32, #tpu.memory_space<hbm>> -> memref<1x22x2048xf32, #tpu.memory_space<hbm>>
      %dma_start3A_47 = tpu.memref_squeeze %dma_start3A_46 : memref<1x22x2048xf32, #tpu.memory_space<hbm>> -> memref<22x2048xf32, #tpu.memory_space<hbm>>
      tpu.enqueue_dma source(%arg4 : memref<22x2048xf32, #tpu.memory_space<vmem>>) target(%dma_start3A_47 : memref<22x2048xf32, #tpu.memory_space<hbm>>) target_semaphore(%run_scoped3A : memref<!tpu.dma_semaphore, #tpu.memory_space<semaphore_mem>>)
      %dma_wait3A = arith.constant 0 : i32
      %dma_wait3A_48 = tpu.memref_slice %arg3[%select_n3A, %dma_wait3A, %mul3A_36] : memref<32x22x2048xf32, #tpu.memory_space<hbm>> -> memref<1x22x2048xf32, #tpu.memory_space<hbm>>
      %dma_wait3A_49 = tpu.memref_squeeze %dma_wait3A_48 : memref<1x22x2048xf32, #tpu.memory_space<hbm>> -> memref<22x2048xf32, #tpu.memory_space<hbm>>
      %dma_wait3A_50 = arith.constant 0 : i32
      %dma_wait3A_51 = tpu.memref_slice %arg3[%select_n3A, %dma_wait3A_50, %mul3A_36] : memref<32x22x2048xf32, #tpu.memory_space<hbm>> -> memref<1x22x2048xf32, #tpu.memory_space<hbm>>
      %dma_wait3A_52 = tpu.memref_squeeze %dma_wait3A_51 : memref<1x22x2048xf32, #tpu.memory_space<hbm>> -> memref<22x2048xf32, #tpu.memory_space<hbm>>
      tpu.wait_dma2 semaphore(%run_scoped3A : memref<!tpu.dma_semaphore, #tpu.memory_space<semaphore_mem>>) src(%arg4 : memref<22x2048xf32, #tpu.memory_space<vmem>>) dst(%dma_wait3A_52 : memref<22x2048xf32, #tpu.memory_space<hbm>>)
      tpu.yield
    }) : () -> ()
    return
  }
}

module attributes {stable_mosaic.version = 14 : i64} {
  func.func @_mlp_body(%arg0: i32, %arg1: i32, %arg2: memref<1x65x2048xf32, #tpu.memory_space<vmem>>, %arg3: memref<1024x128xf32, #tpu.memory_space<vmem>>, %arg4: memref<512x1024xf32, #tpu.memory_space<vmem>>, %arg5: memref<512x1xf32, #tpu.memory_space<vmem>>, %arg6: memref<256x512xf32, #tpu.memory_space<vmem>>, %arg7: memref<256x1xf32, #tpu.memory_space<vmem>>, %arg8: memref<22x256xf32, #tpu.memory_space<vmem>>, %arg9: memref<22x1xf32, #tpu.memory_space<vmem>>, %arg10: memref<1x22x2048xf32, #tpu.memory_space<vmem>>) attributes {dimension_semantics = [#tpu.dimension_semantics<arbitrary>, #tpu.dimension_semantics<arbitrary>], iteration_bounds = array<i64: 32, 1>, scalar_prefetch = 0 : i64, scratch_operands = 0 : i64, tpu.core_type = #tpu.core_type<tc>, window_params = [{transform_indices = @transform_0, window_bounds = array<i64: 1, 65, 2048>}, {pipeline_mode = #tpu.pipeline_mode<synchronous>, transform_indices = @transform_1, window_bounds = array<i64: 1024, 128>}, {pipeline_mode = #tpu.pipeline_mode<synchronous>, transform_indices = @transform_2, window_bounds = array<i64: 512, 1024>}, {pipeline_mode = #tpu.pipeline_mode<synchronous>, transform_indices = @transform_3, window_bounds = array<i64: 512, 1>}, {pipeline_mode = #tpu.pipeline_mode<synchronous>, transform_indices = @transform_4, window_bounds = array<i64: 256, 512>}, {pipeline_mode = #tpu.pipeline_mode<synchronous>, transform_indices = @transform_5, window_bounds = array<i64: 256, 1>}, {pipeline_mode = #tpu.pipeline_mode<synchronous>, transform_indices = @transform_6, window_bounds = array<i64: 22, 256>}, {pipeline_mode = #tpu.pipeline_mode<synchronous>, transform_indices = @transform_7, window_bounds = array<i64: 22, 1>}, {transform_indices = @transform_8, window_bounds = array<i64: 1, 22, 2048>}]} {
    %get3A = arith.constant 0 : index
    %get3A_0 = arith.constant 0 : index
    %get3A_1 = arith.constant 0 : index
    %get3A_2 = vector.load %arg2[%get3A, %get3A_0, %get3A_1] : memref<1x65x2048xf32, #tpu.memory_space<vmem>>, vector<1x65x2048xf32>
    %get3A_3 = vector.shape_cast %get3A_2 : vector<1x65x2048xf32> to vector<65x2048xf32>
    %broadcast_in_dim3A = arith.constant 0.000000e+00 : f32
    %broadcast_in_dim3A_4 = vector.broadcast %broadcast_in_dim3A : f32 to vector<62x2048xf32>
    %broadcast_in_dim3A_5 = arith.constant 1.000000e+00 : f32
    %broadcast_in_dim3A_6 = vector.broadcast %broadcast_in_dim3A_5 : f32 to vector<1x2048xf32>
    %concatenate3A = tpu.concatenate %get3A_3, %broadcast_in_dim3A_6, %broadcast_in_dim3A_4 in 0 : vector<65x2048xf32>, vector<1x2048xf32>, vector<62x2048xf32> -> vector<128x2048xf32>
    %get3A_7 = arith.constant 0 : index
    %get3A_8 = arith.constant 0 : index
    %get3A_9 = vector.load %arg3[%get3A_7, %get3A_8] : memref<1024x128xf32, #tpu.memory_space<vmem>>, vector<1024x128xf32>
    %dot_general3A = arith.constant dense<0.000000e+00> : vector<1024x2048xf32>
    %dot_general3A_10 = tpu.matmul %get3A_9, %concatenate3A, %dot_general3A {dimension_numbers = #tpu.dot_dimension_numbers<[1], [0], [0], [1], [0, 0, 1, 1], [], []>, transpose_lhs_hint = false} : vector<1024x128xf32>, vector<128x2048xf32>, vector<1024x2048xf32> -> vector<1024x2048xf32>
    %max3A = arith.constant 0.000000e+00 : f32
    %max3A_11 = vector.broadcast %max3A : f32 to vector<1024x2048xf32>
    %max3A_12 = arith.maximumf %dot_general3A_10, %max3A_11 : vector<1024x2048xf32>
    %get3A_13 = arith.constant 0 : index
    %get3A_14 = arith.constant 0 : index
    %get3A_15 = vector.load %arg4[%get3A_13, %get3A_14] : memref<512x1024xf32, #tpu.memory_space<vmem>>, vector<512x1024xf32>
    %dot_general3A_16 = arith.constant dense<0.000000e+00> : vector<512x2048xf32>
    %dot_general3A_17 = tpu.matmul %get3A_15, %max3A_12, %dot_general3A_16 {dimension_numbers = #tpu.dot_dimension_numbers<[1], [0], [0], [1], [0, 0, 1, 1], [], []>, transpose_lhs_hint = false} : vector<512x1024xf32>, vector<1024x2048xf32>, vector<512x2048xf32> -> vector<512x2048xf32>
    %get3A_18 = arith.constant 0 : index
    %get3A_19 = arith.constant 0 : index
    %get3A_20 = vector.load %arg5[%get3A_18, %get3A_19] : memref<512x1xf32, #tpu.memory_space<vmem>>, vector<512x1xf32>
    %add3A = vector.broadcast %get3A_20 : vector<512x1xf32> to vector<512x2048xf32>
    %add3A_21 = arith.addf %dot_general3A_17, %add3A : vector<512x2048xf32>
    %max3A_22 = arith.constant 0.000000e+00 : f32
    %max3A_23 = vector.broadcast %max3A_22 : f32 to vector<512x2048xf32>
    %max3A_24 = arith.maximumf %add3A_21, %max3A_23 : vector<512x2048xf32>
    %get3A_25 = arith.constant 0 : index
    %get3A_26 = arith.constant 0 : index
    %get3A_27 = vector.load %arg6[%get3A_25, %get3A_26] : memref<256x512xf32, #tpu.memory_space<vmem>>, vector<256x512xf32>
    %dot_general3A_28 = arith.constant dense<0.000000e+00> : vector<256x2048xf32>
    %dot_general3A_29 = tpu.matmul %get3A_27, %max3A_24, %dot_general3A_28 {dimension_numbers = #tpu.dot_dimension_numbers<[1], [0], [0], [1], [0, 0, 1, 1], [], []>, transpose_lhs_hint = false} : vector<256x512xf32>, vector<512x2048xf32>, vector<256x2048xf32> -> vector<256x2048xf32>
    %get3A_30 = arith.constant 0 : index
    %get3A_31 = arith.constant 0 : index
    %get3A_32 = vector.load %arg7[%get3A_30, %get3A_31] : memref<256x1xf32, #tpu.memory_space<vmem>>, vector<256x1xf32>
    %add3A_33 = vector.broadcast %get3A_32 : vector<256x1xf32> to vector<256x2048xf32>
    %add3A_34 = arith.addf %dot_general3A_29, %add3A_33 : vector<256x2048xf32>
    %max3A_35 = arith.constant 0.000000e+00 : f32
    %max3A_36 = vector.broadcast %max3A_35 : f32 to vector<256x2048xf32>
    %max3A_37 = arith.maximumf %add3A_34, %max3A_36 : vector<256x2048xf32>
    %get3A_38 = arith.constant 0 : index
    %get3A_39 = arith.constant 0 : index
    %get3A_40 = vector.load %arg8[%get3A_38, %get3A_39] : memref<22x256xf32, #tpu.memory_space<vmem>>, vector<22x256xf32>
    %dot_general3A_41 = arith.constant dense<0.000000e+00> : vector<22x2048xf32>
    %dot_general3A_42 = tpu.matmul %get3A_40, %max3A_37, %dot_general3A_41 {dimension_numbers = #tpu.dot_dimension_numbers<[1], [0], [0], [1], [0, 0, 1, 1], [], []>, transpose_lhs_hint = false} : vector<22x256xf32>, vector<256x2048xf32>, vector<22x2048xf32> -> vector<22x2048xf32>
    %get3A_43 = arith.constant 0 : index
    %get3A_44 = arith.constant 0 : index
    %get3A_45 = vector.load %arg9[%get3A_43, %get3A_44] : memref<22x1xf32, #tpu.memory_space<vmem>>, vector<22x1xf32>
    %add3A_46 = vector.broadcast %get3A_45 : vector<22x1xf32> to vector<22x2048xf32>
    %add3A_47 = arith.addf %dot_general3A_42, %add3A_46 : vector<22x2048xf32>
    %swap3A = arith.constant 0 : index
    %swap3A_48 = arith.constant 0 : index
    %swap3A_49 = arith.constant 0 : index
    %swap3A_50 = vector.load %arg10[%swap3A, %swap3A_48, %swap3A_49] : memref<1x22x2048xf32, #tpu.memory_space<vmem>>, vector<1x22x2048xf32>
    %swap3A_51 = vector.shape_cast %swap3A_50 : vector<1x22x2048xf32> to vector<22x2048xf32>
    %swap3A_52 = vector.shape_cast %add3A_47 : vector<22x2048xf32> to vector<1x22x2048xf32>
    tpu.vector_store %arg10[%swap3A, %swap3A_48, %swap3A_49], %swap3A_52 {strides = array<i32>} : memref<1x22x2048xf32, #tpu.memory_space<vmem>>, vector<1x22x2048xf32>,
    return
  }
  func.func @transform_0(%arg0: i32, %arg1: i32) -> (i32, i32, i32) {
    %add3A = arith.constant 0 : i32
    %add3A_0 = arith.addi %arg0, %add3A : i32
    %c0_i32 = arith.constant 0 : i32
    %c0_i32_1 = arith.constant 0 : i32
    return %add3A_0, %c0_i32, %arg1 : i32, i32, i32
  }
  func.func @transform_1(%arg0: i32, %arg1: i32) -> (i32, i32) {
    %c0_i32 = arith.constant 0 : i32
    %c0_i32_0 = arith.constant 0 : i32
    %c0_i32_1 = arith.constant 0 : i32
    return %c0_i32, %c0_i32_0 : i32, i32
  }
  func.func @transform_2(%arg0: i32, %arg1: i32) -> (i32, i32) {
    %c0_i32 = arith.constant 0 : i32
    %c0_i32_0 = arith.constant 0 : i32
    %c0_i32_1 = arith.constant 0 : i32
    return %c0_i32, %c0_i32_0 : i32, i32
  }
  func.func @transform_3(%arg0: i32, %arg1: i32) -> (i32, i32) {
    %c0_i32 = arith.constant 0 : i32
    %c0_i32_0 = arith.constant 0 : i32
    %c0_i32_1 = arith.constant 0 : i32
    return %c0_i32, %c0_i32_0 : i32, i32
  }
  func.func @transform_4(%arg0: i32, %arg1: i32) -> (i32, i32) {
    %c0_i32 = arith.constant 0 : i32
    %c0_i32_0 = arith.constant 0 : i32
    %c0_i32_1 = arith.constant 0 : i32
    return %c0_i32, %c0_i32_0 : i32, i32
  }
  func.func @transform_5(%arg0: i32, %arg1: i32) -> (i32, i32) {
    %c0_i32 = arith.constant 0 : i32
    %c0_i32_0 = arith.constant 0 : i32
    %c0_i32_1 = arith.constant 0 : i32
    return %c0_i32, %c0_i32_0 : i32, i32
  }
  func.func @transform_6(%arg0: i32, %arg1: i32) -> (i32, i32) {
    %c0_i32 = arith.constant 0 : i32
    %c0_i32_0 = arith.constant 0 : i32
    %c0_i32_1 = arith.constant 0 : i32
    return %c0_i32, %c0_i32_0 : i32, i32
  }
  func.func @transform_7(%arg0: i32, %arg1: i32) -> (i32, i32) {
    %c0_i32 = arith.constant 0 : i32
    %c0_i32_0 = arith.constant 0 : i32
    %c0_i32_1 = arith.constant 0 : i32
    return %c0_i32, %c0_i32_0 : i32, i32
  }
  func.func @transform_8(%arg0: i32, %arg1: i32) -> (i32, i32, i32) {
    %c0_i32 = arith.constant 0 : i32
    %c0_i32_0 = arith.constant 0 : i32
    return %arg0, %c0_i32, %arg1 : i32, i32, i32
  }
}

module attributes {stable_mosaic.version = 14 : i64} {
  func.func @_mlp_body(%arg0: i32, %arg1: i32, %arg2: memref<1x65x2048xf32, #tpu.memory_space<vmem>>, %arg3: memref<1024x128xf32, #tpu.memory_space<vmem>>, %arg4: memref<512x1024xf32, #tpu.memory_space<vmem>>, %arg5: memref<512x1xf32, #tpu.memory_space<vmem>>, %arg6: memref<256x512xf32, #tpu.memory_space<vmem>>, %arg7: memref<256x1xf32, #tpu.memory_space<vmem>>, %arg8: memref<22x256xf32, #tpu.memory_space<vmem>>, %arg9: memref<22x1xf32, #tpu.memory_space<vmem>>, %arg10: memref<1x22x2048xf32, #tpu.memory_space<vmem>>) attributes {dimension_semantics = [#tpu.dimension_semantics<arbitrary>, #tpu.dimension_semantics<arbitrary>], iteration_bounds = array<i64: 32, 1>, scalar_prefetch = 0 : i64, scratch_operands = 0 : i64, tpu.core_type = #tpu.core_type<tc>, window_params = [{transform_indices = @transform_0, window_bounds = array<i64: 1, 65, 2048>}, {pipeline_mode = #tpu.pipeline_mode<synchronous>, transform_indices = @transform_1, window_bounds = array<i64: 1024, 128>}, {pipeline_mode = #tpu.pipeline_mode<synchronous>, transform_indices = @transform_2, window_bounds = array<i64: 512, 1024>}, {pipeline_mode = #tpu.pipeline_mode<synchronous>, transform_indices = @transform_3, window_bounds = array<i64: 512, 1>}, {pipeline_mode = #tpu.pipeline_mode<synchronous>, transform_indices = @transform_4, window_bounds = array<i64: 256, 512>}, {pipeline_mode = #tpu.pipeline_mode<synchronous>, transform_indices = @transform_5, window_bounds = array<i64: 256, 1>}, {pipeline_mode = #tpu.pipeline_mode<synchronous>, transform_indices = @transform_6, window_bounds = array<i64: 22, 256>}, {pipeline_mode = #tpu.pipeline_mode<synchronous>, transform_indices = @transform_7, window_bounds = array<i64: 22, 1>}, {transform_indices = @transform_8, window_bounds = array<i64: 1, 22, 2048>}]} {
    %get3A = arith.constant 0 : index
    %get3A_0 = arith.constant 0 : index
    %get3A_1 = arith.constant 0 : index
    %get3A_2 = vector.load %arg2[%get3A, %get3A_0, %get3A_1] : memref<1x65x2048xf32, #tpu.memory_space<vmem>>, vector<1x65x2048xf32>
    %get3A_3 = vector.shape_cast %get3A_2 : vector<1x65x2048xf32> to vector<65x2048xf32>
    %broadcast_in_dim3A = arith.constant 0.000000e+00 : f32
    %broadcast_in_dim3A_4 = vector.broadcast %broadcast_in_dim3A : f32 to vector<62x2048xf32>
    %broadcast_in_dim3A_5 = arith.constant 1.000000e+00 : f32
    %broadcast_in_dim3A_6 = vector.broadcast %broadcast_in_dim3A_5 : f32 to vector<1x2048xf32>
    %concatenate3A = tpu.concatenate %get3A_3, %broadcast_in_dim3A_6, %broadcast_in_dim3A_4 in 0 : vector<65x2048xf32>, vector<1x2048xf32>, vector<62x2048xf32> -> vector<128x2048xf32>
    %get3A_7 = arith.constant 0 : index
    %get3A_8 = arith.constant 0 : index
    %get3A_9 = vector.load %arg3[%get3A_7, %get3A_8] : memref<1024x128xf32, #tpu.memory_space<vmem>>, vector<1024x128xf32>
    %dot_general3A = arith.constant dense<0.000000e+00> : vector<1024x2048xf32>
    %dot_general3A_10 = tpu.matmul %get3A_9, %concatenate3A, %dot_general3A {dimension_numbers = #tpu.dot_dimension_numbers<[1], [0], [0], [1], [0, 0, 1, 1], [], []>, transpose_lhs_hint = false} : vector<1024x128xf32>, vector<128x2048xf32>, vector<1024x2048xf32> -> vector<1024x2048xf32>
    %max3A = arith.constant 0.000000e+00 : f32
    %max3A_11 = vector.broadcast %max3A : f32 to vector<1024x2048xf32>
    %max3A_12 = arith.maximumf %dot_general3A_10, %max3A_11 : vector<1024x2048xf32>
    %get3A_13 = arith.constant 0 : index
    %get3A_14 = arith.constant 0 : index
    %get3A_15 = vector.load %arg4[%get3A_13, %get3A_14] : memref<512x1024xf32, #tpu.memory_space<vmem>>, vector<512x1024xf32>
    %dot_general3A_16 = arith.constant dense<0.000000e+00> : vector<512x2048xf32>
    %dot_general3A_17 = tpu.matmul %get3A_15, %max3A_12, %dot_general3A_16 {dimension_numbers = #tpu.dot_dimension_numbers<[1], [0], [0], [1], [0, 0, 1, 1], [], []>, transpose_lhs_hint = false} : vector<512x1024xf32>, vector<1024x2048xf32>, vector<512x2048xf32> -> vector<512x2048xf32>
    %get3A_18 = arith.constant 0 : index
    %get3A_19 = arith.constant 0 : index
    %get3A_20 = vector.load %arg5[%get3A_18, %get3A_19] : memref<512x1xf32, #tpu.memory_space<vmem>>, vector<512x1xf32>
    %add3A = vector.broadcast %get3A_20 : vector<512x1xf32> to vector<512x2048xf32>
    %add3A_21 = arith.addf %dot_general3A_17, %add3A : vector<512x2048xf32>
    %max3A_22 = arith.constant 0.000000e+00 : f32
    %max3A_23 = vector.broadcast %max3A_22 : f32 to vector<512x2048xf32>
    %max3A_24 = arith.maximumf %add3A_21, %max3A_23 : vector<512x2048xf32>
    %get3A_25 = arith.constant 0 : index
    %get3A_26 = arith.constant 0 : index
    %get3A_27 = vector.load %arg6[%get3A_25, %get3A_26] : memref<256x512xf32, #tpu.memory_space<vmem>>, vector<256x512xf32>
    %dot_general3A_28 = arith.constant dense<0.000000e+00> : vector<256x2048xf32>
    %dot_general3A_29 = tpu.matmul %get3A_27, %max3A_24, %dot_general3A_28 {dimension_numbers = #tpu.dot_dimension_numbers<[1], [0], [0], [1], [0, 0, 1, 1], [], []>, transpose_lhs_hint = false} : vector<256x512xf32>, vector<512x2048xf32>, vector<256x2048xf32> -> vector<256x2048xf32>
    %get3A_30 = arith.constant 0 : index
    %get3A_31 = arith.constant 0 : index
    %get3A_32 = vector.load %arg7[%get3A_30, %get3A_31] : memref<256x1xf32, #tpu.memory_space<vmem>>, vector<256x1xf32>
    %add3A_33 = vector.broadcast %get3A_32 : vector<256x1xf32> to vector<256x2048xf32>
    %add3A_34 = arith.addf %dot_general3A_29, %add3A_33 : vector<256x2048xf32>
    %max3A_35 = arith.constant 0.000000e+00 : f32
    %max3A_36 = vector.broadcast %max3A_35 : f32 to vector<256x2048xf32>
    %max3A_37 = arith.maximumf %add3A_34, %max3A_36 : vector<256x2048xf32>
    %get3A_38 = arith.constant 0 : index
    %get3A_39 = arith.constant 0 : index
    %get3A_40 = vector.load %arg8[%get3A_38, %get3A_39] : memref<22x256xf32, #tpu.memory_space<vmem>>, vector<22x256xf32>
    %dot_general3A_41 = arith.constant dense<0.000000e+00> : vector<22x2048xf32>
    %dot_general3A_42 = tpu.matmul %get3A_40, %max3A_37, %dot_general3A_41 {dimension_numbers = #tpu.dot_dimension_numbers<[1], [0], [0], [1], [0, 0, 1, 1], [], []>, transpose_lhs_hint = false} : vector<22x256xf32>, vector<256x2048xf32>, vector<22x2048xf32> -> vector<22x2048xf32>
    %get3A_43 = arith.constant 0 : index
    %get3A_44 = arith.constant 0 : index
    %get3A_45 = vector.load %arg9[%get3A_43, %get3A_44] : memref<22x1xf32, #tpu.memory_space<vmem>>, vector<22x1xf32>
    %add3A_46 = vector.broadcast %get3A_45 : vector<22x1xf32> to vector<22x2048xf32>
    %add3A_47 = arith.addf %dot_general3A_42, %add3A_46 : vector<22x2048xf32>
    %swap3A = arith.constant 0 : index
    %swap3A_48 = arith.constant 0 : index
    %swap3A_49 = arith.constant 0 : index
    %swap3A_50 = vector.load %arg10[%swap3A, %swap3A_48, %swap3A_49] : memref<1x22x2048xf32, #tpu.memory_space<vmem>>, vector<1x22x2048xf32>
    %swap3A_51 = vector.shape_cast %swap3A_50 : vector<1x22x2048xf32> to vector<22x2048xf32>
    %swap3A_52 = vector.shape_cast %add3A_47 : vector<22x2048xf32> to vector<1x22x2048xf32>
    tpu.vector_store %arg10[%swap3A, %swap3A_48, %swap3A_49], %swap3A_52 {strides = array<i32>} : memref<1x22x2048xf32, #tpu.memory_space<vmem>>, vector<1x22x2048xf32>,
    return
  }
  func.func @transform_0(%arg0: i32, %arg1: i32) -> (i32, i32, i32) {
    %add3A = arith.constant 32 : i32
    %add3A_0 = arith.addi %arg0, %add3A : i32
    %c0_i32 = arith.constant 0 : i32
    %c0_i32_1 = arith.constant 0 : i32
    return %add3A_0, %c0_i32, %arg1 : i32, i32, i32
  }
  func.func @transform_1(%arg0: i32, %arg1: i32) -> (i32, i32) {
    %c0_i32 = arith.constant 0 : i32
    %c0_i32_0 = arith.constant 0 : i32
    %c0_i32_1 = arith.constant 0 : i32
    return %c0_i32, %c0_i32_0 : i32, i32
  }
  func.func @transform_2(%arg0: i32, %arg1: i32) -> (i32, i32) {
    %c0_i32 = arith.constant 0 : i32
    %c0_i32_0 = arith.constant 0 : i32
    %c0_i32_1 = arith.constant 0 : i32
    return %c0_i32, %c0_i32_0 : i32, i32
  }
  func.func @transform_3(%arg0: i32, %arg1: i32) -> (i32, i32) {
    %c0_i32 = arith.constant 0 : i32
    %c0_i32_0 = arith.constant 0 : i32
    %c0_i32_1 = arith.constant 0 : i32
    return %c0_i32, %c0_i32_0 : i32, i32
  }
  func.func @transform_4(%arg0: i32, %arg1: i32) -> (i32, i32) {
    %c0_i32 = arith.constant 0 : i32
    %c0_i32_0 = arith.constant 0 : i32
    %c0_i32_1 = arith.constant 0 : i32
    return %c0_i32, %c0_i32_0 : i32, i32
  }
  func.func @transform_5(%arg0: i32, %arg1: i32) -> (i32, i32) {
    %c0_i32 = arith.constant 0 : i32
    %c0_i32_0 = arith.constant 0 : i32
    %c0_i32_1 = arith.constant 0 : i32
    return %c0_i32, %c0_i32_0 : i32, i32
  }
  func.func @transform_6(%arg0: i32, %arg1: i32) -> (i32, i32) {
    %c0_i32 = arith.constant 0 : i32
    %c0_i32_0 = arith.constant 0 : i32
    %c0_i32_1 = arith.constant 0 : i32
    return %c0_i32, %c0_i32_0 : i32, i32
  }
  func.func @transform_7(%arg0: i32, %arg1: i32) -> (i32, i32) {
    %c0_i32 = arith.constant 0 : i32
    %c0_i32_0 = arith.constant 0 : i32
    %c0_i32_1 = arith.constant 0 : i32
    return %c0_i32, %c0_i32_0 : i32, i32
  }
  func.func @transform_8(%arg0: i32, %arg1: i32) -> (i32, i32, i32) {
    %c0_i32 = arith.constant 0 : i32
    %c0_i32_0 = arith.constant 0 : i32
    return %arg0, %c0_i32, %arg1 : i32, i32, i32
  }
}

</mosaic_0001>

<sc_bundles>
// kernel: kernel.6.cloned.1.call-start
scs
__scs_entry_jumppad:
0x0: {  	(pc) =	sbr.rel $0x88, $3  }
0x1: {  	(tag) =	ssettag $0x0;
	lr =	simm.s32 $0x1  }
0x2: {  	[smem:$0x3F98] =	sst lr;
	_ =	strace $0xD0000000  }
0x3: {  	_ = 	snop  }
0x4: {  	_ = 	snop  }
0x5: {  	_ = 	snop  }
0x6: {  	_ = 	snop  }
0x7: {  	_ = 	snop  }
__scs_overlays_trampoline_lowered:
0x8: {  	[smem:$0x3FA7] =	sst s0  }
0x9: {  	[smem:$0x3FA8] =	sst s1  }
0xa: {  	[smem:$0x3FA9] =	sst s2  }
0xb: {  	[smem:$0x3FAA] =	sst s3  }
0xc: {  	[smem:$0x3FAB] =	sst s4  }
0xd: {  	[smem:$0x3FAC] =	sst s5  }
0xe: {  	[smem:$0x3FAD] =	sst s6  }
0xf: {  	[smem:$0x3FAE] =	sst s7  }
0x10: {  	[smem:$0x3FAF] =	sst s8  }
0x11: {  	[smem:$0x3FB0] =	sst s9;
	s0 =	simm.s32 @!p0 $0x0  }
0x12: {  	s1 =	sld [smem:$0x3F96];
	s0 =	simm.s32 @p0 $0x1  }
0x13: {  	[smem:$0x3FB1] =	sst s0;
	s0 =	simm.s32 @!p1 $0x0  }
0x14: {  	s2 =	sld [smem:$0x3F95];
	s0 =	simm.s32 @p1 $0x1  }
0x15: {  	[smem:$0x3FB2] =	sst s0;
	s0 =	simm.s32 @!p2 $0x0  }
0x16: {  	s3 =	sld [smem:$0x3FDB];
	s0 =	simm.s32 @p2 $0x1  }
0x17: {  	s4 =	simm.s32 $0x1BF5;
	[smem:$0x3FB4] =	sst s0  }
0x18: {  	s0 =	sld [smem:$0x3F97];
	_ =	swait.ge [sflag:s4], $0x0  }
0x19: {  	s7 =	sld [smem:$0x3F98]  }
0x1a: {  	s8 =	sadd.s32 $0xFFFFE003, lr  }
0x1b: {  	s9 =	sadd.s32 $0xFFFFFEF7, lr;
	s5 =	simm.s32 $0xFFFFFFFF;
	p2 =	slt.u32 s8, $0xFFFFF086  }
0x1c: {  	p1 =	slt.u32 s9, $0xF7A;
	s5 =	simm.s32 @!p2 $0x0  }
0x1d: {  	s5 =	simm.s32 @p1 $0x1;
	p0 =	seq.s32 s7, s2  }
0x1e: {  	s7 =	smul.u32 @!p0 $0xF7A, s2;
	p2 =	seq.s32 @!p0 s5, $0x0  }
0x1f: {  	s9 =	smul.u32 $0xF7A, s1;
	s8 =	simm.s32 @!p0 $0x1BF5;
	p2 =	por !p2, p0  }
0x20: {  	[sflag:s8] =	ssyncset.s32 @!p0 $0xFFFFF086;
	s6 =	sadd.s32 @!p0 s3, s7;
	s7 =	simm.s32 @!p0 $0x108  }
0x21: {  	s3 =	sadd.s32 s3, s9;
	s6 =	sadd.s32 @!p0 $0x88, s6;
	s7 =	simm.s32 @p2 $0x1082  }
0x22: {  	[simem:s7], [sflag:s8] =	dma.local @!p0 [hbm:s6], $0xF7A  }
0x23: {  	s9 =	sor.u32 $0xD0000000, s2;
	s6 =	simm.s32 $0x108;
	_ =	swait.ge @!p0 [sflag:s8], $0x0  }
0x24: {  	s3 =	sadd.s32 $0x88, s3;
	s6 =	simm.s32 @!p1 $0x1082;
	[sflag:s4] =	ssyncset.s32 $0xFFFFF086  }
0x25: {  	[simem:s6], [sflag:s4] =	dma.local [hbm:s3], $0xF7A  }
0x26: {  	[smem:$0x3F98] =	sst s1;
	(tag) =	ssettag s2;
	_ =	strace s9  }
0x27: {  	s1 =	sld [smem:$0x3FA8]  }
0x28: {  	s2 =	sld [smem:$0x3FA9]  }
0x29: {  	s4 =	sld [smem:$0x3FAB]  }
0x2a: {  	p0 =	seq.s32 s5, $0x0;
	s5 =	sld [smem:$0x3FAC]  }
0x2b: {  	s6 =	sld [smem:$0x3FAD]  }
0x2c: {  	s7 =	sld [smem:$0x3FAE]  }
0x2d: {  	s3 =	simm.s32 $0x108;
	s8 =	sld [smem:$0x3FAF]  }
0x2e: {  	s3 =	simm.s32 @!p0 $0x1082;
	s9 =	sld [smem:$0x3FB0]  }
0x2f: {  	lr =	sadd.s32 s0, s3;
	s0 =	sld [smem:$0x3FA7]  }
0x30: {  	s3 =	sld [smem:$0x3FAA]  }
0x31: {  	[smem:$0x3FB3] =	sst s10  }
0x32: {  	s10 =	sld [smem:$0x3FB1];
	_ =	sdelay $0x3  }
0x33: {  	p0 =	seq.s32 s10, $0x1;
	s10 =	sld [smem:$0x3FB3];
	_ =	sdelay $0x3  }
0x34: {  	[smem:$0x3FB3] =	sst s10  }
0x35: {  	s10 =	sld [smem:$0x3FB2];
	_ =	sdelay $0x3  }
0x36: {  	p1 =	seq.s32 s10, $0x1;
	s10 =	sld [smem:$0x3FB3];
	_ =	sdelay $0x3  }
0x37: {  	[smem:$0x3FB3] =	sst s10  }
0x38: {  	s10 =	sld [smem:$0x3FB4]  }
0x39: {  	_ = 	snop;
	(pc) =	sbr.ind lr, $3  }
0x3a: {  	_ = 	snop  }
0x3b: {  	_ = 	snop  }
0x3c: {  	p2 =	seq.s32 s10, $0x1;
	s10 =	sld [smem:$0x3FB3]  }
0x3d: {  	_ =	shalt  }
0x3e: {  	_ =	shalt  }
0x3f: {  	_ =	shalt  }
0x40: {  	_ =	shalt  }
0x41: {  	_ =	shalt  }
0x42: {  	_ =	shalt  }
0x43: {  	_ =	shalt  }
0x44: {  	_ =	shalt  }
0x45: {  	_ =	shalt  }
0x46: {  	_ =	shalt  }
0x47: {  	_ =	shalt  }
0x48: {  	_ =	shalt  }
0x49: {  	_ =	shalt  }
0x4a: {  	_ =	shalt  }
0x4b: {  	_ =	shalt  }
0x4c: {  	_ =	shalt  }
0x4d: {  	_ =	shalt  }
0x4e: {  	_ =	shalt  }
0x4f: {  	_ =	shalt  }
0x50: {  	_ =	shalt  }
0x51: {  	_ =	shalt  }
0x52: {  	_ =	shalt  }
0x53: {  	_ =	shalt  }
0x54: {  	_ =	shalt  }
0x55: {  	_ =	shalt  }
0x56: {  	_ =	shalt  }
0x57: {  	_ =	shalt  }
0x58: {  	_ =	shalt  }
0x59: {  	_ =	shalt  }
0x5a: {  	_ =	shalt  }
0x5b: {  	_ =	shalt  }
0x5c: {  	_ =	shalt  }
0x5d: {  	_ =	shalt  }
0x5e: {  	_ =	shalt  }
0x5f: {  	_ =	shalt  }
0x60: {  	_ =	shalt  }
0x61: {  	_ =	shalt  }
0x62: {  	_ =	shalt  }
0x63: {  	_ =	shalt  }
0x64: {  	_ =	shalt  }
0x65: {  	_ =	shalt  }
0x66: {  	_ =	shalt  }
0x67: {  	_ =	shalt  }
0x68: {  	_ =	shalt  }
0x69: {  	_ =	shalt  }
0x6a: {  	_ =	shalt  }
0x6b: {  	_ =	shalt  }
0x6c: {  	_ =	shalt  }
0x6d: {  	_ =	shalt  }
0x6e: {  	_ =	shalt  }
0x6f: {  	_ =	shalt  }
0x70: {  	_ =	shalt  }
0x71: {  	_ =	shalt  }
0x72: {  	_ =	shalt  }
0x73: {  	_ =	shalt  }
0x74: {  	_ =	shalt  }
0x75: {  	_ =	shalt  }
0x76: {  	_ =	shalt  }
0x77: {  	_ =	shalt  }
0x78: {  	_ =	shalt  }
0x79: {  	_ =	shalt  }
0x7a: {  	_ =	shalt  }
0x7b: {  	_ =	shalt  }
0x7c: {  	_ =	shalt  }
0x7d: {  	_ =	shalt  }
0x7e: {  	_ =	shalt  }
0x7f: {  	_ =	shalt  }
0x80: {  	_ =	shalt  }
0x81: {  	_ =	shalt  }
0x82: {  	_ =	shalt  }
0x83: {  	_ =	shalt  }
0x84: {  	_ =	shalt  }
0x85: {  	_ =	shalt  }
0x86: {  	_ =	shalt  }
0x87: {  	_ =	shalt  }
.Lfunc_end0:
.L_simem_size_0:
called_computation_lowered:
.L_overlay_start_0:
0x88: {  	s2 =	sld [smem:$0x3FD9]  }
0x89: {  	s3 =	sld [smem:$0x3FFE];
	_ =	sdelay $0x1  }
0x8a: {  	s1 =	srdreg.scid  }
0x8b: {  	s0 =	sand.u32 $0x1, s1  }
0x8c: {  	s16 =	sshll.u32 s0, $0xA;
	s2 =	sadd.s32 s3, s2  }
0x8d: {  	s2 =	sadd.s32 s2, s16  }
0x8e: {  	[smem:$0x3FBF] =	sst s2  }
0x8f: {  	_ = 	snop  }
0x90: {  	(tm) =	ssettm $0x1  }
0x91: {  	s17 =	sld [smem:$0x3FFB];
	_ =	sdelay $0x3  }
0x92: {  	_ =	strace s17  }
0x93: {  	s2 =	sld [smem:$0x3FFC];
	_ =	sdelay $0x3  }
0x94: {  	_ =	strace s2  }
0x95: {  	s2 =	sld [smem:$0x3FFD];
	_ =	sdelay $0x3  }
0x96: {  	_ =	strace s2  }
0x97: {  	_ =	strace $0x8FFFFFFF  }
0x98: {  	s18 =	sld [smem:$0x3FDB];
	_ =	sdelay $0x1  }
0x99: {  	s19 =	simm.s32 $_scs_section_size  }
0x9a: {  	s4 =	simm.s32 $_size__tile_overlayer_lowered;
	s5 =	simm.s32 $_tile_overlayer_lowered  }
0x9b: {  	s22 =	simm.s32 $0x1BFF;
	s21 =	sshll.u32 s5, $0x1;
	s2 =	sadd.s32 s19, s18  }
0x9c: {  	s6 =	simm.s32 $0x0;
	s20 =	sshll.u32 s4, $0x1;
	s4 =	sadd.s32 s21, s2  }
0x9d: {  	[timem:s6], [sflag:s22] =	dma.local [hbm:s4], s20  }
0x9e: {  	_ =	swait.ge [sflag:s22], s20  }
0x9f: {  	s3 =	ssub.s32 $0x0, s20;
	[sflag:s22] =	ssyncset.done $0x0  }
0xa0: {  	[sflag:s22] =	ssyncadd.s32 s3;
	_ =	sdelay $0x1  }
0xa1: {  	s23 =	simm.s32 $0x1B8B  }
0xa2: {  	_ =	swait.ge [sflag:s23], $0x1  }
0xa3: {  	[sflag:s23] =	ssyncset.done $0x0  }
0xa4: {  	s25 =	simm.s32 $0x1B8E;
	s24 =	sld [smem:$0x3FFE];
	[sflag:s23] =	ssyncadd.s32 $0xFFFFFFFF  }
0xa5: {  	s26 =	simm.s32 $execute0_lowered;
	[smem:$0x3FD2] =	sst s25  }
0xa6: {  	s4 =	sshll.u32 s26, $0x1;
	_ =	strace $0x80000046;
	[dreg:$0x1] =	wrdreg $0xFFFFFFFF  }
0xa7: {  	s28 =	simm.s32 $_size_execute0_lowered;
	s2 =	sadd.s32 s2, s4;
	[dreg:$0x0] =	wrdreg $0x0  }
0xa8: {  	s4 =	sshll.u32 s28, $0x1;
	[dreg:$0x2] =	wrdreg s2  }
0xa9: {  	[dreg:$0x3] =	wrdreg s4  }
0xaa: {  	[dreg:$0x4] =	wrdreg $0xC0  }
0xab: {  	_ =	task [dreg:s6], $0x5FFFF  }
0xac: {  	[dreg:$0x1] =	wrdreg $0xFFFFFFFF  }
0xad: {  	[dreg:$0x0] =	wrdreg $0x60  }
0xae: {  	[dreg:$0x2] =	wrdreg s24  }
0xaf: {  	[dreg:$0x3] =	wrdreg $0x9  }
0xb0: {  	_ =	task.clear_ibuf [dreg:s6], $0x4FFFF;
	_ =	strace $0x90000046  }
0xb1: {  	s29 =	simm.s32 $0x9;
	_ =	strace $0x80000048  }
0xb2: {  	_ =	swait.ge [sflag:s29], $0x1  }
0xb3: {  	[sflag:s29] =	ssyncadd.s32 $0xFFFFFFFF  }
0xb4: {  	_ =	strace $0x90000048  }
0xb5: {  	_ =	sfence  }
0xb6: {  	s30 =	sld [smem:$0x0];
	_ =	sdelay $0x2  }
0xb7: {  	s31 =	sshll.u32 s1, $0xD;
	s1 =	sshrl.u32 s1, $0x2  }
0xb8: {  	s3 =	sand.u32 $0x4000, s31;
	s1 =	sadd.s32 s1, s30  }
0xb9: {  	s0 =	sor.u32 s3, s0;
	s1 =	sshll.u32 s1, $0x11  }
0xba: {  	s0 =	sor.u32 s1, s0  }
0xbb: {  	s0 =	sadd.s32 $0x8F2B, s0  }
0xbc: {  	[sflag:s0] =	ssyncadd.remote.s32 $0x1  }
0xbd: {  	_ =	sfence.sel $0xFFFF  }
0xbe: {  	[dreg:$0x0] =	wrdreg $0xFFFFFFFF;
	(pc) =	sbr.abs _section_cstart, $3  }
0xbf: {  	[dreg:$0x1] =	wrdreg $0xFFFFFFFF  }
0xc0: {  	_ =	task.clear_ibuf [dreg:s6], $0x2FFFF;
	_ =	strace $0x9FFFFFFF  }
0xc1: {  	(tm) =	ssettm $0x7FFFFFFF  }
tec
execute0_lowered:
.L_overlay_start_1:
0x0: {  	(tag) =	ssettag $0x1  }
0x1: {  	s1 =	srdreg.scid;
	s0 =	stileid.u32  }
0x2: {  	s4 =	rddreg [dreg:$0x0];
	s3 =	sand.u32 $0x1, s1;
	s30 =	sshll.u32 s0, $0x1  }
0x3: {  	s2 =	simm.s32 $0x0;
	s6 =	simm.s32 $0x1;
	s5 =	sor.u32 s3, s30  }
0x4: {  	s1 =	rddreg [dreg:$0x1];
	s3 =	ssub.s32 $0x2, s3;
	s5 =	smul.u32 $0x1800, s5  }
0x5: {  	s7 =	simm.s32 $0x0;
	[smem:$0x7FF] =	sst s2;
	s31 =	sshrl.u32 s3, $0x1  }
0x6: {  	_ =	strace $0x80000047;
	s4 =	sadd.s32 s5, s4;
	s5 =	ssub.s32 s3, s31  }
0x7: {  	v0 =	vimm.s32 $0x0;
	s3 =	sadd.s32 $0x120E00, s4;
	s4 =	sadd.s32 $0x150E00, s4;
	s5 =	smax.u32 s5, $0x1  }
.LBB2_1:
0x8: {  	[tilespmem:s2], [sflag:$0x1] =	stream.linear.gather [hbm4b:s3+s2], $0xC000, $0x38;
	[tilespmem:$0xC000] =	vst v63  }
0x9: {  	_ =	swait.ge [sflag:s6], $0xC000  }
0xa: {  	s8 =	simm.s32 $0x0;
	[sflag:s6] =	ssyncset.done $0x0  }
0xb: {  	s9 =	simm.s32 $0x0;
	s10 =	simm.s32 $0x0;
	[sflag:s6] =	ssyncadd.s32 $0xFFFF4000  }
.LBB2_2:
0xc: {  	s11 =	sand.u32 $0x70, s10;
	s12 =	sand.u32 $0x3C00, s9  }
0xd: {  	s11 =	sor.u32 s11, s12  }
0xe: {  	v8 =	vld [tilespmem:s11+$0x0]  }
0xf: {  	v5 =	vld [tilespmem:s11+$0x80];
	_ =	sdelay $0x1  }
0x10: {  	v4 =	vld [tilespmem:s11+$0x100]  }
0x11: {  	v3 =	vld [tilespmem:s11+$0x180];
	_ =	sdelay $0x1  }
0x12: {  	v1 =	vld [tilespmem:s11+$0x200];
	v2 =	vmin.f32 v8, $-Inf;
	v7 =	vmin.f32 v8, v5  }
0x13: {  	v6 =	vmax.f32 v8, v5;
	v9 =	vmax.f32 v2, v7;
	v7 =	vmin.f32 v2, v7  }
0x14: {  	v10 =	vmin.f32 v6, v4;
	v6 =	vmax.f32 v6, v4;
	v7 =	vmax.f32 v2, v7  }
0x15: {  	v11 =	vmin.f32 v9, v10;
	v9 =	vmax.f32 v9, v10;
	v12 =	vmin.f32 v6, v3  }
0x16: {  	v6 =	vmax.f32 v6, v3;
	v36 =	vmin.f32 v7, v11;
	v11 =	vmax.f32 v7, v11  }
0x17: {  	v2 =	vld [tilespmem:s11+$0x280];
	v37 =	vmin.f32 v9, v12;
	v9 =	vmax.f32 v9, v12;
	v13 =	vmin.f32 v6, v1  }
0x18: {  	v14 =	vmax.f32 v6, v1;
	v7 =	vmax.f32 v7, v36;
	v38 =	vmin.f32 v11, v37  }
0x19: {  	v6 =	vld [tilespmem:s11+$0x300];
	v10 =	vmax.f32 v11, v37;
	v40 =	vmin.f32 v9, v13;
	v9 =	vmax.f32 v9, v13  }
0x1a: {  	v39 =	vmin.f32 v7, v38;
	v12 =	vmax.f32 v7, v38;
	v41 =	vmin.f32 v10, v40  }
0x1b: {  	v10 =	vmax.f32 v10, v40;
	v7 =	vmax.f32 v7, v39;
	v42 =	vmin.f32 v12, v41  }
0x1c: {  	s31 =	sand.u32 $0x7, s8;
	v12 =	vmax.f32 v12, v41;
	v15 =	vmin.f32 v14, v2;
	v43 =	vmin.f32 v7, v42  }
0x1d: {  	s12 =	sshll.u32 s31, $0x4;
	v11 =	vmax.f32 v7, v42;
	v14 =	vmax.f32 v14, v2;
	v16 =	vmin.f32 v9, v15  }
0x1e: {  	s12 =	sadd.s32 s12, s9;
	v13 =	vmax.f32 v7, v43;
	v9 =	vmax.f32 v9, v15;
	v47 =	vmin.f32 v14, v6  }
0x1f: {  	s12 =	sor.u32 $0x380, s12;
	v14 =	vmax.f32 v14, v6;
	v17 =	vmin.f32 v10, v16;
	v10 =	vmax.f32 v10, v16  }
0x20: {  	v7 =	vld [tilespmem:s12+$0x0];
	v48 =	vmin.f32 v9, v47;
	v44 =	vmin.f32 v12, v17;
	v12 =	vmax.f32 v12, v17  }
0x21: {  	v17 =	vmax.f32 v9, v47;
	v49 =	vmin.f32 v10, v48;
	v10 =	vmax.f32 v10, v48  }
0x22: {  	v45 =	vmin.f32 v11, v44;
	v11 =	vmax.f32 v11, v44;
	v50 =	vmax.f32 v12, v49  }
0x23: {  	v9 =	vmin.f32 v12, v49;
	v46 =	vmin.f32 v13, v45;
	v16 =	vmax.f32 v13, v45  }
0x24: {  	v12 =	vmax.f32 v11, v9;
	v11 =	vmin.f32 v11, v9;
	v13 =	vmax.f32 v13, v46  }
0x25: {  	v9 =	vld [tilespmem:s11+$0x4000];
	v18 =	vmin.f32 v14, v7;
	v19 =	vmax.f32 v16, v11;
	v11 =	vmin.f32 v16, v11  }
0x26: {  	v52 =	vmax.f32 v14, v7;
	v51 =	vmin.f32 v17, v18;
	v20 =	vmax.f32 v13, v11  }
0x27: {  	v11 =	vmin.f32 v13, v11;
	v17 =	vmax.f32 v17, v18;
	v21 =	vmin.f32 v10, v51  }
0x28: {  	v11 =	vmax.f32 v13, v11;
	v16 =	vmax.f32 v10, v51;
	v53 =	vmin.f32 v50, v21  }
0x29: {  	v10 =	vld [tilespmem:s11+$0x4080];
	v15 =	vmax.f32 v50, v21;
	v54 =	vmin.f32 v12, v53;
	v12 =	vmax.f32 v12, v53  }
0x2a: {  	v57 =	vmin.f32 v52, v9;
	v13 =	vmax.f32 v52, v9;
	v55 =	vmin.f32 v19, v54  }
0x2b: {  	v18 =	vmax.f32 v19, v54;
	v58 =	vmin.f32 v17, v57;
	v17 =	vmax.f32 v17, v57  }
0x2c: {  	v56 =	vmin.f32 v20, v55;
	v14 =	vmax.f32 v20, v55;
	v59 =	vmin.f32 v16, v58  }
0x2d: {  	v16 =	vmax.f32 v16, v58;
	v19 =	vmax.f32 v11, v56;
	v60 =	vmax.f32 v15, v59  }
0x2e: {  	v61 =	vmin.f32 v15, v59;
	v62 =	vmin.f32 v13, v10;
	v13 =	vmax.f32 v13, v10  }
0x2f: {  	v11 =	vld [tilespmem:s11+$0x4100];
	v15 =	vmax.f32 v12, v61;
	v12 =	vmin.f32 v12, v61;
	v63 =	vmin.f32 v17, v62  }
0x30: {  	v17 =	vmax.f32 v17, v62;
	v22 =	vmax.f32 v18, v12;
	v12 =	vmin.f32 v18, v12  }
0x31: {  	v28 =	vmin.f32 v16, v63;
	v16 =	vmax.f32 v16, v63;
	v23 =	vmax.f32 v14, v12  }
0x32: {  	v12 =	vmin.f32 v14, v12;
	v24 =	vmin.f32 v60, v28;
	v14 =	vmax.f32 v60, v28  }
0x33: {  	v19 =	vmax.f32 v19, v12;
	v29 =	vmin.f32 v15, v24;
	v15 =	vmax.f32 v15, v24  }
0x34: {  	v12 =	vld [tilespmem:s11+$0x4180];
	v30 =	vmin.f32 v22, v29;
	v18 =	vmax.f32 v22, v29;
	v32 =	vmin.f32 v13, v11  }
0x35: {  	v13 =	vmax.f32 v13, v11;
	v31 =	vmin.f32 v23, v30;
	v33 =	vmin.f32 v17, v32  }
0x36: {  	v20 =	vmax.f32 v23, v30;
	v17 =	vmax.f32 v17, v32;
	v34 =	vmin.f32 v16, v33  }
0x37: {  	v19 =	vmax.f32 v19, v31;
	v35 =	vmax.f32 v14, v34;
	v14 =	vmin.f32 v14, v34  }
0x38: {  	v16 =	vmax.f32 v16, v33;
	v22 =	vmax.f32 v15, v14;
	v15 =	vmin.f32 v15, v14  }
0x39: {  	v36 =	vmin.f32 v13, v12;
	v14 =	vld [tilespmem:s11+$0x4200];
	v40 =	vmax.f32 v13, v12;
	v37 =	vmax.f32 v18, v15  }
0x3a: {  	v15 =	vmin.f32 v18, v15;
	v38 =	vmin.f32 v17, v36;
	v17 =	vmax.f32 v17, v36  }
0x3b: {  	v13 =	vld [tilespmem:s11+$0x4280];
	v25 =	vmax.f32 v20, v15;
	v15 =	vmin.f32 v20, v15;
	v39 =	vmin.f32 v16, v38  }
0x3c: {  	v16 =	vmax.f32 v16, v38;
	v15 =	vmax.f32 v19, v15;
	v26 =	vmin.f32 v35, v39  }
0x3d: {  	v20 =	vmax.f32 v35, v39;
	v41 =	vmin.f32 v22, v26;
	v42 =	vmax.f32 v22, v26  }
0x3e: {  	v43 =	vmin.f32 v37, v41;
	v18 =	vmax.f32 v37, v41;
	v45 =	vmin.f32 v40, v14  }
0x3f: {  	v19 =	vmax.f32 v40, v14;
	v44 =	vmin.f32 v25, v43;
	v22 =	vmax.f32 v25, v43  }
0x40: {  	v46 =	vmin.f32 v17, v45;
	v17 =	vmax.f32 v17, v45;
	v50 =	vmin.f32 v19, v13  }
0x41: {  	v19 =	vmax.f32 v19, v13;
	v23 =	vmax.f32 v15, v44;
	v47 =	vmin.f32 v16, v46  }
0x42: {  	v16 =	vmax.f32 v16, v46;
	v52 =	vmin.f32 v17, v50;
	v17 =	vmax.f32 v17, v50  }
0x43: {  	v15 =	vld [tilespmem:s11+$0x4300];
	v48 =	vmax.f32 v20, v47;
	v49 =	vmin.f32 v20, v47;
	v53 =	vmin.f32 v16, v52  }
0x44: {  	v20 =	vmax.f32 v42, v49;
	v21 =	vmin.f32 v42, v49;
	v54 =	vmin.f32 v48, v53  }
0x45: {  	v51 =	vmax.f32 v18, v21;
	v18 =	vmin.f32 v18, v21;
	v21 =	vmax.f32 v16, v52  }
0x46: {  	v55 =	vmin.f32 v20, v54;
	v20 =	vmax.f32 v20, v54;
	v27 =	vmax.f32 v22, v18  }
0x47: {  	v16 =	vld [tilespmem:s11+$0x4380];
	v18 =	vmin.f32 v22, v18;
	v22 =	vmax.f32 v48, v53;
	v56 =	vmin.f32 v51, v55  }
0x48: {  	v24 =	vmax.f32 v51, v55;
	v18 =	vmax.f32 v23, v18;
	v58 =	vmin.f32 v19, v15  }
0x49: {  	v57 =	vmin.f32 v27, v56;
	v23 =	vmax.f32 v27, v56;
	v59 =	vmin.f32 v17, v58  }
0x4a: {  	v19 =	vmax.f32 v19, v15;
	v18 =	vmax.f32 v18, v57;
	v60 =	vmin.f32 v21, v59  }
0x4b: {  	v26 =	vmax.f32 v17, v58;
	v21 =	vmax.f32 v21, v59;
	v61 =	vmax.f32 v22, v60  }
0x4c: {  	v17 =	vmin.f32 v22, v60;
	v62 =	vmin.f32 v19, v16;
	v19 =	vmax.f32 v19, v16  }
0x4d: {  	v22 =	vmax.f32 v20, v17;
	v20 =	vmin.f32 v20, v17;
	v17 =	vld [tilespmem:s11+$0x8000];
	v63 =	vmin.f32 v26, v62  }
0x4e: {  	v26 =	vmax.f32 v26, v62;
	v28 =	vmax.f32 v24, v20;
	v20 =	vmin.f32 v24, v20  }
0x4f: {  	v33 =	vmin.f32 v21, v63;
	v21 =	vmax.f32 v21, v63;
	v29 =	vmax.f32 v23, v20  }
0x50: {  	v20 =	vmin.f32 v23, v20;
	v30 =	vmin.f32 v61, v33;
	v23 =	vmax.f32 v61, v33  }
0x51: {  	v20 =	vmax.f32 v18, v20;
	v34 =	vmin.f32 v22, v30;
	v18 =	vld [tilespmem:s11+$0x8080];
	v22 =	vmax.f32 v22, v30  }
0x52: {  	v35 =	vmin.f32 v28, v34;
	v24 =	vmax.f32 v28, v34;
	v37 =	vmin.f32 v19, v17  }
0x53: {  	v36 =	vmin.f32 v29, v35;
	v25 =	vmax.f32 v29, v35;
	v38 =	vmin.f32 v26, v37  }
0x54: {  	v19 =	vmax.f32 v19, v17;
	v27 =	vmax.f32 v20, v36;
	v39 =	vmin.f32 v21, v38  }
0x55: {  	v26 =	vmax.f32 v26, v37;
	v21 =	vmax.f32 v21, v38;
	v40 =	vmax.f32 v23, v39  }
0x56: {  	v20 =	vld [tilespmem:s11+$0x8100];
	v41 =	vmin.f32 v23, v39;
	v42 =	vmin.f32 v19, v18;
	v46 =	vmax.f32 v19, v18  }
0x57: {  	v23 =	vmax.f32 v22, v41;
	v22 =	vmin.f32 v22, v41;
	v44 =	vmin.f32 v26, v42  }
0x58: {  	v26 =	vmax.f32 v26, v42;
	v43 =	vmax.f32 v24, v22;
	v22 =	vmin.f32 v24, v22  }
0x59: {  	v19 =	vld [tilespmem:s11+$0x8180];
	v45 =	vmin.f32 v21, v44;
	v21 =	vmax.f32 v21, v44;
	v31 =	vmax.f32 v25, v22  }
0x5a: {  	v22 =	vmin.f32 v25, v22;
	v32 =	vmin.f32 v40, v45;
	v25 =	vmax.f32 v40, v45  }
0x5b: {  	v50 =	vmin.f32 v46, v20;
	v22 =	vmax.f32 v27, v22;
	v47 =	vmin.f32 v23, v32  }
0x5c: {  	v23 =	vmax.f32 v23, v32;
	v51 =	vmin.f32 v26, v50;
	v27 =	vmax.f32 v46, v20  }
0x5d: {  	v26 =	vmax.f32 v26, v50;
	v48 =	vmin.f32 v43, v47;
	v24 =	vmax.f32 v43, v47  }
0x5e: {  	v52 =	vmin.f32 v21, v51;
	v29 =	vmax.f32 v21, v51;
	v55 =	vmin.f32 v27, v19  }
0x5f: {  	v27 =	vmax.f32 v27, v19;
	v49 =	vmin.f32 v31, v48;
	v28 =	vmax.f32 v31, v48  }
0x60: {  	v53 =	vmax.f32 v25, v52;
	v54 =	vmin.f32 v25, v52;
	v57 =	vmin.f32 v26, v55  }
0x61: {  	v22 =	vmax.f32 v22, v49;
	v25 =	vmax.f32 v23, v54;
	v21 =	vmin.f32 v23, v54  }
0x62: {  	v58 =	vmin.f32 v29, v57;
	v56 =	vmax.f32 v24, v21;
	v24 =	vmin.f32 v24, v21  }
0x63: {  	v23 =	vmax.f32 v26, v55;
	v21 =	vld [tilespmem:s11+$0x8200];
	v33 =	vmax.f32 v28, v24;
	v24 =	vmin.f32 v28, v24  }
0x64: {  	v29 =	vmax.f32 v29, v57;
	v59 =	vmin.f32 v53, v58;
	v24 =	vmax.f32 v22, v24;
	v22 =	vld [tilespmem:s11+$0x8280]  }
0x65: {  	v28 =	vmax.f32 v53, v58;
	v60 =	vmin.f32 v25, v59;
	v25 =	vmax.f32 v25, v59  }
0x66: {  	v58 =	vimm.s32 $0x0;
	v61 =	vmin.f32 v56, v60;
	v30 =	vmax.f32 v56, v60  }
0x67: {  	v56 =	vimm.s32 $0x0;
	v62 =	vmax.f32 v33, v61;
	v26 =	vmin.f32 v33, v61  }
0x68: {  	v24 =	vmax.f32 v24, v26;
	v63 =	vmax.f32 v27, v21;
	v27 =	vmin.f32 v27, v21  }
0x69: {  	v36 =	vmax.f32 v23, v27;
	v23 =	vmin.f32 v23, v27;
	v26 =	vmin.f32 v63, v22  }
0x6a: {  	v27 =	vmax.f32 v29, v23;
	v23 =	vmin.f32 v29, v23;
	v26 =	vmin.f32 v36, v26  }
0x6b: {  	v29 =	vmax.f32 v28, v23;
	v23 =	vmin.f32 v28, v23;
	v26 =	vmin.f32 v27, v26  }
0x6c: {  	v37 =	vmax.f32 v25, v23;
	v23 =	vmin.f32 v25, v23;
	v38 =	vmin.f32 v29, v26  }
0x6d: {  	v39 =	vmax.f32 v30, v23;
	v23 =	vmin.f32 v30, v23;
	v25 =	vmin.f32 v37, v38  }
0x6e: {  	v40 =	vmax.f32 v62, v23;
	v23 =	vmin.f32 v62, v23;
	v25 =	vmin.f32 v39, v25  }
0x6f: {  	v60 =	vimm.s32 $0x0;
	v23 =	vmax.f32 v24, v23;
	v41 =	vmin.f32 v40, v25  }
0x70: {  	v28 =	vimm.s32 $0x0;
	v62 =	vimm.s32 $0x0;
	v23 =	vmax.f32 v23, v41  }
0x71: {  	vm1 =	vgt.f32 v8, v23;
	vm2 =	vgt.f32 v5, v23;
	vm4 =	vgt.f32 v4, v23  }
0x72: {  	vm3 =	vgt.f32 v3, v23;
	vm5 =	vgt.f32 v1, v23;
	vm15 =	vgt.f32 v2, v23  }
0x73: {  	vm6 =	vgt.f32 v6, v23;
	vm14 =	vgt.f32 v7, v23;
	vm12 =	vgt.f32 v9, v23  }
0x74: {  	vm13 =	vgt.f32 v10, v23;
	vm11 =	vgt.f32 v11, v23;
	vm9 =	vgt.f32 v12, v23  }
0x75: {  	vm10 =	vgt.f32 v14, v23;
	v42 =	vsel vm1, $0x1, v0;
	v43 =	vsel vm2, $0x1, v0  }
0x76: {  	vm8 =	vgt.f32 v13, v23;
	v44 =	vsel vm4, $0x1, v0;
	v24 =	vadd.s32 v43, v42  }
0x77: {  	vm0 =	vgt.f32 v15, v23;
	v45 =	vsel vm3, $0x1, v0;
	v24 =	vadd.s32 v44, v24  }
0x78: {  	vm7 =	vgt.f32 v16, v23;
	v46 =	vsel vm5, $0x1, v0;
	v24 =	vadd.s32 v45, v24  }
0x79: {  	v47 =	vsel vm15, $0x1, v0;
	v48 =	vsel vm6, $0x1, v0;
	v24 =	vadd.s32 v46, v24  }
0x7a: {  	v49 =	vsel vm14, $0x1, v0;
	v50 =	vsel vm12, $0x1, v0;
	v24 =	vadd.s32 v47, v24  }
0x7b: {  	v51 =	vsel vm13, $0x1, v0;
	v52 =	vsel vm11, $0x1, v0;
	v24 =	vadd.s32 v48, v24  }
0x7c: {  	v53 =	vsel vm9, $0x1, v0;
	v54 =	vsel vm10, $0x1, v0;
	v24 =	vadd.s32 v49, v24  }
0x7d: {  	v26 =	vsel vm0, $0xFFFFFFFF, v56;
	v59 =	vsel vm7, $0x1, v0;
	v24 =	vadd.s32 v50, v24  }
0x7e: {  	[tilespmem:$0x1FF80] =	vst v26;
	v26 =	vsel vm7, $0xFFFFFFFF, v58;
	vm7 =	vgt.f32 v17, v23;
	v24 =	vadd.s32 v51, v24  }
0x7f: {  	v55 =	vsel vm8, $0x1, v0;
	[tilespmem:$0x1FF90] =	vst v26;
	v26 =	vsel vm7, $0xFFFFFFFF, v60;
	v24 =	vadd.s32 v52, v24  }
0x80: {  	v61 =	vsel vm7, $0x1, v0;
	vm7 =	vgt.f32 v18, v23;
	v24 =	vadd.s32 v53, v24  }
0x81: {  	v57 =	vsel vm0, $0x1, v0;
	[tilespmem:$0x1FFA0] =	vst v26;
	v26 =	vsel vm7, $0xFFFFFFFF, v62;
	v24 =	vadd.s32 v54, v24  }
0x82: {  	v63 =	vsel vm7, $0x1, v0;
	vm7 =	vgt.f32 v20, v23;
	v24 =	vadd.s32 v55, v24  }
0x83: {  	v30 =	vimm.s32 $0x0;
	[tilespmem:$0x1FFB0] =	vst v26;
	v26 =	vsel vm7, $0xFFFFFFFF, v28;
	v24 =	vadd.s32 v57, v24  }
0x84: {  	v29 =	vsel vm7, $0x1, v0;
	vm7 =	vgt.f32 v19, v23;
	v24 =	vadd.s32 v59, v24  }
0x85: {  	v32 =	vimm.s32 $0x0;
	[tilespmem:$0x1FFC0] =	vst v26;
	v26 =	vsel vm7, $0xFFFFFFFF, v30;
	v24 =	vadd.s32 v61, v24  }
0x86: {  	v31 =	vsel vm7, $0x1, v0;
	vm7 =	vgt.f32 v21, v23;
	v24 =	vadd.s32 v63, v24  }
0x87: {  	[tilespmem:$0x1FFD0] =	vst v26;
	v26 =	vsel vm7, $0xFFFFFFFF, v32;
	v24 =	vadd.s32 v29, v24  }
0x88: {  	v33 =	vsel vm7, $0x1, v0;
	vm7 =	vgt.f32 v22, v23;
	v24 =	vadd.s32 v31, v24  }
0x89: {  	v35 =	vsel vm7, $0x1, v0;
	v24 =	vadd.s32 v33, v24  }
0x8a: {  	v34 =	vimm.s32 $0x0;
	v24 =	vadd.s32 v35, v24  }
0x8b: {  	vm0 =	veq.f32 v8, v23;
	[tilespmem:$0x1FFE0] =	vst v26;
	v26 =	vsel vm7, $0xFFFFFFFF, v34;
	vm7 =	vlt.u32 v24, $0x8  }
0x8c: {  	v36 =	vsel vm0, $0x1, v0;
	vm7 =	vmand vm0, vm7;
	vm0 =	veq.f32 v5, v23  }
0x8d: {  	v24 =	vadd.s32 v36, v24;
	vm1 =	vmor vm1, vm7;
	v37 =	vsel vm0, $0x1, v0  }
0x8e: {  	vm7 =	veq.f32 v4, v23;
	v8 =	vnsel vm1, $0x0, v8;
	vm1 =	vlt.u32 v24, $0x8  }
0x8f: {  	v24 =	vadd.s32 v37, v24;
	v38 =	vsel vm7, $0x1, v0;
	vm0 =	vmand vm0, vm1  }
0x90: {  	v25 =	vadd.s32 v38, v24;
	vm1 =	vlt.u32 v24, $0x8;
	vm0 =	vmor vm2, vm0  }
0x91: {  	vm1 =	vmand vm7, vm1;
	vm2 =	veq.f32 v3, v23;
	vm7 =	vlt.u32 v25, $0x8  }
0x92: {  	v5 =	vnsel vm0, $0x0, v5;
	vm4 =	vmor vm4, vm1;
	vm7 =	vmand vm2, vm7  }
0x93: {  	v39 =	vsel vm2, $0x1, v0;
	vm0 =	veq.f32 v1, v23;
	vm2 =	veq.f32 v6, v23  }
0x94: {  	v4 =	vnsel vm4, $0x0, v4;
	vm4 =	vmor vm3, vm7;
	v24 =	vadd.s32 v39, v25  }
0x95: {  	v40 =	vsel vm0, $0x1, v0;
	v3 =	vnsel vm4, $0x0, v3;
	vm7 =	vlt.u32 v24, $0x8  }
0x96: {  	vm4 =	veq.f32 v2, v23;
	v24 =	vadd.s32 v40, v24;
	vm0 =	vmand vm0, vm7  }
0x97: {  	v41 =	vsel vm4, $0x1, v0;
	vm0 =	vmor vm5, vm0;
	vm5 =	vlt.u32 v24, $0x8  }
0x98: {  	v42 =	vsel vm2, $0x1, v0;
	v25 =	vadd.s32 v41, v24;
	vm1 =	vmand vm4, vm5  }
0x99: {  	vm7 =	vlt.u32 v25, $0x8;
	v1 =	vnsel vm0, $0x0, v1;
	v24 =	vadd.s32 v42, v25  }
0x9a: {  	vm4 =	vmor vm15, vm1;
	vm5 =	vmand vm2, vm7;
	vm15 =	veq.f32 v7, v23  }
0x9b: {  	v2 =	vnsel vm4, $0x0, v2;
	vm7 =	vmor vm6, vm5;
	v43 =	vsel vm15, $0x1, v0  }
0x9c: {  	vm4 =	vlt.u32 v24, $0x8;
	vm5 =	veq.f32 v9, v23;
	v6 =	vnsel vm7, $0x0, v6  }
0x9d: {  	vm0 =	vmand vm15, vm4;
	v24 =	vadd.s32 v43, v24;
	v44 =	vsel vm5, $0x1, v0  }
0x9e: {  	vm7 =	veq.f32 v10, v23;
	vm0 =	vmor vm14, vm0;
	vm6 =	vlt.u32 v24, $0x8  }
0x9f: {  	v25 =	vadd.s32 v44, v24;
	v45 =	vsel vm7, $0x1, v0;
	vm1 =	vmand vm5, vm6  }
0xa0: {  	vm14 =	vlt.u32 v25, $0x8;
	v7 =	vnsel vm0, $0x0, v7;
	v24 =	vadd.s32 v45, v25  }
0xa1: {  	v53 =	vld [tilespmem:$0x1FF80];
	vm6 =	veq.f32 v11, v23;
	vm15 =	vmor vm12, vm1;
	vm4 =	vmand vm7, vm14  }
0xa2: {  	vm7 =	vlt.u32 v24, $0x8;
	v46 =	vsel vm6, $0x1, v0;
	vm12 =	veq.f32 v12, v23  }
0xa3: {  	vm14 =	veq.f32 v14, v23;
	v9 =	vnsel vm15, $0x0, v9;
	vm5 =	vmor vm13, vm4  }
0xa4: {  	vm0 =	vmand vm6, vm7;
	v24 =	vadd.s32 v46, v24;
	v47 =	vsel vm12, $0x1, v0  }
0xa5: {  	v48 =	vsel vm14, $0x1, v0;
	v10 =	vnsel vm5, $0x0, v10;
	vm0 =	vmor vm11, vm0  }
0xa6: {  	[tilespmem:s11+$0x280] =	vst v2;
	v2 =	vld [tilespmem:$0x1FF90];
	vm13 =	vlt.u32 v24, $0x8;
	v24 =	vadd.s32 v47, v24;
	vm5 =	vnez.u8 v53  }
0xa7: {  	vm1 =	vmand vm12, vm13;
	vm15 =	vlt.u32 v24, $0x8;
	v11 =	vnsel vm0, $0x0, v11  }
0xa8: {  	v57 =	vld [tilespmem:$0x1FFA0];
	v24 =	vadd.s32 v48, v24;
	vm12 =	veq.f32 v15, v23;
	vm6 =	vmor vm9, vm1  }
0xa9: {  	vm7 =	vmand vm14, vm15;
	vm11 =	vlt.u32 v24, $0x8;
	v51 =	vsel vm12, $0x1, v0  }
0xaa: {  	vm14 =	veq.f32 v16, v23;
	v12 =	vnsel vm6, $0x0, v12;
	vm9 =	vmor vm10, vm7  }
0xab: {  	vm10 =	veq.f32 v13, v23;
	vm7 =	vnez.u8 v2;
	v2 =	vsel vm14, $0x1, v0  }
0xac: {  	v14 =	vnsel vm9, $0x0, v14;
	v49 =	vsel vm10, $0x1, v0;
	vm0 =	vmand vm10, vm11  }
0xad: {  	v59 =	vld [tilespmem:$0x1FFB0];
	vm10 =	veq.f32 v18, v23;
	vm11 =	vnez.u8 v57;
	v50 =	vadd.s32 v49, v24  }
0xae: {  	v61 =	vld [tilespmem:$0x1FFC0];
	vm0 =	vmor vm8, vm0;
	vm8 =	veq.f32 v17, v23;
	v56 =	vsel vm10, $0x1, v0  }
0xaf: {  	[tilespmem:s11+$0x180] =	vst v3;
	vm13 =	vlt.u32 v50, $0x8;
	v52 =	vadd.s32 v51, v50;
	v3 =	vnsel vm0, $0x0, v13  }
0xb0: {  	[tilespmem:$0x1FFF0] =	vst v26;
	v55 =	vsel vm8, $0x1, v0;
	vm1 =	vmand vm12, vm13;
	vm15 =	vlt.u32 v52, $0x8  }
0xb1: {  	[tilespmem:s11+$0x0] =	vst v8;
	v2 =	vadd.s32 v2, v52;
	vm13 =	veq.f32 v20, v23;
	vm0 =	vmor vm5, vm1  }
0xb2: {  	[tilespmem:s11+$0x80] =	vst v5;
	vm6 =	vmand vm14, vm15;
	vm9 =	vlt.u32 v2, $0x8;
	v2 =	vadd.s32 v55, v2  }
0xb3: {  	[tilespmem:s11+$0x100] =	vst v4;
	vm15 =	vnez.u8 v59;
	vm5 =	vnez.u8 v61;
	v62 =	vsel vm13, $0x1, v0  }
0xb4: {  	[tilespmem:s11+$0x200] =	vst v1;
	v1 =	vnsel vm0, $0x0, v15;
	vm0 =	vmor vm7, vm6;
	vm12 =	vlt.u32 v2, $0x8  }
0xb5: {  	[tilespmem:s11+$0x300] =	vst v6;
	v2 =	vadd.s32 v56, v2;
	vm6 =	veq.f32 v19, v23;
	v54 =	vnsel vm0, $0x0, v16  }
0xb6: {  	[tilespmem:s12+$0x0] =	vst v7;
	vm0 =	vmand vm8, vm9;
	vm1 =	vmand vm10, vm12;
	vm14 =	vlt.u32 v2, $0x8  }
0xb7: {  	v2 =	vadd.s32 v62, v2;
	[tilespmem:s11+$0x4300] =	vst v1;
	v1 =	vsel vm6, $0x1, v0;
	vm8 =	veq.f32 v21, v23  }
0xb8: {  	[tilespmem:s11+$0x4000] =	vst v9;
	vm0 =	vmor vm11, vm0;
	vm4 =	vmand vm13, vm14;
	vm7 =	vlt.u32 v2, $0x8  }
0xb9: {  	v63 =	vld [tilespmem:$0x1FFD0];
	[tilespmem:s11+$0x4080] =	vst v10;
	v1 =	vadd.s32 v1, v2;
	v58 =	vnsel vm0, $0x0, v17;
	vm0 =	vmor vm15, vm1  }
0xba: {  	[tilespmem:s11+$0x4100] =	vst v11;
	v2 =	vsel vm8, $0x1, v0;
	v60 =	vnsel vm0, $0x0, v18;
	vm0 =	vmor vm5, vm4  }
0xbb: {  	[tilespmem:s11+$0x4280] =	vst v3;
	vm10 =	vlt.u32 v1, $0x8;
	v1 =	vadd.s32 v2, v1;
	v2 =	vld [tilespmem:$0x1FFE0];
	v3 =	vnsel vm0, $0x0, v20  }
0xbc: {  	[tilespmem:s11+$0x8100] =	vst v3;
	v3 =	vld [tilespmem:$0x1FFF0]  }
0xbd: {  	[tilespmem:s11+$0x4180] =	vst v12  }
0xbe: {  	[tilespmem:s11+$0x4200] =	vst v14;
	vm9 =	vnez.u8 v63;
	vm11 =	veq.f32 v22, v23  }
0xbf: {  	p0 =	sne.s32 s10, $0x7F0;
	[tilespmem:s11+$0x4380] =	vst v54;
	vm1 =	vmand vm8, vm10;
	vm12 =	vlt.u32 v1, $0x8;
	vm0 =	vmand vm6, vm7  }
.Ltmp0:
0xc0: {  	[tilespmem:s11+$0x8000] =	vst v58;
	vm14 =	vmand vm11, vm12;
	vm0 =	vmor vm9, vm0;
	vm13 =	vnez.u8 v2;
	(pc) =	sbr.rel @p0 .LBB2_2-.Ltmp0, $4  }
0xc1: {  	[tilespmem:s11+$0x8080] =	vst v60;
	v1 =	vnsel vm0, $0x0, v19;
	vm0 =	vmor vm13, vm1;
	vm15 =	vnez.u8 v3  }
0xc2: {  	[tilespmem:s11+$0x8180] =	vst v1;
	v2 =	vnsel vm0, $0x0, v21;
	vm0 =	vmor vm15, vm14  }
0xc3: {  	[tilespmem:s11+$0x8200] =	vst v2;
	v1 =	vnsel vm0, $0x0, v22  }
0xc4: {  	s8 =	sadd.s32 $0x1, s8;
	s10 =	sadd.s32 $0x10, s10;
	s9 =	sadd.s32 $0x80, s9;
	[tilespmem:s11+$0x8280] =	vst v1  }
0xc5: {  	s7 =	sadd.s32 $0x1, s7  }
0xc6: {  	p0 =	sne.s32 s7, s5  }
.Ltmp1:
0xc7: {  	_ = 	snop;
	(pc) =	sbr.rel @p0 .LBB2_1-.Ltmp1, $4  }
0xc8: {  	[hbm4b:s4+s2] =	stream.linear.scatter [tilespmem:s2], [sflag:$0x1], $0xC000, $0x38;
	[tilespmem:$0xC000] =	vst v63  }
0xc9: {  	_ =	swait.ge [sflag:s6], $0xC000  }
0xca: {  	[sflag:s6] =	ssyncset.done $0x0  }
0xcb: {  	[sflag:s6] =	ssyncadd.s32 $0xFFFF4000  }
0xcc: {  	_ =	sfence.sel $0x180000  }
0xcd: {  	[bflag:$0x0] =	sbarrier.arrive $0xFFFF  }
0xce: {  	p0 =	sne.s32 s0, $0x0;
	_ =	strace $0x90000047  }
0xcf: {  	s0 =	sadd.s32 @!p0 $0x100000, s1;
	[bflag:$0x2] =	sbarrier.arrive $0xFFFF  }
0xd0: {  	[sflag:s0] =	ssyncadd.tile.s32 @!p0 $0x1;
	_ =	shalt  }
.Lfunc_end2:
_tile_overlayer_lowered:
.L_overlay_start_2:
0xd1: {  	(tag) =	ssettag $0x2  }
0xd2: {  	s0 =	rddreg [dreg:$0x0];
	s2 =	stileid.u32  }
0xd3: {  	s1 =	rddreg [dreg:$0x1];
	p0 =	sne.s32 s2, $0x0  }
0xd4: {  	s3 =	rddreg [dreg:$0x2];
	[bflag:$0x3] =	sbarrier.arrive $0xFFFF;
	s2 =	simm.s32 @!p0 $0x1C01  }
0xd5: {  	[timem:s3], [sflag:s2] =	dma.local @!p0 [hbm:s0], s1  }
0xd6: {  	s0 =	simm.s32 @!p0 $0x1  }
0xd7: {  	_ =	swait.ge @!p0 [sflag:s0], s1  }
0xd8: {  	s1 =	ssub.s32 @!p0 $0x0, s1;
	[sflag:s0] =	ssyncset.done @!p0 $0x0  }
0xd9: {  	[sflag:s0] =	ssyncadd.s32 @!p0 s1  }
0xda: {  	[bflag:$0x3] =	sbarrier.arrive $0xFFFF  }
0xdb: {  	_ =	shalt  }

// kernel: kernel.9.cloned.1.call-start
scs
__scs_entry_jumppad:
0x0: {  	(pc) =	sbr.rel $0x88, $3  }
0x1: {  	(tag) =	ssettag $0x0;
	lr =	simm.s32 $0x1  }
0x2: {  	[smem:$0x3F98] =	sst lr;
	_ =	strace $0xD0000000  }
0x3: {  	_ = 	snop  }
0x4: {  	_ = 	snop  }
0x5: {  	_ = 	snop  }
0x6: {  	_ = 	snop  }
0x7: {  	_ = 	snop  }
__scs_overlays_trampoline_lowered:
0x8: {  	[smem:$0x3FA7] =	sst s0  }
0x9: {  	[smem:$0x3FA8] =	sst s1  }
0xa: {  	[smem:$0x3FA9] =	sst s2  }
0xb: {  	[smem:$0x3FAA] =	sst s3  }
0xc: {  	[smem:$0x3FAB] =	sst s4  }
0xd: {  	[smem:$0x3FAC] =	sst s5  }
0xe: {  	[smem:$0x3FAD] =	sst s6  }
0xf: {  	[smem:$0x3FAE] =	sst s7  }
0x10: {  	[smem:$0x3FAF] =	sst s8  }
0x11: {  	[smem:$0x3FB0] =	sst s9;
	s0 =	simm.s32 @!p0 $0x0  }
0x12: {  	s1 =	sld [smem:$0x3F96];
	s0 =	simm.s32 @p0 $0x1  }
0x13: {  	[smem:$0x3FB1] =	sst s0;
	s0 =	simm.s32 @!p1 $0x0  }
0x14: {  	s2 =	sld [smem:$0x3F95];
	s0 =	simm.s32 @p1 $0x1  }
0x15: {  	[smem:$0x3FB2] =	sst s0;
	s0 =	simm.s32 @!p2 $0x0  }
0x16: {  	s3 =	sld [smem:$0x3FDB];
	s0 =	simm.s32 @p2 $0x1  }
0x17: {  	s4 =	simm.s32 $0x1BF5;
	[smem:$0x3FB4] =	sst s0  }
0x18: {  	s0 =	sld [smem:$0x3F97];
	_ =	swait.ge [sflag:s4], $0x0  }
0x19: {  	s7 =	sld [smem:$0x3F98]  }
0x1a: {  	s8 =	sadd.s32 $0xFFFFE003, lr  }
0x1b: {  	s9 =	sadd.s32 $0xFFFFFEF7, lr;
	s5 =	simm.s32 $0xFFFFFFFF;
	p2 =	slt.u32 s8, $0xFFFFF086  }
0x1c: {  	p1 =	slt.u32 s9, $0xF7A;
	s5 =	simm.s32 @!p2 $0x0  }
0x1d: {  	s5 =	simm.s32 @p1 $0x1;
	p0 =	seq.s32 s7, s2  }
0x1e: {  	s7 =	smul.u32 @!p0 $0xF7A, s2;
	p2 =	seq.s32 @!p0 s5, $0x0  }
0x1f: {  	s9 =	smul.u32 $0xF7A, s1;
	s8 =	simm.s32 @!p0 $0x1BF5;
	p2 =	por !p2, p0  }
0x20: {  	[sflag:s8] =	ssyncset.s32 @!p0 $0xFFFFF086;
	s6 =	sadd.s32 @!p0 s3, s7;
	s7 =	simm.s32 @!p0 $0x108  }
0x21: {  	s3 =	sadd.s32 s3, s9;
	s6 =	sadd.s32 @!p0 $0x88, s6;
	s7 =	simm.s32 @p2 $0x1082  }
0x22: {  	[simem:s7], [sflag:s8] =	dma.local @!p0 [hbm:s6], $0xF7A  }
0x23: {  	s9 =	sor.u32 $0xD0000000, s2;
	s6 =	simm.s32 $0x108;
	_ =	swait.ge @!p0 [sflag:s8], $0x0  }
0x24: {  	s3 =	sadd.s32 $0x88, s3;
	s6 =	simm.s32 @!p1 $0x1082;
	[sflag:s4] =	ssyncset.s32 $0xFFFFF086  }
0x25: {  	[simem:s6], [sflag:s4] =	dma.local [hbm:s3], $0xF7A  }
0x26: {  	[smem:$0x3F98] =	sst s1;
	(tag) =	ssettag s2;
	_ =	strace s9  }
0x27: {  	s1 =	sld [smem:$0x3FA8]  }
0x28: {  	s2 =	sld [smem:$0x3FA9]  }
0x29: {  	s4 =	sld [smem:$0x3FAB]  }
0x2a: {  	p0 =	seq.s32 s5, $0x0;
	s5 =	sld [smem:$0x3FAC]  }
0x2b: {  	s6 =	sld [smem:$0x3FAD]  }
0x2c: {  	s7 =	sld [smem:$0x3FAE]  }
0x2d: {  	s3 =	simm.s32 $0x108;
	s8 =	sld [smem:$0x3FAF]  }
0x2e: {  	s3 =	simm.s32 @!p0 $0x1082;
	s9 =	sld [smem:$0x3FB0]  }
0x2f: {  	lr =	sadd.s32 s0, s3;
	s0 =	sld [smem:$0x3FA7]  }
0x30: {  	s3 =	sld [smem:$0x3FAA]  }
0x31: {  	[smem:$0x3FB3] =	sst s10  }
0x32: {  	s10 =	sld [smem:$0x3FB1];
	_ =	sdelay $0x3  }
0x33: {  	p0 =	seq.s32 s10, $0x1;
	s10 =	sld [smem:$0x3FB3];
	_ =	sdelay $0x3  }
0x34: {  	[smem:$0x3FB3] =	sst s10  }
0x35: {  	s10 =	sld [smem:$0x3FB2];
	_ =	sdelay $0x3  }
0x36: {  	p1 =	seq.s32 s10, $0x1;
	s10 =	sld [smem:$0x3FB3];
	_ =	sdelay $0x3  }
0x37: {  	[smem:$0x3FB3] =	sst s10  }
0x38: {  	s10 =	sld [smem:$0x3FB4]  }
0x39: {  	_ = 	snop;
	(pc) =	sbr.ind lr, $3  }
0x3a: {  	_ = 	snop  }
0x3b: {  	_ = 	snop  }
0x3c: {  	p2 =	seq.s32 s10, $0x1;
	s10 =	sld [smem:$0x3FB3]  }
0x3d: {  	_ =	shalt  }
0x3e: {  	_ =	shalt  }
0x3f: {  	_ =	shalt  }
0x40: {  	_ =	shalt  }
0x41: {  	_ =	shalt  }
0x42: {  	_ =	shalt  }
0x43: {  	_ =	shalt  }
0x44: {  	_ =	shalt  }
0x45: {  	_ =	shalt  }
0x46: {  	_ =	shalt  }
0x47: {  	_ =	shalt  }
0x48: {  	_ =	shalt  }
0x49: {  	_ =	shalt  }
0x4a: {  	_ =	shalt  }
0x4b: {  	_ =	shalt  }
0x4c: {  	_ =	shalt  }
0x4d: {  	_ =	shalt  }
0x4e: {  	_ =	shalt  }
0x4f: {  	_ =	shalt  }
0x50: {  	_ =	shalt  }
0x51: {  	_ =	shalt  }
0x52: {  	_ =	shalt  }
0x53: {  	_ =	shalt  }
0x54: {  	_ =	shalt  }
0x55: {  	_ =	shalt  }
0x56: {  	_ =	shalt  }
0x57: {  	_ =	shalt  }
0x58: {  	_ =	shalt  }
0x59: {  	_ =	shalt  }
0x5a: {  	_ =	shalt  }
0x5b: {  	_ =	shalt  }
0x5c: {  	_ =	shalt  }
0x5d: {  	_ =	shalt  }
0x5e: {  	_ =	shalt  }
0x5f: {  	_ =	shalt  }
0x60: {  	_ =	shalt  }
0x61: {  	_ =	shalt  }
0x62: {  	_ =	shalt  }
0x63: {  	_ =	shalt  }
0x64: {  	_ =	shalt  }
0x65: {  	_ =	shalt  }
0x66: {  	_ =	shalt  }
0x67: {  	_ =	shalt  }
0x68: {  	_ =	shalt  }
0x69: {  	_ =	shalt  }
0x6a: {  	_ =	shalt  }
0x6b: {  	_ =	shalt  }
0x6c: {  	_ =	shalt  }
0x6d: {  	_ =	shalt  }
0x6e: {  	_ =	shalt  }
0x6f: {  	_ =	shalt  }
0x70: {  	_ =	shalt  }
0x71: {  	_ =	shalt  }
0x72: {  	_ =	shalt  }
0x73: {  	_ =	shalt  }
0x74: {  	_ =	shalt  }
0x75: {  	_ =	shalt  }
0x76: {  	_ =	shalt  }
0x77: {  	_ =	shalt  }
0x78: {  	_ =	shalt  }
0x79: {  	_ =	shalt  }
0x7a: {  	_ =	shalt  }
0x7b: {  	_ =	shalt  }
0x7c: {  	_ =	shalt  }
0x7d: {  	_ =	shalt  }
0x7e: {  	_ =	shalt  }
0x7f: {  	_ =	shalt  }
0x80: {  	_ =	shalt  }
0x81: {  	_ =	shalt  }
0x82: {  	_ =	shalt  }
0x83: {  	_ =	shalt  }
0x84: {  	_ =	shalt  }
0x85: {  	_ =	shalt  }
0x86: {  	_ =	shalt  }
0x87: {  	_ =	shalt  }
.Lfunc_end0:
.L_simem_size_0:
called_computation.1_lowered:
.L_overlay_start_0:
0x88: {  	s2 =	sld [smem:$0x3FD9]  }
0x89: {  	s3 =	sld [smem:$0x3FFE];
	_ =	sdelay $0x1  }
0x8a: {  	s1 =	srdreg.scid  }
0x8b: {  	s0 =	sand.u32 $0x1, s1  }
0x8c: {  	s17 =	sshll.u32 s0, $0xA;
	s2 =	sadd.s32 s3, s2  }
0x8d: {  	s2 =	sadd.s32 s2, s17  }
0x8e: {  	[smem:$0x3FBF] =	sst s2  }
0x8f: {  	_ = 	snop  }
0x90: {  	s18 =	sld [smem:$0x3FD0];
	(tm) =	ssettm $0x1  }
0x91: {  	s19 =	sld [smem:$0x3FFB];
	_ =	sdelay $0x3  }
0x92: {  	_ =	strace s19  }
0x93: {  	s2 =	sld [smem:$0x3FFC];
	_ =	sdelay $0x3  }
0x94: {  	_ =	strace s2  }
0x95: {  	s2 =	sld [smem:$0x3FFD];
	_ =	sdelay $0x3  }
0x96: {  	_ =	strace s2  }
0x97: {  	_ =	strace $0x8FFFFFFF  }
0x98: {  	s20 =	sld [smem:$0x3FDB];
	_ =	sdelay $0x1  }
0x99: {  	s4 =	simm.s32 $_scs_section_size  }
0x9a: {  	s5 =	simm.s32 $_size__tile_overlayer_lowered;
	s6 =	simm.s32 $_tile_overlayer_lowered  }
0x9b: {  	s7 =	simm.s32 $0x1BFF;
	s21 =	sshll.u32 s6, $0x1;
	s4 =	sadd.s32 s4, s20  }
0x9c: {  	s22 =	simm.s32 $0x0;
	s5 =	sshll.u32 s5, $0x1;
	s6 =	sadd.s32 s21, s4  }
0x9d: {  	[timem:s22], [sflag:s7] =	dma.local [hbm:s6], s5  }
0x9e: {  	_ =	swait.ge [sflag:s7], s5  }
0x9f: {  	s5 =	ssub.s32 $0x0, s5;
	[sflag:s7] =	ssyncset.done $0x0  }
0xa0: {  	[sflag:s7] =	ssyncadd.s32 s5;
	_ =	sdelay $0x1  }
0xa1: {  	s23 =	simm.s32 $0x1B8B  }
0xa2: {  	_ =	swait.ge [sflag:s23], $0x1  }
0xa3: {  	[sflag:s23] =	ssyncset.done $0x0  }
0xa4: {  	[sflag:s23] =	ssyncadd.s32 $0xFFFFFFFF  }
0xa5: {  	s5 =	sld [smem:$0x0]  }
0xa6: {  	s6 =	sand.u32 $0xFFFFFFFE, s1  }
0xa7: {  	p0 =	sne.s32 s1, s6  }
0xa8: {  	s6 =	sshll.u32 @p0 s6, $0xE  }
0xa9: {  	s6 =	sadd.s32 @p0 $0x11B8D, s6;
	s7 =	sshll.u32 @p0 s5, $0x11  }
0xaa: {  	s6 =	sor.u32 @p0 s7, s6  }
0xab: {  	[sflag:s6] =	ssyncadd.remote.s32 @p0 $0x1;
	_ =	sdelay $0x1  }
0xac: {  	s6 =	simm.s32 @p0 $0x1B8D  }
0xad: {  	_ =	swait.eq @p0 [sflag:s6], $0x1  }
0xae: {  	[sflag:s6] =	ssyncadd.s32 @p0 $0xFFFFFFFF  }
0xaf: {  	s7 =	sshll.u32 @!p0 s1, $0xE  }
0xb0: {  	s7 =	sor.u32 @!p0 $0x4000, s7;
	s6 =	simm.s32 @!p0 $0x1B8D  }
0xb1: {  	s5 =	sshll.u32 @!p0 s5, $0x11;
	s7 =	sadd.s32 @!p0 $0x11B8D, s7;
	_ =	swait.eq @!p0 [sflag:s6], $0x1  }
0xb2: {  	s5 =	sor.u32 @!p0 s5, s7;
	[sflag:s6] =	ssyncadd.s32 @!p0 $0xFFFFFFFF  }
0xb3: {  	s25 =	simm.s32 $0x1B8E;
	s24 =	sld [smem:$0x3FFE];
	[sflag:s5] =	ssyncadd.remote.s32 @!p0 $0x1  }
0xb4: {  	s26 =	simm.s32 $execute0_lowered;
	[smem:$0x3FD2] =	sst s25  }
0xb5: {  	s6 =	sshll.u32 s26, $0x1;
	_ =	strace $0x80000049;
	[dreg:$0x1] =	wrdreg $0xFFFFFFFF  }
0xb6: {  	s28 =	simm.s32 $_size_execute0_lowered;
	s4 =	sadd.s32 s4, s6;
	[dreg:$0x0] =	wrdreg $0x0  }
0xb7: {  	s6 =	sshll.u32 s28, $0x1;
	[dreg:$0x2] =	wrdreg s4  }
0xb8: {  	[dreg:$0x3] =	wrdreg s6  }
0xb9: {  	[dreg:$0x4] =	wrdreg $0xC0  }
0xba: {  	_ =	task [dreg:s22], $0x5FFFF  }
0xbb: {  	[dreg:$0x1] =	wrdreg $0xFFFFFFFF  }
0xbc: {  	[dreg:$0x0] =	wrdreg $0x60  }
0xbd: {  	[dreg:$0x2] =	wrdreg s18  }
0xbe: {  	[dreg:$0x3] =	wrdreg s24  }
0xbf: {  	[dreg:$0x4] =	wrdreg $0xA  }
0xc0: {  	_ =	task.clear_ibuf [dreg:s22], $0x5FFFF;
	_ =	strace $0x90000049  }
0xc1: {  	s29 =	simm.s32 $0xA;
	_ =	strace $0x8000004B  }
0xc2: {  	_ =	swait.ge [sflag:s29], $0x1  }
0xc3: {  	[sflag:s29] =	ssyncadd.s32 $0xFFFFFFFF  }
0xc4: {  	_ =	strace $0x9000004B  }
0xc5: {  	_ =	sfence  }
0xc6: {  	s30 =	sld [smem:$0x0];
	_ =	sdelay $0x2  }
0xc7: {  	s31 =	sshll.u32 s1, $0xD;
	s1 =	sshrl.u32 s1, $0x2  }
0xc8: {  	s4 =	sand.u32 $0x4000, s31;
	s1 =	sadd.s32 s1, s30  }
0xc9: {  	s0 =	sor.u32 s4, s0;
	s1 =	sshll.u32 s1, $0x11  }
0xca: {  	s0 =	sor.u32 s1, s0  }
0xcb: {  	s0 =	sadd.s32 $0x8F2B, s0  }
0xcc: {  	[sflag:s0] =	ssyncadd.remote.s32 $0x1  }
0xcd: {  	_ =	sfence.sel $0xFFFF  }
0xce: {  	[dreg:$0x0] =	wrdreg $0xFFFFFFFF;
	(pc) =	sbr.abs _section_cstart, $3  }
0xcf: {  	[dreg:$0x1] =	wrdreg $0xFFFFFFFF  }
0xd0: {  	_ =	task.clear_ibuf [dreg:s22], $0x2FFFF;
	_ =	strace $0x9FFFFFFF  }
0xd1: {  	(tm) =	ssettm $0x7FFFFFFF  }
tec
execute0_lowered:
.L_overlay_start_1:
0x0: {  	(tag) =	ssettag $0x1  }
0x1: {  	s1 =	srdreg.scid  }
0x2: {  	s0 =	stileid.u32;
	s3 =	rddreg [dreg:$0x0]  }
0x3: {  	s5 =	rddreg [dreg:$0x1];
	s4 =	sand.u32 $0x1, s1;
	s31 =	sshll.u32 s0, $0x1  }
0x4: {  	s2 =	simm.s32 $0x0;
	s6 =	sor.u32 s4, s31;
	s4 =	ssub.s32 $0x2, s4  }
0x5: {  	[smem:$0x7FF] =	sst s2;
	s6 =	smul.u32 $0x1800, s6;
	s7 =	sshrl.u32 s4, $0x1  }
0x6: {  	s1 =	rddreg [dreg:$0x2];
	_ =	strace $0x8000004A;
	s7 =	ssub.s32 s4, s7  }
0x7: {  	s5 =	sadd.s32 s6, s5;
	s3 =	sadd.s32 s3, s6;
	s6 =	simm.s32 $0x1  }
0x8: {  	v0 =	vimm.s32 $0x0;
	s4 =	sadd.s32 $0xE00, s5;
	s5 =	smax.u32 s7, $0x1;
	s7 =	simm.s32 $0x0  }
.LBB2_1:
0x9: {  	[tilespmem:s2], [sflag:$0x1] =	stream.linear.gather [hbm4b:s3+s2], $0xC000, $0x38;
	[tilespmem:$0xC000] =	vst v63  }
0xa: {  	_ =	swait.ge [sflag:s6], $0xC000  }
0xb: {  	s8 =	simm.s32 $0x0;
	[sflag:s6] =	ssyncset.done $0x0  }
0xc: {  	s9 =	simm.s32 $0x0;
	s10 =	simm.s32 $0x0;
	[sflag:s6] =	ssyncadd.s32 $0xFFFF4000  }
.LBB2_2:
0xd: {  	s11 =	sand.u32 $0x70, s10;
	s12 =	sand.u32 $0x3C00, s9  }
0xe: {  	s11 =	sor.u32 s11, s12  }
0xf: {  	v8 =	vld [tilespmem:s11+$0x0]  }
0x10: {  	v5 =	vld [tilespmem:s11+$0x80];
	_ =	sdelay $0x1  }
0x11: {  	v4 =	vld [tilespmem:s11+$0x100]  }
0x12: {  	v3 =	vld [tilespmem:s11+$0x180];
	_ =	sdelay $0x1  }
0x13: {  	v1 =	vld [tilespmem:s11+$0x200];
	v2 =	vmin.f32 v8, $-Inf;
	v7 =	vmin.f32 v8, v5  }
0x14: {  	v6 =	vmax.f32 v8, v5;
	v9 =	vmax.f32 v2, v7;
	v7 =	vmin.f32 v2, v7  }
0x15: {  	v10 =	vmin.f32 v6, v4;
	v6 =	vmax.f32 v6, v4;
	v7 =	vmax.f32 v2, v7  }
0x16: {  	v11 =	vmin.f32 v9, v10;
	v9 =	vmax.f32 v9, v10;
	v12 =	vmin.f32 v6, v3  }
0x17: {  	v6 =	vmax.f32 v6, v3;
	v36 =	vmin.f32 v7, v11;
	v11 =	vmax.f32 v7, v11  }
0x18: {  	v2 =	vld [tilespmem:s11+$0x280];
	v37 =	vmin.f32 v9, v12;
	v9 =	vmax.f32 v9, v12;
	v13 =	vmin.f32 v6, v1  }
0x19: {  	v14 =	vmax.f32 v6, v1;
	v7 =	vmax.f32 v7, v36;
	v38 =	vmin.f32 v11, v37  }
0x1a: {  	v6 =	vld [tilespmem:s11+$0x300];
	v10 =	vmax.f32 v11, v37;
	v40 =	vmin.f32 v9, v13;
	v9 =	vmax.f32 v9, v13  }
0x1b: {  	v39 =	vmin.f32 v7, v38;
	v12 =	vmax.f32 v7, v38;
	v41 =	vmin.f32 v10, v40  }
0x1c: {  	v10 =	vmax.f32 v10, v40;
	v7 =	vmax.f32 v7, v39;
	v42 =	vmin.f32 v12, v41  }
0x1d: {  	s31 =	sand.u32 $0x7, s8;
	v12 =	vmax.f32 v12, v41;
	v15 =	vmin.f32 v14, v2;
	v43 =	vmin.f32 v7, v42  }
0x1e: {  	s12 =	sshll.u32 s31, $0x4;
	v11 =	vmax.f32 v7, v42;
	v14 =	vmax.f32 v14, v2;
	v16 =	vmin.f32 v9, v15  }
0x1f: {  	s12 =	sadd.s32 s12, s9;
	v13 =	vmax.f32 v7, v43;
	v9 =	vmax.f32 v9, v15;
	v47 =	vmin.f32 v14, v6  }
0x20: {  	s12 =	sor.u32 $0x380, s12;
	v14 =	vmax.f32 v14, v6;
	v17 =	vmin.f32 v10, v16;
	v10 =	vmax.f32 v10, v16  }
0x21: {  	v7 =	vld [tilespmem:s12+$0x0];
	v48 =	vmin.f32 v9, v47;
	v44 =	vmin.f32 v12, v17;
	v12 =	vmax.f32 v12, v17  }
0x22: {  	v17 =	vmax.f32 v9, v47;
	v49 =	vmin.f32 v10, v48;
	v10 =	vmax.f32 v10, v48  }
0x23: {  	v45 =	vmin.f32 v11, v44;
	v11 =	vmax.f32 v11, v44;
	v50 =	vmax.f32 v12, v49  }
0x24: {  	v9 =	vmin.f32 v12, v49;
	v46 =	vmin.f32 v13, v45;
	v16 =	vmax.f32 v13, v45  }
0x25: {  	v12 =	vmax.f32 v11, v9;
	v11 =	vmin.f32 v11, v9;
	v13 =	vmax.f32 v13, v46  }
0x26: {  	v9 =	vld [tilespmem:s11+$0x4000];
	v18 =	vmin.f32 v14, v7;
	v19 =	vmax.f32 v16, v11;
	v11 =	vmin.f32 v16, v11  }
0x27: {  	v52 =	vmax.f32 v14, v7;
	v51 =	vmin.f32 v17, v18;
	v20 =	vmax.f32 v13, v11  }
0x28: {  	v11 =	vmin.f32 v13, v11;
	v17 =	vmax.f32 v17, v18;
	v21 =	vmin.f32 v10, v51  }
0x29: {  	v11 =	vmax.f32 v13, v11;
	v16 =	vmax.f32 v10, v51;
	v53 =	vmin.f32 v50, v21  }
0x2a: {  	v10 =	vld [tilespmem:s11+$0x4080];
	v15 =	vmax.f32 v50, v21;
	v54 =	vmin.f32 v12, v53;
	v12 =	vmax.f32 v12, v53  }
0x2b: {  	v57 =	vmin.f32 v52, v9;
	v13 =	vmax.f32 v52, v9;
	v55 =	vmin.f32 v19, v54  }
0x2c: {  	v18 =	vmax.f32 v19, v54;
	v58 =	vmin.f32 v17, v57;
	v17 =	vmax.f32 v17, v57  }
0x2d: {  	v56 =	vmin.f32 v20, v55;
	v14 =	vmax.f32 v20, v55;
	v59 =	vmin.f32 v16, v58  }
0x2e: {  	v16 =	vmax.f32 v16, v58;
	v19 =	vmax.f32 v11, v56;
	v60 =	vmax.f32 v15, v59  }
0x2f: {  	v61 =	vmin.f32 v15, v59;
	v62 =	vmin.f32 v13, v10;
	v13 =	vmax.f32 v13, v10  }
0x30: {  	v11 =	vld [tilespmem:s11+$0x4100];
	v15 =	vmax.f32 v12, v61;
	v12 =	vmin.f32 v12, v61;
	v63 =	vmin.f32 v17, v62  }
0x31: {  	v17 =	vmax.f32 v17, v62;
	v22 =	vmax.f32 v18, v12;
	v12 =	vmin.f32 v18, v12  }
0x32: {  	v28 =	vmin.f32 v16, v63;
	v16 =	vmax.f32 v16, v63;
	v23 =	vmax.f32 v14, v12  }
0x33: {  	v12 =	vmin.f32 v14, v12;
	v24 =	vmin.f32 v60, v28;
	v14 =	vmax.f32 v60, v28  }
0x34: {  	v19 =	vmax.f32 v19, v12;
	v29 =	vmin.f32 v15, v24;
	v15 =	vmax.f32 v15, v24  }
0x35: {  	v12 =	vld [tilespmem:s11+$0x4180];
	v30 =	vmin.f32 v22, v29;
	v18 =	vmax.f32 v22, v29;
	v32 =	vmin.f32 v13, v11  }
0x36: {  	v13 =	vmax.f32 v13, v11;
	v31 =	vmin.f32 v23, v30;
	v33 =	vmin.f32 v17, v32  }
0x37: {  	v20 =	vmax.f32 v23, v30;
	v17 =	vmax.f32 v17, v32;
	v34 =	vmin.f32 v16, v33  }
0x38: {  	v19 =	vmax.f32 v19, v31;
	v35 =	vmax.f32 v14, v34;
	v14 =	vmin.f32 v14, v34  }
0x39: {  	v16 =	vmax.f32 v16, v33;
	v22 =	vmax.f32 v15, v14;
	v15 =	vmin.f32 v15, v14  }
0x3a: {  	v36 =	vmin.f32 v13, v12;
	v14 =	vld [tilespmem:s11+$0x4200];
	v40 =	vmax.f32 v13, v12;
	v37 =	vmax.f32 v18, v15  }
0x3b: {  	v15 =	vmin.f32 v18, v15;
	v38 =	vmin.f32 v17, v36;
	v17 =	vmax.f32 v17, v36  }
0x3c: {  	v13 =	vld [tilespmem:s11+$0x4280];
	v25 =	vmax.f32 v20, v15;
	v15 =	vmin.f32 v20, v15;
	v39 =	vmin.f32 v16, v38  }
0x3d: {  	v16 =	vmax.f32 v16, v38;
	v15 =	vmax.f32 v19, v15;
	v26 =	vmin.f32 v35, v39  }
0x3e: {  	v20 =	vmax.f32 v35, v39;
	v41 =	vmin.f32 v22, v26;
	v42 =	vmax.f32 v22, v26  }
0x3f: {  	v43 =	vmin.f32 v37, v41;
	v18 =	vmax.f32 v37, v41;
	v45 =	vmin.f32 v40, v14  }
0x40: {  	v19 =	vmax.f32 v40, v14;
	v44 =	vmin.f32 v25, v43;
	v22 =	vmax.f32 v25, v43  }
0x41: {  	v46 =	vmin.f32 v17, v45;
	v17 =	vmax.f32 v17, v45;
	v50 =	vmin.f32 v19, v13  }
0x42: {  	v19 =	vmax.f32 v19, v13;
	v23 =	vmax.f32 v15, v44;
	v47 =	vmin.f32 v16, v46  }
0x43: {  	v16 =	vmax.f32 v16, v46;
	v52 =	vmin.f32 v17, v50;
	v17 =	vmax.f32 v17, v50  }
0x44: {  	v15 =	vld [tilespmem:s11+$0x4300];
	v48 =	vmax.f32 v20, v47;
	v49 =	vmin.f32 v20, v47;
	v53 =	vmin.f32 v16, v52  }
0x45: {  	v20 =	vmax.f32 v42, v49;
	v21 =	vmin.f32 v42, v49;
	v54 =	vmin.f32 v48, v53  }
0x46: {  	v51 =	vmax.f32 v18, v21;
	v18 =	vmin.f32 v18, v21;
	v21 =	vmax.f32 v16, v52  }
0x47: {  	v55 =	vmin.f32 v20, v54;
	v20 =	vmax.f32 v20, v54;
	v27 =	vmax.f32 v22, v18  }
0x48: {  	v16 =	vld [tilespmem:s11+$0x4380];
	v18 =	vmin.f32 v22, v18;
	v22 =	vmax.f32 v48, v53;
	v56 =	vmin.f32 v51, v55  }
0x49: {  	v24 =	vmax.f32 v51, v55;
	v18 =	vmax.f32 v23, v18;
	v58 =	vmin.f32 v19, v15  }
0x4a: {  	v57 =	vmin.f32 v27, v56;
	v23 =	vmax.f32 v27, v56;
	v59 =	vmin.f32 v17, v58  }
0x4b: {  	v19 =	vmax.f32 v19, v15;
	v18 =	vmax.f32 v18, v57;
	v60 =	vmin.f32 v21, v59  }
0x4c: {  	v26 =	vmax.f32 v17, v58;
	v21 =	vmax.f32 v21, v59;
	v61 =	vmax.f32 v22, v60  }
0x4d: {  	v17 =	vmin.f32 v22, v60;
	v62 =	vmin.f32 v19, v16;
	v19 =	vmax.f32 v19, v16  }
0x4e: {  	v22 =	vmax.f32 v20, v17;
	v20 =	vmin.f32 v20, v17;
	v17 =	vld [tilespmem:s11+$0x8000];
	v63 =	vmin.f32 v26, v62  }
0x4f: {  	v26 =	vmax.f32 v26, v62;
	v28 =	vmax.f32 v24, v20;
	v20 =	vmin.f32 v24, v20  }
0x50: {  	v33 =	vmin.f32 v21, v63;
	v21 =	vmax.f32 v21, v63;
	v29 =	vmax.f32 v23, v20  }
0x51: {  	v20 =	vmin.f32 v23, v20;
	v30 =	vmin.f32 v61, v33;
	v23 =	vmax.f32 v61, v33  }
0x52: {  	v20 =	vmax.f32 v18, v20;
	v34 =	vmin.f32 v22, v30;
	v18 =	vld [tilespmem:s11+$0x8080];
	v22 =	vmax.f32 v22, v30  }
0x53: {  	v35 =	vmin.f32 v28, v34;
	v24 =	vmax.f32 v28, v34;
	v37 =	vmin.f32 v19, v17  }
0x54: {  	v36 =	vmin.f32 v29, v35;
	v25 =	vmax.f32 v29, v35;
	v38 =	vmin.f32 v26, v37  }
0x55: {  	v19 =	vmax.f32 v19, v17;
	v27 =	vmax.f32 v20, v36;
	v39 =	vmin.f32 v21, v38  }
0x56: {  	v26 =	vmax.f32 v26, v37;
	v21 =	vmax.f32 v21, v38;
	v40 =	vmax.f32 v23, v39  }
0x57: {  	v20 =	vld [tilespmem:s11+$0x8100];
	v41 =	vmin.f32 v23, v39;
	v42 =	vmin.f32 v19, v18;
	v46 =	vmax.f32 v19, v18  }
0x58: {  	v23 =	vmax.f32 v22, v41;
	v22 =	vmin.f32 v22, v41;
	v44 =	vmin.f32 v26, v42  }
0x59: {  	v26 =	vmax.f32 v26, v42;
	v43 =	vmax.f32 v24, v22;
	v22 =	vmin.f32 v24, v22  }
0x5a: {  	v19 =	vld [tilespmem:s11+$0x8180];
	v45 =	vmin.f32 v21, v44;
	v21 =	vmax.f32 v21, v44;
	v31 =	vmax.f32 v25, v22  }
0x5b: {  	v22 =	vmin.f32 v25, v22;
	v32 =	vmin.f32 v40, v45;
	v25 =	vmax.f32 v40, v45  }
0x5c: {  	v50 =	vmin.f32 v46, v20;
	v22 =	vmax.f32 v27, v22;
	v47 =	vmin.f32 v23, v32  }
0x5d: {  	v23 =	vmax.f32 v23, v32;
	v51 =	vmin.f32 v26, v50;
	v27 =	vmax.f32 v46, v20  }
0x5e: {  	v26 =	vmax.f32 v26, v50;
	v48 =	vmin.f32 v43, v47;
	v24 =	vmax.f32 v43, v47  }
0x5f: {  	v52 =	vmin.f32 v21, v51;
	v29 =	vmax.f32 v21, v51;
	v55 =	vmin.f32 v27, v19  }
0x60: {  	v27 =	vmax.f32 v27, v19;
	v49 =	vmin.f32 v31, v48;
	v28 =	vmax.f32 v31, v48  }
0x61: {  	v53 =	vmax.f32 v25, v52;
	v54 =	vmin.f32 v25, v52;
	v57 =	vmin.f32 v26, v55  }
0x62: {  	v22 =	vmax.f32 v22, v49;
	v25 =	vmax.f32 v23, v54;
	v21 =	vmin.f32 v23, v54  }
0x63: {  	v58 =	vmin.f32 v29, v57;
	v56 =	vmax.f32 v24, v21;
	v24 =	vmin.f32 v24, v21  }
0x64: {  	v23 =	vmax.f32 v26, v55;
	v21 =	vld [tilespmem:s11+$0x8200];
	v33 =	vmax.f32 v28, v24;
	v24 =	vmin.f32 v28, v24  }
0x65: {  	v29 =	vmax.f32 v29, v57;
	v59 =	vmin.f32 v53, v58;
	v24 =	vmax.f32 v22, v24;
	v22 =	vld [tilespmem:s11+$0x8280]  }
0x66: {  	v28 =	vmax.f32 v53, v58;
	v60 =	vmin.f32 v25, v59;
	v25 =	vmax.f32 v25, v59  }
0x67: {  	v58 =	vimm.s32 $0x0;
	v61 =	vmin.f32 v56, v60;
	v30 =	vmax.f32 v56, v60  }
0x68: {  	v56 =	vimm.s32 $0x0;
	v62 =	vmax.f32 v33, v61;
	v26 =	vmin.f32 v33, v61  }
0x69: {  	v24 =	vmax.f32 v24, v26;
	v63 =	vmax.f32 v27, v21;
	v27 =	vmin.f32 v27, v21  }
0x6a: {  	v36 =	vmax.f32 v23, v27;
	v23 =	vmin.f32 v23, v27;
	v26 =	vmin.f32 v63, v22  }
0x6b: {  	v27 =	vmax.f32 v29, v23;
	v23 =	vmin.f32 v29, v23;
	v26 =	vmin.f32 v36, v26  }
0x6c: {  	v29 =	vmax.f32 v28, v23;
	v23 =	vmin.f32 v28, v23;
	v26 =	vmin.f32 v27, v26  }
0x6d: {  	v37 =	vmax.f32 v25, v23;
	v23 =	vmin.f32 v25, v23;
	v38 =	vmin.f32 v29, v26  }
0x6e: {  	v39 =	vmax.f32 v30, v23;
	v23 =	vmin.f32 v30, v23;
	v25 =	vmin.f32 v37, v38  }
0x6f: {  	v40 =	vmax.f32 v62, v23;
	v23 =	vmin.f32 v62, v23;
	v25 =	vmin.f32 v39, v25  }
0x70: {  	v60 =	vimm.s32 $0x0;
	v23 =	vmax.f32 v24, v23;
	v41 =	vmin.f32 v40, v25  }
0x71: {  	v28 =	vimm.s32 $0x0;
	v62 =	vimm.s32 $0x0;
	v23 =	vmax.f32 v23, v41  }
0x72: {  	vm1 =	vgt.f32 v8, v23;
	vm2 =	vgt.f32 v5, v23;
	vm4 =	vgt.f32 v4, v23  }
0x73: {  	vm3 =	vgt.f32 v3, v23;
	vm5 =	vgt.f32 v1, v23;
	vm15 =	vgt.f32 v2, v23  }
0x74: {  	vm6 =	vgt.f32 v6, v23;
	vm14 =	vgt.f32 v7, v23;
	vm12 =	vgt.f32 v9, v23  }
0x75: {  	vm13 =	vgt.f32 v10, v23;
	vm11 =	vgt.f32 v11, v23;
	vm9 =	vgt.f32 v12, v23  }
0x76: {  	vm10 =	vgt.f32 v14, v23;
	v42 =	vsel vm1, $0x1, v0;
	v43 =	vsel vm2, $0x1, v0  }
0x77: {  	vm8 =	vgt.f32 v13, v23;
	v44 =	vsel vm4, $0x1, v0;
	v24 =	vadd.s32 v43, v42  }
0x78: {  	vm0 =	vgt.f32 v15, v23;
	v45 =	vsel vm3, $0x1, v0;
	v24 =	vadd.s32 v44, v24  }
0x79: {  	vm7 =	vgt.f32 v16, v23;
	v46 =	vsel vm5, $0x1, v0;
	v24 =	vadd.s32 v45, v24  }
0x7a: {  	v47 =	vsel vm15, $0x1, v0;
	v48 =	vsel vm6, $0x1, v0;
	v24 =	vadd.s32 v46, v24  }
0x7b: {  	v49 =	vsel vm14, $0x1, v0;
	v50 =	vsel vm12, $0x1, v0;
	v24 =	vadd.s32 v47, v24  }
0x7c: {  	v51 =	vsel vm13, $0x1, v0;
	v52 =	vsel vm11, $0x1, v0;
	v24 =	vadd.s32 v48, v24  }
0x7d: {  	v53 =	vsel vm9, $0x1, v0;
	v54 =	vsel vm10, $0x1, v0;
	v24 =	vadd.s32 v49, v24  }
0x7e: {  	v26 =	vsel vm0, $0xFFFFFFFF, v56;
	v59 =	vsel vm7, $0x1, v0;
	v24 =	vadd.s32 v50, v24  }
0x7f: {  	[tilespmem:$0x1FF80] =	vst v26;
	v26 =	vsel vm7, $0xFFFFFFFF, v58;
	vm7 =	vgt.f32 v17, v23;
	v24 =	vadd.s32 v51, v24  }
0x80: {  	v55 =	vsel vm8, $0x1, v0;
	[tilespmem:$0x1FF90] =	vst v26;
	v26 =	vsel vm7, $0xFFFFFFFF, v60;
	v24 =	vadd.s32 v52, v24  }
0x81: {  	v61 =	vsel vm7, $0x1, v0;
	vm7 =	vgt.f32 v18, v23;
	v24 =	vadd.s32 v53, v24  }
0x82: {  	v57 =	vsel vm0, $0x1, v0;
	[tilespmem:$0x1FFA0] =	vst v26;
	v26 =	vsel vm7, $0xFFFFFFFF, v62;
	v24 =	vadd.s32 v54, v24  }
0x83: {  	v63 =	vsel vm7, $0x1, v0;
	vm7 =	vgt.f32 v20, v23;
	v24 =	vadd.s32 v55, v24  }
0x84: {  	v30 =	vimm.s32 $0x0;
	[tilespmem:$0x1FFB0] =	vst v26;
	v26 =	vsel vm7, $0xFFFFFFFF, v28;
	v24 =	vadd.s32 v57, v24  }
0x85: {  	v29 =	vsel vm7, $0x1, v0;
	vm7 =	vgt.f32 v19, v23;
	v24 =	vadd.s32 v59, v24  }
0x86: {  	v32 =	vimm.s32 $0x0;
	[tilespmem:$0x1FFC0] =	vst v26;
	v26 =	vsel vm7, $0xFFFFFFFF, v30;
	v24 =	vadd.s32 v61, v24  }
0x87: {  	v31 =	vsel vm7, $0x1, v0;
	vm7 =	vgt.f32 v21, v23;
	v24 =	vadd.s32 v63, v24  }
0x88: {  	[tilespmem:$0x1FFD0] =	vst v26;
	v26 =	vsel vm7, $0xFFFFFFFF, v32;
	v24 =	vadd.s32 v29, v24  }
0x89: {  	v33 =	vsel vm7, $0x1, v0;
	vm7 =	vgt.f32 v22, v23;
	v24 =	vadd.s32 v31, v24  }
0x8a: {  	v35 =	vsel vm7, $0x1, v0;
	v24 =	vadd.s32 v33, v24  }
0x8b: {  	v34 =	vimm.s32 $0x0;
	v24 =	vadd.s32 v35, v24  }
0x8c: {  	vm0 =	veq.f32 v8, v23;
	[tilespmem:$0x1FFE0] =	vst v26;
	v26 =	vsel vm7, $0xFFFFFFFF, v34;
	vm7 =	vlt.u32 v24, $0x8  }
0x8d: {  	v36 =	vsel vm0, $0x1, v0;
	vm7 =	vmand vm0, vm7;
	vm0 =	veq.f32 v5, v23  }
0x8e: {  	v24 =	vadd.s32 v36, v24;
	vm1 =	vmor vm1, vm7;
	v37 =	vsel vm0, $0x1, v0  }
0x8f: {  	vm7 =	veq.f32 v4, v23;
	v8 =	vnsel vm1, $0x0, v8;
	vm1 =	vlt.u32 v24, $0x8  }
0x90: {  	v24 =	vadd.s32 v37, v24;
	v38 =	vsel vm7, $0x1, v0;
	vm0 =	vmand vm0, vm1  }
0x91: {  	v25 =	vadd.s32 v38, v24;
	vm1 =	vlt.u32 v24, $0x8;
	vm0 =	vmor vm2, vm0  }
0x92: {  	vm1 =	vmand vm7, vm1;
	vm2 =	veq.f32 v3, v23;
	vm7 =	vlt.u32 v25, $0x8  }
0x93: {  	v5 =	vnsel vm0, $0x0, v5;
	vm4 =	vmor vm4, vm1;
	vm7 =	vmand vm2, vm7  }
0x94: {  	v39 =	vsel vm2, $0x1, v0;
	vm0 =	veq.f32 v1, v23;
	vm2 =	veq.f32 v6, v23  }
0x95: {  	v4 =	vnsel vm4, $0x0, v4;
	vm4 =	vmor vm3, vm7;
	v24 =	vadd.s32 v39, v25  }
0x96: {  	v40 =	vsel vm0, $0x1, v0;
	v3 =	vnsel vm4, $0x0, v3;
	vm7 =	vlt.u32 v24, $0x8  }
0x97: {  	vm4 =	veq.f32 v2, v23;
	v24 =	vadd.s32 v40, v24;
	vm0 =	vmand vm0, vm7  }
0x98: {  	v41 =	vsel vm4, $0x1, v0;
	vm0 =	vmor vm5, vm0;
	vm5 =	vlt.u32 v24, $0x8  }
0x99: {  	v42 =	vsel vm2, $0x1, v0;
	v25 =	vadd.s32 v41, v24;
	vm1 =	vmand vm4, vm5  }
0x9a: {  	vm7 =	vlt.u32 v25, $0x8;
	v1 =	vnsel vm0, $0x0, v1;
	v24 =	vadd.s32 v42, v25  }
0x9b: {  	vm4 =	vmor vm15, vm1;
	vm5 =	vmand vm2, vm7;
	vm15 =	veq.f32 v7, v23  }
0x9c: {  	v2 =	vnsel vm4, $0x0, v2;
	vm7 =	vmor vm6, vm5;
	v43 =	vsel vm15, $0x1, v0  }
0x9d: {  	vm4 =	vlt.u32 v24, $0x8;
	vm5 =	veq.f32 v9, v23;
	v6 =	vnsel vm7, $0x0, v6  }
0x9e: {  	vm0 =	vmand vm15, vm4;
	v24 =	vadd.s32 v43, v24;
	v44 =	vsel vm5, $0x1, v0  }
0x9f: {  	vm7 =	veq.f32 v10, v23;
	vm0 =	vmor vm14, vm0;
	vm6 =	vlt.u32 v24, $0x8  }
0xa0: {  	v25 =	vadd.s32 v44, v24;
	v45 =	vsel vm7, $0x1, v0;
	vm1 =	vmand vm5, vm6  }
0xa1: {  	vm14 =	vlt.u32 v25, $0x8;
	v7 =	vnsel vm0, $0x0, v7;
	v24 =	vadd.s32 v45, v25  }
0xa2: {  	v53 =	vld [tilespmem:$0x1FF80];
	vm6 =	veq.f32 v11, v23;
	vm15 =	vmor vm12, vm1;
	vm4 =	vmand vm7, vm14  }
0xa3: {  	vm7 =	vlt.u32 v24, $0x8;
	v46 =	vsel vm6, $0x1, v0;
	vm12 =	veq.f32 v12, v23  }
0xa4: {  	vm14 =	veq.f32 v14, v23;
	v9 =	vnsel vm15, $0x0, v9;
	vm5 =	vmor vm13, vm4  }
0xa5: {  	vm0 =	vmand vm6, vm7;
	v24 =	vadd.s32 v46, v24;
	v47 =	vsel vm12, $0x1, v0  }
0xa6: {  	v48 =	vsel vm14, $0x1, v0;
	v10 =	vnsel vm5, $0x0, v10;
	vm0 =	vmor vm11, vm0  }
0xa7: {  	[tilespmem:s11+$0x280] =	vst v2;
	v2 =	vld [tilespmem:$0x1FF90];
	vm13 =	vlt.u32 v24, $0x8;
	v24 =	vadd.s32 v47, v24;
	vm5 =	vnez.u8 v53  }
0xa8: {  	vm1 =	vmand vm12, vm13;
	vm15 =	vlt.u32 v24, $0x8;
	v11 =	vnsel vm0, $0x0, v11  }
0xa9: {  	v57 =	vld [tilespmem:$0x1FFA0];
	v24 =	vadd.s32 v48, v24;
	vm12 =	veq.f32 v15, v23;
	vm6 =	vmor vm9, vm1  }
0xaa: {  	vm7 =	vmand vm14, vm15;
	vm11 =	vlt.u32 v24, $0x8;
	v51 =	vsel vm12, $0x1, v0  }
0xab: {  	vm14 =	veq.f32 v16, v23;
	v12 =	vnsel vm6, $0x0, v12;
	vm9 =	vmor vm10, vm7  }
0xac: {  	vm10 =	veq.f32 v13, v23;
	vm7 =	vnez.u8 v2;
	v2 =	vsel vm14, $0x1, v0  }
0xad: {  	v14 =	vnsel vm9, $0x0, v14;
	v49 =	vsel vm10, $0x1, v0;
	vm0 =	vmand vm10, vm11  }
0xae: {  	v59 =	vld [tilespmem:$0x1FFB0];
	vm10 =	veq.f32 v18, v23;
	vm11 =	vnez.u8 v57;
	v50 =	vadd.s32 v49, v24  }
0xaf: {  	v61 =	vld [tilespmem:$0x1FFC0];
	vm0 =	vmor vm8, vm0;
	vm8 =	veq.f32 v17, v23;
	v56 =	vsel vm10, $0x1, v0  }
0xb0: {  	[tilespmem:s11+$0x180] =	vst v3;
	vm13 =	vlt.u32 v50, $0x8;
	v52 =	vadd.s32 v51, v50;
	v3 =	vnsel vm0, $0x0, v13  }
0xb1: {  	[tilespmem:$0x1FFF0] =	vst v26;
	v55 =	vsel vm8, $0x1, v0;
	vm1 =	vmand vm12, vm13;
	vm15 =	vlt.u32 v52, $0x8  }
0xb2: {  	[tilespmem:s11+$0x0] =	vst v8;
	v2 =	vadd.s32 v2, v52;
	vm13 =	veq.f32 v20, v23;
	vm0 =	vmor vm5, vm1  }
0xb3: {  	[tilespmem:s11+$0x80] =	vst v5;
	vm6 =	vmand vm14, vm15;
	vm9 =	vlt.u32 v2, $0x8;
	v2 =	vadd.s32 v55, v2  }
0xb4: {  	[tilespmem:s11+$0x100] =	vst v4;
	vm15 =	vnez.u8 v59;
	vm5 =	vnez.u8 v61;
	v62 =	vsel vm13, $0x1, v0  }
0xb5: {  	[tilespmem:s11+$0x200] =	vst v1;
	v1 =	vnsel vm0, $0x0, v15;
	vm0 =	vmor vm7, vm6;
	vm12 =	vlt.u32 v2, $0x8  }
0xb6: {  	[tilespmem:s11+$0x300] =	vst v6;
	v2 =	vadd.s32 v56, v2;
	vm6 =	veq.f32 v19, v23;
	v54 =	vnsel vm0, $0x0, v16  }
0xb7: {  	[tilespmem:s12+$0x0] =	vst v7;
	vm0 =	vmand vm8, vm9;
	vm1 =	vmand vm10, vm12;
	vm14 =	vlt.u32 v2, $0x8  }
0xb8: {  	v2 =	vadd.s32 v62, v2;
	[tilespmem:s11+$0x4300] =	vst v1;
	v1 =	vsel vm6, $0x1, v0;
	vm8 =	veq.f32 v21, v23  }
0xb9: {  	[tilespmem:s11+$0x4000] =	vst v9;
	vm0 =	vmor vm11, vm0;
	vm4 =	vmand vm13, vm14;
	vm7 =	vlt.u32 v2, $0x8  }
0xba: {  	v63 =	vld [tilespmem:$0x1FFD0];
	[tilespmem:s11+$0x4080] =	vst v10;
	v1 =	vadd.s32 v1, v2;
	v58 =	vnsel vm0, $0x0, v17;
	vm0 =	vmor vm15, vm1  }
0xbb: {  	[tilespmem:s11+$0x4100] =	vst v11;
	v2 =	vsel vm8, $0x1, v0;
	v60 =	vnsel vm0, $0x0, v18;
	vm0 =	vmor vm5, vm4  }
0xbc: {  	[tilespmem:s11+$0x4280] =	vst v3;
	vm10 =	vlt.u32 v1, $0x8;
	v1 =	vadd.s32 v2, v1;
	v2 =	vld [tilespmem:$0x1FFE0];
	v3 =	vnsel vm0, $0x0, v20  }
0xbd: {  	[tilespmem:s11+$0x8100] =	vst v3;
	v3 =	vld [tilespmem:$0x1FFF0]  }
0xbe: {  	[tilespmem:s11+$0x4180] =	vst v12  }
0xbf: {  	[tilespmem:s11+$0x4200] =	vst v14;
	vm9 =	vnez.u8 v63;
	vm11 =	veq.f32 v22, v23  }
0xc0: {  	p0 =	sne.s32 s10, $0x7F0;
	[tilespmem:s11+$0x4380] =	vst v54;
	vm1 =	vmand vm8, vm10;
	vm12 =	vlt.u32 v1, $0x8;
	vm0 =	vmand vm6, vm7  }
.Ltmp0:
0xc1: {  	[tilespmem:s11+$0x8000] =	vst v58;
	vm14 =	vmand vm11, vm12;
	vm0 =	vmor vm9, vm0;
	vm13 =	vnez.u8 v2;
	(pc) =	sbr.rel @p0 .LBB2_2-.Ltmp0, $4  }
0xc2: {  	[tilespmem:s11+$0x8080] =	vst v60;
	v1 =	vnsel vm0, $0x0, v19;
	vm0 =	vmor vm13, vm1;
	vm15 =	vnez.u8 v3  }
0xc3: {  	[tilespmem:s11+$0x8180] =	vst v1;
	v2 =	vnsel vm0, $0x0, v21;
	vm0 =	vmor vm15, vm14  }
0xc4: {  	[tilespmem:s11+$0x8200] =	vst v2;
	v1 =	vnsel vm0, $0x0, v22  }
0xc5: {  	s8 =	sadd.s32 $0x1, s8;
	s10 =	sadd.s32 $0x10, s10;
	s9 =	sadd.s32 $0x80, s9;
	[tilespmem:s11+$0x8280] =	vst v1  }
0xc6: {  	s7 =	sadd.s32 $0x1, s7  }
0xc7: {  	p0 =	sne.s32 s7, s5  }
.Ltmp1:
0xc8: {  	_ = 	snop;
	(pc) =	sbr.rel @p0 .LBB2_1-.Ltmp1, $4  }
0xc9: {  	[hbm4b:s4+s2] =	stream.linear.scatter [tilespmem:s2], [sflag:$0x1], $0xC000, $0x38;
	[tilespmem:$0xC000] =	vst v63  }
0xca: {  	_ =	swait.ge [sflag:s6], $0xC000  }
0xcb: {  	[sflag:s6] =	ssyncset.done $0x0  }
0xcc: {  	[sflag:s6] =	ssyncadd.s32 $0xFFFF4000  }
0xcd: {  	_ =	sfence.sel $0x180000  }
0xce: {  	[bflag:$0x0] =	sbarrier.arrive $0xFFFF  }
0xcf: {  	p0 =	sne.s32 s0, $0x0;
	_ =	strace $0x9000004A  }
0xd0: {  	s0 =	sadd.s32 @!p0 $0x100000, s1;
	[bflag:$0x2] =	sbarrier.arrive $0xFFFF  }
0xd1: {  	[sflag:s0] =	ssyncadd.tile.s32 @!p0 $0x1;
	_ =	shalt  }
.Lfunc_end2:
_tile_overlayer_lowered:
.L_overlay_start_2:
0xd2: {  	(tag) =	ssettag $0x2  }
0xd3: {  	s0 =	rddreg [dreg:$0x0];
	s2 =	stileid.u32  }
0xd4: {  	s1 =	rddreg [dreg:$0x1];
	p0 =	sne.s32 s2, $0x0  }
0xd5: {  	s3 =	rddreg [dreg:$0x2];
	[bflag:$0x3] =	sbarrier.arrive $0xFFFF;
	s2 =	simm.s32 @!p0 $0x1C01  }
0xd6: {  	[timem:s3], [sflag:s2] =	dma.local @!p0 [hbm:s0], s1  }
0xd7: {  	s0 =	simm.s32 @!p0 $0x1  }
0xd8: {  	_ =	swait.ge @!p0 [sflag:s0], s1  }
0xd9: {  	s1 =	ssub.s32 @!p0 $0x0, s1;
	[sflag:s0] =	ssyncset.done @!p0 $0x0  }
0xda: {  	[sflag:s0] =	ssyncadd.s32 @!p0 s1  }
0xdb: {  	[bflag:$0x3] =	sbarrier.arrive $0xFFFF  }
0xdc: {  	_ =	shalt  }

</sc_bundles>
